<compile_context>
chip_gen: v7x
topology: tpu7x:2x2x1
jax: 0.10.2.dev20260603
libtpu: 0.0.44.dev20260713+nightly
codegen_flags: <defaults>
</compile_context>

<pallas_src>
import functools

import jax
import jax.numpy as jnp
from jax import lax
from jax.experimental import pallas as pl
from jax.experimental.pallas import tpu as pltpu
from jax.experimental.pallas import tpu_sc as plsc

NC = 2
NS = 16
NW = NC * NS
LANES = 16
CAP = 64
MCAP = 2048

_S1 = 6.2831855
_S3 = -41.341698
_S5 = 81.60503
_S7 = -76.70155
_S9 = 42.016167
_S11 = -14.868616
_S13 = 3.1996999
_INV_2PI = 0.15915494309189535


def _sin(x):
    u = x * _INV_2PI
    half = jnp.where(u >= 0.0, 0.5, -0.5)
    k = (u + half).astype(jnp.int32).astype(jnp.float32)
    r = u - k
    z = r * r
    p = jnp.float32(_S13)
    p = p * z + _S11
    p = p * z + _S9
    p = p * z + _S7
    p = p * z + _S5
    p = p * z + _S3
    p = p * z + _S1
    return r * p


def _full(val):
    return jnp.full((LANES,), val, jnp.int32)


def _make_kernel(N, V, D, DD):
    nq = (V + 127) // 128
    qpw = (nq + NW - 1) // NW
    mesh = plsc.VectorSubcoreMesh(core_axis_name="c", subcore_axis_name="s")

    @functools.partial(
        pl.kernel,
        out_type=jax.ShapeDtypeStruct((N, 128), jnp.float32),
        mesh=mesh,
        compiler_params=pltpu.CompilerParams(needs_layout_passes=False),
        scratch_types=[
            pltpu.VMEM((2, 1024), jnp.int32),
            pltpu.VMEM((2, 1024), jnp.float32),
            pltpu.VMEM((MCAP + LANES,), jnp.int32),
            pltpu.VMEM((MCAP + LANES,), jnp.float32),
            pltpu.VMEM((MCAP + LANES,), jnp.int32),
            pltpu.VMEM((qpw, CAP), jnp.int32),
            pltpu.VMEM((qpw + LANES,), jnp.int32),
            pltpu.VMEM((qpw + LANES,), jnp.int32),
            pltpu.VMEM((2, D, 128), jnp.float32),
            pltpu.VMEM((2, DD, 128), jnp.float32),
            pltpu.VMEM((2, DD, 128), jnp.float32),
            pltpu.VMEM((2, DD, 128), jnp.float32),
            pltpu.VMEM((2, 128, 128), jnp.float32),
            pltpu.VMEM((2, 128), jnp.int32),
            pltpu.SemaphoreType.DMA,
            pltpu.SemaphoreType.DMA,
            pltpu.SemaphoreType.DMA,
            pltpu.SemaphoreType.DMA,
            pltpu.SemaphoreType.DMA,
            pltpu.SemaphoreType.DMA,
        ],
    )
    def p1(idx_hbm, t_hbm, syn_hbm, dia_hbm, w_hbm, b_hbm, out_hbm,
           idx_r, t_r, myv, myt, myn, bkt, bcnt, hitl,
           syn_w, dia_w, w_w, b_w, oblk, nlist, s0, s1, s2, s3, s4, s5):
        wid = lax.axis_index("s") * NC + lax.axis_index("c")
        lo = wid * qpw
        hi = jnp.minimum(lo + qpw, nq)
        iota = lax.iota(jnp.int32, LANES)
        lane0 = iota == 0
        nchk = N // 1024

        def fire_ring(ch, par):
            sl = pl.ds(pl.multiple_of(ch * 1024, 1024), 1024)
            pltpu.async_copy(idx_hbm.at[sl], idx_r.at[par], s5)
            pltpu.async_copy(t_hbm.at[sl], t_r.at[par], s5)

        def drain_ring(par):
            pltpu.make_async_copy(idx_hbm.at[pl.ds(0, 1024)],
                                  idx_r.at[par], s5).wait()
            pltpu.make_async_copy(t_hbm.at[pl.ds(0, 1024)],
                                  t_r.at[par], s5).wait()

        fire_ring(0, 0)

        for blk in range(2):
            for kk in range(128 // LANES):
                nlist[blk, pl.ds(kk * LANES, LANES)] = _full(-1)

        def init_cnt(k, carry):
            bcnt[pl.ds(k * LANES, LANES)] = _full(0)
            return carry
        lax.fori_loop(0, qpw // LANES + 1, init_cnt, 0)

        def scan_chunk(ch, off):
            par = ch & 1
            drain_ring(par)
            fire_ring(jnp.minimum(ch + 1, nchk - 1), 1 - par)

            def scan(k, off, ch=ch, par=par):
                v = idx_r[par, pl.ds(k * LANES, LANES)]
                q = lax.shift_right_logical(v, 7)
                msk = (q >= lo) & (q < hi)
                plsc.store_compressed(myv.at[pl.ds(off, LANES)], v, mask=msk)
                plsc.store_compressed(
                    myt.at[pl.ds(off, LANES)],
                    t_r[par, pl.ds(k * LANES, LANES)], mask=msk)
                plsc.store_compressed(myn.at[pl.ds(off, LANES)],
                                      ch * 1024 + k * LANES + iota, mask=msk)
                pc = plsc.all_reduce_population_count(msk)[0]
                return jnp.minimum(off + pc, MCAP)
            return lax.fori_loop(0, 1024 // LANES, scan, off)
        cnt = lax.fori_loop(0, nchk, scan_chunk, 0)
        drain_ring(nchk & 1)

        def insert(li, nh):
            v = myv[pl.ds(li, LANES)][0]
            ql = lax.shift_right_logical(v, 7) - lo
            c = plsc.load_gather(bcnt, [_full(ql)])[0]
            cc = jnp.minimum(c, CAP - 1)
            plsc.store_scatter(bkt, [_full(ql), _full(cc)], _full(li),
                               mask=lane0)
            plsc.store_scatter(bcnt, [_full(ql)], _full(c + 1), mask=lane0)
            plsc.store_scatter(hitl, [_full(nh)], _full(ql),
                               mask=lane0 & (c == 0))
            return nh + jnp.where(c == 0, 1, 0)
        nhit = lax.fori_loop(0, cnt, insert, 0)

        def fire(qi, par):
            q0 = pl.multiple_of(qi * 128, 128)
            sl = pl.ds(q0, 128)
            pltpu.async_copy(syn_hbm.at[:, sl], syn_w.at[par], s0)
            pltpu.async_copy(dia_hbm.at[:, sl], dia_w.at[par], s1)
            pltpu.async_copy(w_hbm.at[:, sl], w_w.at[par], s2)
            pltpu.async_copy(b_hbm.at[:, sl], b_w.at[par], s3)

        def drain(par):
            pltpu.make_async_copy(syn_hbm.at[:, pl.ds(0, 128)],
                                  syn_w.at[par], s0).wait()
            pltpu.make_async_copy(dia_hbm.at[:, pl.ds(0, 128)],
                                  dia_w.at[par], s1).wait()
            pltpu.make_async_copy(w_hbm.at[:, pl.ds(0, 128)],
                                  w_w.at[par], s2).wait()
            pltpu.make_async_copy(b_hbm.at[:, pl.ds(0, 128)],
                                  b_w.at[par], s3).wait()

        def flush(blk):
            pltpu.async_copy(
                oblk.at[blk],
                out_hbm.at[plsc.Indices(nlist.at[blk], ignored_value=-1)],
                s4).wait()
            for kk in range(128 // LANES):
                nlist[blk, pl.ds(kk * LANES, LANES)] = _full(-1)

        @pl.when(nhit > 0)
        def _prologue():
            fire(lo + hitl[pl.ds(0, LANES)][0], 0)

        def window(k, oc):
            ql = hitl[pl.ds(k, LANES)][0]
            par = k & 1
            drain(par)
            knext = jnp.minimum(k + 1, nhit - 1)
            fire(lo + hitl[pl.ds(knext, LANES)][0], 1 - par)
            c = jnp.minimum(plsc.load_gather(bcnt, [_full(ql)])[0], CAP)

            def consume(j, oc, ql=ql, par=par):
                li = plsc.load_gather(bkt, [_full(ql), _full(j)])[0]
                n = myn[pl.ds(li, LANES)][0]
                v = myv[pl.ds(li, LANES)][0]
                m = _full(v & 127)
                t = jnp.full((LANES,), myt[pl.ds(li, LANES)][0], jnp.float32)
                blk = lax.shift_right_logical(oc, 7) & 1
                row = _full(oc & 127)
                for h in range(DD // LANES):
                    cols = iota + h * LANES
                    lo_v = plsc.load_gather(syn_w.at[par], [cols, m])
                    plsc.store_scatter(oblk.at[blk], [row, cols], lo_v)
                    su = plsc.load_gather(syn_w.at[par], [cols + DD, m])
                    dv = plsc.load_gather(dia_w.at[par], [cols, m])
                    wv = plsc.load_gather(w_w.at[par], [cols, m])
                    bv = plsc.load_gather(b_w.at[par], [cols, m])
                    hi_v = su + dv * _sin(wv * t + bv)
                    plsc.store_scatter(oblk.at[blk], [row, cols + DD], hi_v)
                plsc.store_scatter(nlist, [_full(blk), _full(oc & 127)],
                                  _full(n), mask=lane0)
                oc = oc + 1

                @pl.when((oc & 127) == 0)
                def _flush_full(blk=blk):
                    flush(blk)
                return oc

            return lax.fori_loop(0, c, consume, oc)

        oc = lax.fori_loop(0, nhit, window, 0)

        @pl.when(nhit > 0)
        def _post_drain():
            drain(nhit & 1)

        @pl.when((oc & 127) != 0)
        def _flush_partial():
            flush(lax.shift_right_logical(oc, 7) & 1)

    return p1


def kernel(indices, time_indices, syn_table, dia_table, w_table, b_table):
    N = indices.shape[0]
    V, D = syn_table.shape
    DD = dia_table.shape[1]
    idx = indices.astype(jnp.int32)
    t = time_indices.astype(jnp.float32)
    k = _make_kernel(N, V, D, DD)
    out = k(idx, t, syn_table.T, dia_table.T, w_table.T, b_table.T)
    return out[:, :D]

# --- scband reference (transcript-rebuilt; emitter-appended) ---
"""Pipeline reference for scband-node-embedding-16458314678748 (READ-ONLY COPY).

The authoritative reference and input builder live on the scoring server;
editing this copy changes nothing except your own understanding.
"""

import jax, jax.numpy as jnp
import numpy as np

V = 1000000   # len(args.entity_vocab)
D = 64        # node_dim
DD = 32       # diachronic_dim = int(node_dim * gamma), gamma=0.5
N = 16384     # num_nodes (batch of lookups)


def setup_inputs(seed: int = 0) -> dict:
    key = jax.random.key(seed)
    k1, k2, k3, k4, k5, k6 = jax.random.split(key, 6)
    indices = jax.random.randint(k1, (N,), 0, V, dtype=jnp.int64) if jax.config.jax_enable_x64 else jax.random.randint(k1, (N,), 0, V, dtype=jnp.int32)
    time_indices = jax.random.uniform(k2, (N,), dtype=jnp.float32)
    # Embedding tables (padding_idx=0 -> row 0 zeroed)
    syn_table = (jax.random.normal(k3, (V, D), dtype=jnp.float32) * 0.02).at[0].set(0.0)
    dia_table = (jax.random.normal(k4, (V, DD), dtype=jnp.float32) * 0.02).at[0].set(0.0)
    w_table = (jax.random.normal(k5, (V, DD), dtype=jnp.float32) * 0.02).at[0].set(0.0)
    b_table = (jax.random.normal(k6, (V, DD), dtype=jnp.float32) * 0.02).at[0].set(0.0)
    return {
        "indices": indices,
        "time_indices": time_indices,
        "syn_table": syn_table,
        "dia_table": dia_table,
        "w_table": w_table,
        "b_table": b_table,
    }


def reference(indices, time_indices, syn_table, dia_table, w_table, b_table):
    # node_embed = synchronic_embed(indices)
    node_embed = jnp.take(syn_table, indices, axis=0)
    # diachronic=True branch:
    # node_embed[:, DD:] += diachronic_embed(indices) * sin(w(indices) * t[:,None] + b(indices))
    dia = jnp.take(dia_table, indices, axis=0)
    w = jnp.take(w_table, indices, axis=0)
    b = jnp.take(b_table, indices, axis=0)
    delta = dia * jnp.sin(w * time_indices[:, None] + b)
    node_embed = node_embed.at[:, DD:].add(delta)
    return node_embed

if __name__ == "__main__":
    import jax
    _d = setup_inputs()
    print(jax.jit(kernel)(*tuple(_d.values())))

</pallas_src>

<mosaic_0001>
#map = affine_map<(d0, d1) -> (0)>
#map1 = affine_map<(d0, d1) -> (0, 0)>
module attributes {stable_mosaic.version = 14 : i64} {
  func.func @p1(%arg0: i32, %arg1: i32, %arg2: memref<16384xi32, #tpu.memory_space<hbm>>, %arg3: memref<16384xf32, #tpu.memory_space<hbm>>, %arg4: memref<64x1000000xf32, #tpu.memory_space<hbm>>, %arg5: memref<32x1000000xf32, #tpu.memory_space<hbm>>, %arg6: memref<32x1000000xf32, #tpu.memory_space<hbm>>, %arg7: memref<32x1000000xf32, #tpu.memory_space<hbm>>, %arg8: memref<16384x128xf32, #tpu.memory_space<hbm>>, %arg9: memref<2x1024xi32, #tpu.memory_space<vmem>>, %arg10: memref<2x1024xf32, #tpu.memory_space<vmem>>, %arg11: memref<2064xi32, #tpu.memory_space<vmem>>, %arg12: memref<2064xf32, #tpu.memory_space<vmem>>, %arg13: memref<2064xi32, #tpu.memory_space<vmem>>, %arg14: memref<245x64xi32, #tpu.memory_space<vmem>>, %arg15: memref<261xi32, #tpu.memory_space<vmem>>, %arg16: memref<261xi32, #tpu.memory_space<vmem>>, %arg17: memref<2x64x128xf32, #tpu.memory_space<vmem>>, %arg18: memref<2x32x128xf32, #tpu.memory_space<vmem>>, %arg19: memref<2x32x128xf32, #tpu.memory_space<vmem>>, %arg20: memref<2x32x128xf32, #tpu.memory_space<vmem>>, %arg21: memref<2x128x128xf32, #tpu.memory_space<vmem>>, %arg22: memref<2x128xi32, #tpu.memory_space<vmem>>, %arg23: memref<!tpu.dma_semaphore, #tpu.memory_space<semaphore_mem>>, %arg24: memref<!tpu.dma_semaphore, #tpu.memory_space<semaphore_mem>>, %arg25: memref<!tpu.dma_semaphore, #tpu.memory_space<semaphore_mem>>, %arg26: memref<!tpu.dma_semaphore, #tpu.memory_space<semaphore_mem>>, %arg27: memref<!tpu.dma_semaphore, #tpu.memory_space<semaphore_mem>>, %arg28: memref<!tpu.dma_semaphore, #tpu.memory_space<semaphore_mem>>) attributes {dimension_semantics = [#tpu.dimension_semantics<core_parallel>, #tpu.dimension_semantics<subcore_parallel>], iteration_bounds = array<i64: 2, 16>, scalar_prefetch = 0 : i64, scratch_operands = 20 : i64, tpu.core_type = #tpu.core_type<sc_vector_subcore>, window_params = [{transform_indices = #map}, {transform_indices = #map}, {transform_indices = #map1}, {transform_indices = #map1}, {transform_indices = #map1}, {transform_indices = #map1}, {transform_indices = #map1}]} {
    %mul3A = arith.constant 2 : i32
    %mul3A_0 = arith.muli %arg1, %mul3A : i32
    %add3A = arith.addi %mul3A_0, %arg0 : i32
    %mul3A_1 = arith.constant 245 : i32
    %mul3A_2 = arith.muli %add3A, %mul3A_1 : i32
    %add3A_3 = arith.constant 245 : i32
    %add3A_4 = arith.addi %mul3A_2, %add3A_3 : i32
    %min3A = arith.constant 7813 : i32
    %min3A_5 = arith.minsi %add3A_4, %min3A : i32
    %iota3A = tpu.iota {dimensions = array<i32: 0>} : vector<16xi32>
    %eq3A = arith.constant 0 : i32
    %eq3A_6 = vector.broadcast %eq3A : i32 to vector<16xi32>
    %eq3A_7 = arith.cmpi eq, %iota3A, %eq3A_6 : vector<16xi32>
    %multiple_of3A = arith.constant 0 : i32
    %multiple_of3A_8 = tpu.assume_multiple %multiple_of3A, 1024 : i32
    %dma_start3A = arith.constant 0 : i32
    %dma_start3A_9 = arith.constant 0 : i32
    %dma_start3A_10 = tpu.memref_slice %arg9[%dma_start3A, %dma_start3A_9] : memref<2x1024xi32, #tpu.memory_space<vmem>> -> memref<1x1024xi32, #tpu.memory_space<vmem>>
    %dma_start3A_11 = tpu.memref_squeeze %dma_start3A_10 : memref<1x1024xi32, #tpu.memory_space<vmem>> -> memref<1024xi32, #tpu.memory_space<vmem>>
    %dma_start3A_12 = tpu.memref_slice %arg2[%multiple_of3A_8] : memref<16384xi32, #tpu.memory_space<hbm>> -> memref<1024xi32, #tpu.memory_space<hbm>>
    %dma_start3A_13 = arith.constant 0 : i32
    %dma_start3A_14 = tpu.memref_slice %arg9[%dma_start3A, %dma_start3A_13] : memref<2x1024xi32, #tpu.memory_space<vmem>> -> memref<1x1024xi32, #tpu.memory_space<vmem>>
    %dma_start3A_15 = tpu.memref_squeeze %dma_start3A_14 : memref<1x1024xi32, #tpu.memory_space<vmem>> -> memref<1024xi32, #tpu.memory_space<vmem>>
    %dma_start3A_16 = tpu.memref_slice %arg2[%multiple_of3A_8] : memref<16384xi32, #tpu.memory_space<hbm>> -> memref<1024xi32, #tpu.memory_space<hbm>>
    tpu.enqueue_dma source(%dma_start3A_16 : memref<1024xi32, #tpu.memory_space<hbm>>) target(%dma_start3A_15 : memref<1024xi32, #tpu.memory_space<vmem>>) target_semaphore(%arg28 : memref<!tpu.dma_semaphore, #tpu.memory_space<semaphore_mem>>)
    %dma_start3A_17 = arith.constant 0 : i32
    %dma_start3A_18 = arith.constant 0 : i32
    %dma_start3A_19 = tpu.memref_slice %arg10[%dma_start3A_17, %dma_start3A_18] : memref<2x1024xf32, #tpu.memory_space<vmem>> -> memref<1x1024xf32, #tpu.memory_space<vmem>>
    %dma_start3A_20 = tpu.memref_squeeze %dma_start3A_19 : memref<1x1024xf32, #tpu.memory_space<vmem>> -> memref<1024xf32, #tpu.memory_space<vmem>>
    %dma_start3A_21 = tpu.memref_slice %arg3[%multiple_of3A_8] : memref<16384xf32, #tpu.memory_space<hbm>> -> memref<1024xf32, #tpu.memory_space<hbm>>
    %dma_start3A_22 = arith.constant 0 : i32
    %dma_start3A_23 = tpu.memref_slice %arg10[%dma_start3A_17, %dma_start3A_22] : memref<2x1024xf32, #tpu.memory_space<vmem>> -> memref<1x1024xf32, #tpu.memory_space<vmem>>
    %dma_start3A_24 = tpu.memref_squeeze %dma_start3A_23 : memref<1x1024xf32, #tpu.memory_space<vmem>> -> memref<1024xf32, #tpu.memory_space<vmem>>
    %dma_start3A_25 = tpu.memref_slice %arg3[%multiple_of3A_8] : memref<16384xf32, #tpu.memory_space<hbm>> -> memref<1024xf32, #tpu.memory_space<hbm>>
    tpu.enqueue_dma source(%dma_start3A_25 : memref<1024xf32, #tpu.memory_space<hbm>>) target(%dma_start3A_24 : memref<1024xf32, #tpu.memory_space<vmem>>) target_semaphore(%arg28 : memref<!tpu.dma_semaphore, #tpu.memory_space<semaphore_mem>>)
    %broadcast_in_dim3A = arith.constant -1 : i32
    %broadcast_in_dim3A_26 = vector.broadcast %broadcast_in_dim3A : i32 to vector<16xi32>
    %swap3A = arith.constant 0 : i32
    %swap3A_27 = arith.index_cast %swap3A : i32 to index
    %swap3A_28 = arith.constant 0 : index
    %swap3A_29 = tpu.vector_load %arg22[%swap3A_27, %swap3A_28] {strides = array<i32>} : memref<2x128xi32, #tpu.memory_space<vmem>>, vector<16xi32>,
    tpu.vector_store %arg22[%swap3A_27, %swap3A_28], %broadcast_in_dim3A_26 {strides = array<i32>} : memref<2x128xi32, #tpu.memory_space<vmem>>, vector<16xi32>,
    %broadcast_in_dim3A_30 = arith.constant -1 : i32
    %broadcast_in_dim3A_31 = vector.broadcast %broadcast_in_dim3A_30 : i32 to vector<16xi32>
    %swap3A_32 = arith.constant 0 : i32
    %swap3A_33 = arith.index_cast %swap3A_32 : i32 to index
    %swap3A_34 = arith.constant 16 : index
    %swap3A_35 = tpu.vector_load %arg22[%swap3A_33, %swap3A_34] {strides = array<i32>} : memref<2x128xi32, #tpu.memory_space<vmem>>, vector<16xi32>,
    tpu.vector_store %arg22[%swap3A_33, %swap3A_34], %broadcast_in_dim3A_31 {strides = array<i32>} : memref<2x128xi32, #tpu.memory_space<vmem>>, vector<16xi32>,
    %broadcast_in_dim3A_36 = arith.constant -1 : i32
    %broadcast_in_dim3A_37 = vector.broadcast %broadcast_in_dim3A_36 : i32 to vector<16xi32>
    %swap3A_38 = arith.constant 0 : i32
    %swap3A_39 = arith.index_cast %swap3A_38 : i32 to index
    %swap3A_40 = arith.constant 32 : index
    %swap3A_41 = tpu.vector_load %arg22[%swap3A_39, %swap3A_40] {strides = array<i32>} : memref<2x128xi32, #tpu.memory_space<vmem>>, vector<16xi32>,
    tpu.vector_store %arg22[%swap3A_39, %swap3A_40], %broadcast_in_dim3A_37 {strides = array<i32>} : memref<2x128xi32, #tpu.memory_space<vmem>>, vector<16xi32>,
    %broadcast_in_dim3A_42 = arith.constant -1 : i32
    %broadcast_in_dim3A_43 = vector.broadcast %broadcast_in_dim3A_42 : i32 to vector<16xi32>
    %swap3A_44 = arith.constant 0 : i32
    %swap3A_45 = arith.index_cast %swap3A_44 : i32 to index
    %swap3A_46 = arith.constant 48 : index
    %swap3A_47 = tpu.vector_load %arg22[%swap3A_45, %swap3A_46] {strides = array<i32>} : memref<2x128xi32, #tpu.memory_space<vmem>>, vector<16xi32>,
    tpu.vector_store %arg22[%swap3A_45, %swap3A_46], %broadcast_in_dim3A_43 {strides = array<i32>} : memref<2x128xi32, #tpu.memory_space<vmem>>, vector<16xi32>,
    %broadcast_in_dim3A_48 = arith.constant -1 : i32
    %broadcast_in_dim3A_49 = vector.broadcast %broadcast_in_dim3A_48 : i32 to vector<16xi32>
    %swap3A_50 = arith.constant 0 : i32
    %swap3A_51 = arith.index_cast %swap3A_50 : i32 to index
    %swap3A_52 = arith.constant 64 : index
    %swap3A_53 = tpu.vector_load %arg22[%swap3A_51, %swap3A_52] {strides = array<i32>} : memref<2x128xi32, #tpu.memory_space<vmem>>, vector<16xi32>,
    tpu.vector_store %arg22[%swap3A_51, %swap3A_52], %broadcast_in_dim3A_49 {strides = array<i32>} : memref<2x128xi32, #tpu.memory_space<vmem>>, vector<16xi32>,
    %broadcast_in_dim3A_54 = arith.constant -1 : i32
    %broadcast_in_dim3A_55 = vector.broadcast %broadcast_in_dim3A_54 : i32 to vector<16xi32>
    %swap3A_56 = arith.constant 0 : i32
    %swap3A_57 = arith.index_cast %swap3A_56 : i32 to index
    %swap3A_58 = arith.constant 80 : index
    %swap3A_59 = tpu.vector_load %arg22[%swap3A_57, %swap3A_58] {strides = array<i32>} : memref<2x128xi32, #tpu.memory_space<vmem>>, vector<16xi32>,
    tpu.vector_store %arg22[%swap3A_57, %swap3A_58], %broadcast_in_dim3A_55 {strides = array<i32>} : memref<2x128xi32, #tpu.memory_space<vmem>>, vector<16xi32>,
    %broadcast_in_dim3A_60 = arith.constant -1 : i32
    %broadcast_in_dim3A_61 = vector.broadcast %broadcast_in_dim3A_60 : i32 to vector<16xi32>
    %swap3A_62 = arith.constant 0 : i32
    %swap3A_63 = arith.index_cast %swap3A_62 : i32 to index
    %swap3A_64 = arith.constant 96 : index
    %swap3A_65 = tpu.vector_load %arg22[%swap3A_63, %swap3A_64] {strides = array<i32>} : memref<2x128xi32, #tpu.memory_space<vmem>>, vector<16xi32>,
    tpu.vector_store %arg22[%swap3A_63, %swap3A_64], %broadcast_in_dim3A_61 {strides = array<i32>} : memref<2x128xi32, #tpu.memory_space<vmem>>, vector<16xi32>,
    %broadcast_in_dim3A_66 = arith.constant -1 : i32
    %broadcast_in_dim3A_67 = vector.broadcast %broadcast_in_dim3A_66 : i32 to vector<16xi32>
    %swap3A_68 = arith.constant 0 : i32
    %swap3A_69 = arith.index_cast %swap3A_68 : i32 to index
    %swap3A_70 = arith.constant 112 : index
    %swap3A_71 = tpu.vector_load %arg22[%swap3A_69, %swap3A_70] {strides = array<i32>} : memref<2x128xi32, #tpu.memory_space<vmem>>, vector<16xi32>,
    tpu.vector_store %arg22[%swap3A_69, %swap3A_70], %broadcast_in_dim3A_67 {strides = array<i32>} : memref<2x128xi32, #tpu.memory_space<vmem>>, vector<16xi32>,
    %broadcast_in_dim3A_72 = arith.constant -1 : i32
    %broadcast_in_dim3A_73 = vector.broadcast %broadcast_in_dim3A_72 : i32 to vector<16xi32>
    %swap3A_74 = arith.constant 1 : i32
    %swap3A_75 = arith.index_cast %swap3A_74 : i32 to index
    %swap3A_76 = arith.constant 0 : index
    %swap3A_77 = tpu.vector_load %arg22[%swap3A_75, %swap3A_76] {strides = array<i32>} : memref<2x128xi32, #tpu.memory_space<vmem>>, vector<16xi32>,
    tpu.vector_store %arg22[%swap3A_75, %swap3A_76], %broadcast_in_dim3A_73 {strides = array<i32>} : memref<2x128xi32, #tpu.memory_space<vmem>>, vector<16xi32>,
    %broadcast_in_dim3A_78 = arith.constant -1 : i32
    %broadcast_in_dim3A_79 = vector.broadcast %broadcast_in_dim3A_78 : i32 to vector<16xi32>
    %swap3A_80 = arith.constant 1 : i32
    %swap3A_81 = arith.index_cast %swap3A_80 : i32 to index
    %swap3A_82 = arith.constant 16 : index
    %swap3A_83 = tpu.vector_load %arg22[%swap3A_81, %swap3A_82] {strides = array<i32>} : memref<2x128xi32, #tpu.memory_space<vmem>>, vector<16xi32>,
    tpu.vector_store %arg22[%swap3A_81, %swap3A_82], %broadcast_in_dim3A_79 {strides = array<i32>} : memref<2x128xi32, #tpu.memory_space<vmem>>, vector<16xi32>,
    %broadcast_in_dim3A_84 = arith.constant -1 : i32
    %broadcast_in_dim3A_85 = vector.broadcast %broadcast_in_dim3A_84 : i32 to vector<16xi32>
    %swap3A_86 = arith.constant 1 : i32
    %swap3A_87 = arith.index_cast %swap3A_86 : i32 to index
    %swap3A_88 = arith.constant 32 : index
    %swap3A_89 = tpu.vector_load %arg22[%swap3A_87, %swap3A_88] {strides = array<i32>} : memref<2x128xi32, #tpu.memory_space<vmem>>, vector<16xi32>,
    tpu.vector_store %arg22[%swap3A_87, %swap3A_88], %broadcast_in_dim3A_85 {strides = array<i32>} : memref<2x128xi32, #tpu.memory_space<vmem>>, vector<16xi32>,
    %broadcast_in_dim3A_90 = arith.constant -1 : i32
    %broadcast_in_dim3A_91 = vector.broadcast %broadcast_in_dim3A_90 : i32 to vector<16xi32>
    %swap3A_92 = arith.constant 1 : i32
    %swap3A_93 = arith.index_cast %swap3A_92 : i32 to index
    %swap3A_94 = arith.constant 48 : index
    %swap3A_95 = tpu.vector_load %arg22[%swap3A_93, %swap3A_94] {strides = array<i32>} : memref<2x128xi32, #tpu.memory_space<vmem>>, vector<16xi32>,
    tpu.vector_store %arg22[%swap3A_93, %swap3A_94], %broadcast_in_dim3A_91 {strides = array<i32>} : memref<2x128xi32, #tpu.memory_space<vmem>>, vector<16xi32>,
    %broadcast_in_dim3A_96 = arith.constant -1 : i32
    %broadcast_in_dim3A_97 = vector.broadcast %broadcast_in_dim3A_96 : i32 to vector<16xi32>
    %swap3A_98 = arith.constant 1 : i32
    %swap3A_99 = arith.index_cast %swap3A_98 : i32 to index
    %swap3A_100 = arith.constant 64 : index
    %swap3A_101 = tpu.vector_load %arg22[%swap3A_99, %swap3A_100] {strides = array<i32>} : memref<2x128xi32, #tpu.memory_space<vmem>>, vector<16xi32>,
    tpu.vector_store %arg22[%swap3A_99, %swap3A_100], %broadcast_in_dim3A_97 {strides = array<i32>} : memref<2x128xi32, #tpu.memory_space<vmem>>, vector<16xi32>,
    %broadcast_in_dim3A_102 = arith.constant -1 : i32
    %broadcast_in_dim3A_103 = vector.broadcast %broadcast_in_dim3A_102 : i32 to vector<16xi32>
    %swap3A_104 = arith.constant 1 : i32
    %swap3A_105 = arith.index_cast %swap3A_104 : i32 to index
    %swap3A_106 = arith.constant 80 : index
    %swap3A_107 = tpu.vector_load %arg22[%swap3A_105, %swap3A_106] {strides = array<i32>} : memref<2x128xi32, #tpu.memory_space<vmem>>, vector<16xi32>,
    tpu.vector_store %arg22[%swap3A_105, %swap3A_106], %broadcast_in_dim3A_103 {strides = array<i32>} : memref<2x128xi32, #tpu.memory_space<vmem>>, vector<16xi32>,
    %broadcast_in_dim3A_108 = arith.constant -1 : i32
    %broadcast_in_dim3A_109 = vector.broadcast %broadcast_in_dim3A_108 : i32 to vector<16xi32>
    %swap3A_110 = arith.constant 1 : i32
    %swap3A_111 = arith.index_cast %swap3A_110 : i32 to index
    %swap3A_112 = arith.constant 96 : index
    %swap3A_113 = tpu.vector_load %arg22[%swap3A_111, %swap3A_112] {strides = array<i32>} : memref<2x128xi32, #tpu.memory_space<vmem>>, vector<16xi32>,
    tpu.vector_store %arg22[%swap3A_111, %swap3A_112], %broadcast_in_dim3A_109 {strides = array<i32>} : memref<2x128xi32, #tpu.memory_space<vmem>>, vector<16xi32>,
    %broadcast_in_dim3A_114 = arith.constant -1 : i32
    %broadcast_in_dim3A_115 = vector.broadcast %broadcast_in_dim3A_114 : i32 to vector<16xi32>
    %swap3A_116 = arith.constant 1 : i32
    %swap3A_117 = arith.index_cast %swap3A_116 : i32 to index
    %swap3A_118 = arith.constant 112 : index
    %swap3A_119 = tpu.vector_load %arg22[%swap3A_117, %swap3A_118] {strides = array<i32>} : memref<2x128xi32, #tpu.memory_space<vmem>>, vector<16xi32>,
    tpu.vector_store %arg22[%swap3A_117, %swap3A_118], %broadcast_in_dim3A_115 {strides = array<i32>} : memref<2x128xi32, #tpu.memory_space<vmem>>, vector<16xi32>,
    %scan3A = arith.constant 0 : i32
    %scan3A_120 = arith.constant 0 : i32
    %scan3A_121 = arith.constant 16 : i32
    %scan3A_122 = arith.addi %scan3A_120, %scan3A_121 : i32
    %scan3A_123 = arith.constant 1 : i32
    scf.for %scan3A_188 = %scan3A_120 to %scan3A_122 step %scan3A_123  : i32 {
      %broadcast_in_dim3A_189 = arith.constant 0 : i32
      %broadcast_in_dim3A_190 = vector.broadcast %broadcast_in_dim3A_189 : i32 to vector<16xi32>
      %mul3A_191 = arith.constant 16 : i32
      %mul3A_192 = arith.muli %scan3A_188, %mul3A_191 : i32
      %swap3A_193 = arith.index_cast %mul3A_192 : i32 to index
      %swap3A_194 = tpu.vector_load %arg15[%swap3A_193] {strides = array<i32>} : memref<261xi32, #tpu.memory_space<vmem>>, vector<16xi32>,
      tpu.vector_store %arg15[%swap3A_193], %broadcast_in_dim3A_190 {strides = array<i32>} : memref<261xi32, #tpu.memory_space<vmem>>, vector<16xi32>,
    }
    %scan3A_124 = arith.constant 16 : i32
    %scan3A_125 = arith.constant 0 : i32
    %scan3A_126 = arith.constant 0 : i32
    %scan3A_127 = arith.constant 16 : i32
    %scan3A_128 = arith.addi %scan3A_126, %scan3A_127 : i32
    %scan3A_129 = arith.constant 1 : i32
    %scan3A_130 = scf.for %scan3A_188 = %scan3A_126 to %scan3A_128 step %scan3A_129 iter_args(%scan3A_189 = %scan3A_125) -> (i32)  : i32 {
      %and3A_190 = arith.constant 1 : i32
      %and3A_191 = arith.andi %scan3A_188, %and3A_190 : i32
      %dma_wait3A_192 = arith.constant 0 : i32
      %dma_wait3A_193 = tpu.memref_slice %arg9[%and3A_191, %dma_wait3A_192] : memref<2x1024xi32, #tpu.memory_space<vmem>> -> memref<1x1024xi32, #tpu.memory_space<vmem>>
      %dma_wait3A_194 = tpu.memref_squeeze %dma_wait3A_193 : memref<1x1024xi32, #tpu.memory_space<vmem>> -> memref<1024xi32, #tpu.memory_space<vmem>>
      %dma_wait3A_195 = arith.constant 0 : i32
      %dma_wait3A_196 = tpu.memref_slice %arg2[%dma_wait3A_195] : memref<16384xi32, #tpu.memory_space<hbm>> -> memref<1024xi32, #tpu.memory_space<hbm>>
      %dma_wait3A_197 = arith.constant 0 : i32
      %dma_wait3A_198 = tpu.memref_slice %arg9[%and3A_191, %dma_wait3A_197] : memref<2x1024xi32, #tpu.memory_space<vmem>> -> memref<1x1024xi32, #tpu.memory_space<vmem>>
      %dma_wait3A_199 = tpu.memref_squeeze %dma_wait3A_198 : memref<1x1024xi32, #tpu.memory_space<vmem>> -> memref<1024xi32, #tpu.memory_space<vmem>>
      %dma_wait3A_200 = arith.constant 0 : i32
      %dma_wait3A_201 = tpu.memref_slice %arg2[%dma_wait3A_200] : memref<16384xi32, #tpu.memory_space<hbm>> -> memref<1024xi32, #tpu.memory_space<hbm>>
      tpu.wait_dma2 semaphore(%arg28 : memref<!tpu.dma_semaphore, #tpu.memory_space<semaphore_mem>>) src(%dma_wait3A_201 : memref<1024xi32, #tpu.memory_space<hbm>>) dst(%dma_wait3A_199 : memref<1024xi32, #tpu.memory_space<vmem>>)
      %dma_wait3A_202 = arith.constant 0 : i32
      %dma_wait3A_203 = tpu.memref_slice %arg10[%and3A_191, %dma_wait3A_202] : memref<2x1024xf32, #tpu.memory_space<vmem>> -> memref<1x1024xf32, #tpu.memory_space<vmem>>
      %dma_wait3A_204 = tpu.memref_squeeze %dma_wait3A_203 : memref<1x1024xf32, #tpu.memory_space<vmem>> -> memref<1024xf32, #tpu.memory_space<vmem>>
      %dma_wait3A_205 = arith.constant 0 : i32
      %dma_wait3A_206 = tpu.memref_slice %arg3[%dma_wait3A_205] : memref<16384xf32, #tpu.memory_space<hbm>> -> memref<1024xf32, #tpu.memory_space<hbm>>
      %dma_wait3A_207 = arith.constant 0 : i32
      %dma_wait3A_208 = tpu.memref_slice %arg10[%and3A_191, %dma_wait3A_207] : memref<2x1024xf32, #tpu.memory_space<vmem>> -> memref<1x1024xf32, #tpu.memory_space<vmem>>
      %dma_wait3A_209 = tpu.memref_squeeze %dma_wait3A_208 : memref<1x1024xf32, #tpu.memory_space<vmem>> -> memref<1024xf32, #tpu.memory_space<vmem>>
      %dma_wait3A_210 = arith.constant 0 : i32
      %dma_wait3A_211 = tpu.memref_slice %arg3[%dma_wait3A_210] : memref<16384xf32, #tpu.memory_space<hbm>> -> memref<1024xf32, #tpu.memory_space<hbm>>
      tpu.wait_dma2 semaphore(%arg28 : memref<!tpu.dma_semaphore, #tpu.memory_space<semaphore_mem>>) src(%dma_wait3A_211 : memref<1024xf32, #tpu.memory_space<hbm>>) dst(%dma_wait3A_209 : memref<1024xf32, #tpu.memory_space<vmem>>)
      %add3A_212 = arith.constant 1 : i32
      %add3A_213 = arith.addi %scan3A_188, %add3A_212 : i32
      %min3A_214 = arith.constant 15 : i32
      %min3A_215 = arith.minsi %add3A_213, %min3A_214 : i32
      %sub3A = arith.constant 1 : i32
      %sub3A_216 = arith.subi %sub3A, %and3A_191 : i32
      %mul3A_217 = arith.constant 1024 : i32
      %mul3A_218 = arith.muli %min3A_215, %mul3A_217 : i32
      %multiple_of3A_219 = tpu.assume_multiple %mul3A_218, 1024 : i32
      %dma_start3A_220 = arith.constant 0 : i32
      %dma_start3A_221 = tpu.memref_slice %arg9[%sub3A_216, %dma_start3A_220] : memref<2x1024xi32, #tpu.memory_space<vmem>> -> memref<1x1024xi32, #tpu.memory_space<vmem>>
      %dma_start3A_222 = tpu.memref_squeeze %dma_start3A_221 : memref<1x1024xi32, #tpu.memory_space<vmem>> -> memref<1024xi32, #tpu.memory_space<vmem>>
      %dma_start3A_223 = tpu.memref_slice %arg2[%multiple_of3A_219] : memref<16384xi32, #tpu.memory_space<hbm>> -> memref<1024xi32, #tpu.memory_space<hbm>>
      %dma_start3A_224 = arith.constant 0 : i32
      %dma_start3A_225 = tpu.memref_slice %arg9[%sub3A_216, %dma_start3A_224] : memref<2x1024xi32, #tpu.memory_space<vmem>> -> memref<1x1024xi32, #tpu.memory_space<vmem>>
      %dma_start3A_226 = tpu.memref_squeeze %dma_start3A_225 : memref<1x1024xi32, #tpu.memory_space<vmem>> -> memref<1024xi32, #tpu.memory_space<vmem>>
      %dma_start3A_227 = tpu.memref_slice %arg2[%multiple_of3A_219] : memref<16384xi32, #tpu.memory_space<hbm>> -> memref<1024xi32, #tpu.memory_space<hbm>>
      tpu.enqueue_dma source(%dma_start3A_227 : memref<1024xi32, #tpu.memory_space<hbm>>) target(%dma_start3A_226 : memref<1024xi32, #tpu.memory_space<vmem>>) target_semaphore(%arg28 : memref<!tpu.dma_semaphore, #tpu.memory_space<semaphore_mem>>)
      %dma_start3A_228 = arith.constant 0 : i32
      %dma_start3A_229 = tpu.memref_slice %arg10[%sub3A_216, %dma_start3A_228] : memref<2x1024xf32, #tpu.memory_space<vmem>> -> memref<1x1024xf32, #tpu.memory_space<vmem>>
      %dma_start3A_230 = tpu.memref_squeeze %dma_start3A_229 : memref<1x1024xf32, #tpu.memory_space<vmem>> -> memref<1024xf32, #tpu.memory_space<vmem>>
      %dma_start3A_231 = tpu.memref_slice %arg3[%multiple_of3A_219] : memref<16384xf32, #tpu.memory_space<hbm>> -> memref<1024xf32, #tpu.memory_space<hbm>>
      %dma_start3A_232 = arith.constant 0 : i32
      %dma_start3A_233 = tpu.memref_slice %arg10[%sub3A_216, %dma_start3A_232] : memref<2x1024xf32, #tpu.memory_space<vmem>> -> memref<1x1024xf32, #tpu.memory_space<vmem>>
      %dma_start3A_234 = tpu.memref_squeeze %dma_start3A_233 : memref<1x1024xf32, #tpu.memory_space<vmem>> -> memref<1024xf32, #tpu.memory_space<vmem>>
      %dma_start3A_235 = tpu.memref_slice %arg3[%multiple_of3A_219] : memref<16384xf32, #tpu.memory_space<hbm>> -> memref<1024xf32, #tpu.memory_space<hbm>>
      tpu.enqueue_dma source(%dma_start3A_235 : memref<1024xf32, #tpu.memory_space<hbm>>) target(%dma_start3A_234 : memref<1024xf32, #tpu.memory_space<vmem>>) target_semaphore(%arg28 : memref<!tpu.dma_semaphore, #tpu.memory_space<semaphore_mem>>)
      %scan3A_236 = arith.constant 0 : i32
      %scan3A_237 = arith.constant 64 : i32
      %scan3A_238 = arith.addi %scan3A_236, %scan3A_237 : i32
      %scan3A_239 = arith.constant 1 : i32
      %scan3A_240 = scf.for %scan3A_242 = %scan3A_236 to %scan3A_238 step %scan3A_239 iter_args(%scan3A_243 = %scan3A_189) -> (i32)  : i32 {
        %mul3A_244 = arith.constant 16 : i32
        %mul3A_245 = arith.muli %scan3A_242, %mul3A_244 : i32
        %get3A = arith.index_cast %and3A_191 : i32 to index
        %get3A_246 = arith.index_cast %mul3A_245 : i32 to index
        %get3A_247 = tpu.vector_load %arg9[%get3A, %get3A_246] {strides = array<i32>} : memref<2x1024xi32, #tpu.memory_space<vmem>>, vector<16xi32>,
        %shift_right_logical3A = arith.constant 7 : i32
        %shift_right_logical3A_248 = vector.broadcast %shift_right_logical3A : i32 to vector<16xi32>
        %shift_right_logical3A_249 = arith.shrui %get3A_247, %shift_right_logical3A_248 : vector<16xi32>
        %ge3A = vector.broadcast %mul3A_2 : i32 to vector<16xi32>
        %ge3A_250 = arith.cmpi sge, %shift_right_logical3A_249, %ge3A : vector<16xi32>
        %lt3A = vector.broadcast %min3A_5 : i32 to vector<16xi32>
        %lt3A_251 = arith.cmpi slt, %shift_right_logical3A_249, %lt3A : vector<16xi32>
        %and3A_252 = arith.andi %ge3A_250, %lt3A_251 : vector<16xi1>
        %swap3A_253 = arith.index_cast %scan3A_243 : i32 to index
        %swap3A_254 = tpu.vector_load %arg11[%swap3A_253] masked %and3A_252 {strides = array<i32>} : memref<2064xi32, #tpu.memory_space<vmem>>, vector<16xi32>, vector<16xi1>
        tpu.vector_store %arg11[%swap3A_253], %get3A_247 masked %and3A_252 {strides = array<i32>} : memref<2064xi32, #tpu.memory_space<vmem>>, vector<16xi32>, vector<16xi1>
        %mul3A_255 = arith.constant 16 : i32
        %mul3A_256 = arith.muli %scan3A_242, %mul3A_255 : i32
        %get3A_257 = arith.index_cast %and3A_191 : i32 to index
        %get3A_258 = arith.index_cast %mul3A_256 : i32 to index
        %get3A_259 = tpu.vector_load %arg10[%get3A_257, %get3A_258] {strides = array<i32>} : memref<2x1024xf32, #tpu.memory_space<vmem>>, vector<16xf32>,
        %swap3A_260 = arith.index_cast %scan3A_243 : i32 to index
        %swap3A_261 = tpu.vector_load %arg12[%swap3A_260] masked %and3A_252 {strides = array<i32>} : memref<2064xf32, #tpu.memory_space<vmem>>, vector<16xf32>, vector<16xi1>
        tpu.vector_store %arg12[%swap3A_260], %get3A_259 masked %and3A_252 {strides = array<i32>} : memref<2064xf32, #tpu.memory_space<vmem>>, vector<16xf32>, vector<16xi1>
        %mul3A_262 = arith.constant 1024 : i32
        %mul3A_263 = arith.muli %scan3A_188, %mul3A_262 : i32
        %mul3A_264 = arith.constant 16 : i32
        %mul3A_265 = arith.muli %scan3A_242, %mul3A_264 : i32
        %add3A_266 = arith.addi %mul3A_263, %mul3A_265 : i32
        %add3A_267 = vector.broadcast %add3A_266 : i32 to vector<16xi32>
        %add3A_268 = arith.addi %add3A_267, %iota3A : vector<16xi32>
        %swap3A_269 = arith.index_cast %scan3A_243 : i32 to index
        %swap3A_270 = tpu.vector_load %arg13[%swap3A_269] masked %and3A_252 {strides = array<i32>} : memref<2064xi32, #tpu.memory_space<vmem>>, vector<16xi32>, vector<16xi1>
        tpu.vector_store %arg13[%swap3A_269], %add3A_268 masked %and3A_252 {strides = array<i32>} : memref<2064xi32, #tpu.memory_space<vmem>>, vector<16xi32>, vector<16xi1>
        %all_reduce_population_count3A = tpu.all_reduce %and3A_252 {dim = 0 : i64, kind = #tpu.reduction_kind<sum>} : vector<16xi1> -> vector<16xi32>
        %slice3A = vector.extract_strided_slice %all_reduce_population_count3A {offsets = [0], sizes = [1], strides = [1]} : vector<16xi32> to vector<1xi32>
        %squeeze3A = vector.extract %slice3A[0] : i32 from vector<1xi32>
        %add3A_271 = arith.addi %scan3A_243, %squeeze3A : i32
        %min3A_272 = arith.constant 2048 : i32
        %min3A_273 = arith.minsi %add3A_271, %min3A_272 : i32
        scf.yield %min3A_273 : i32
      }
      %scan3A_241 = arith.constant 64 : i32
      scf.yield %scan3A_240 : i32
    }
    %scan3A_131 = arith.constant 16 : i32
    %dma_wait3A = arith.constant 0 : i32
    %dma_wait3A_132 = arith.constant 0 : i32
    %dma_wait3A_133 = tpu.memref_slice %arg9[%dma_wait3A, %dma_wait3A_132] : memref<2x1024xi32, #tpu.memory_space<vmem>> -> memref<1x1024xi32, #tpu.memory_space<vmem>>
    %dma_wait3A_134 = tpu.memref_squeeze %dma_wait3A_133 : memref<1x1024xi32, #tpu.memory_space<vmem>> -> memref<1024xi32, #tpu.memory_space<vmem>>
    %dma_wait3A_135 = arith.constant 0 : i32
    %dma_wait3A_136 = tpu.memref_slice %arg2[%dma_wait3A_135] : memref<16384xi32, #tpu.memory_space<hbm>> -> memref<1024xi32, #tpu.memory_space<hbm>>
    %dma_wait3A_137 = arith.constant 0 : i32
    %dma_wait3A_138 = tpu.memref_slice %arg9[%dma_wait3A, %dma_wait3A_137] : memref<2x1024xi32, #tpu.memory_space<vmem>> -> memref<1x1024xi32, #tpu.memory_space<vmem>>
    %dma_wait3A_139 = tpu.memref_squeeze %dma_wait3A_138 : memref<1x1024xi32, #tpu.memory_space<vmem>> -> memref<1024xi32, #tpu.memory_space<vmem>>
    %dma_wait3A_140 = arith.constant 0 : i32
    %dma_wait3A_141 = tpu.memref_slice %arg2[%dma_wait3A_140] : memref<16384xi32, #tpu.memory_space<hbm>> -> memref<1024xi32, #tpu.memory_space<hbm>>
    tpu.wait_dma2 semaphore(%arg28 : memref<!tpu.dma_semaphore, #tpu.memory_space<semaphore_mem>>) src(%dma_wait3A_141 : memref<1024xi32, #tpu.memory_space<hbm>>) dst(%dma_wait3A_139 : memref<1024xi32, #tpu.memory_space<vmem>>)
    %dma_wait3A_142 = arith.constant 0 : i32
    %dma_wait3A_143 = arith.constant 0 : i32
    %dma_wait3A_144 = tpu.memref_slice %arg10[%dma_wait3A_142, %dma_wait3A_143] : memref<2x1024xf32, #tpu.memory_space<vmem>> -> memref<1x1024xf32, #tpu.memory_space<vmem>>
    %dma_wait3A_145 = tpu.memref_squeeze %dma_wait3A_144 : memref<1x1024xf32, #tpu.memory_space<vmem>> -> memref<1024xf32, #tpu.memory_space<vmem>>
    %dma_wait3A_146 = arith.constant 0 : i32
    %dma_wait3A_147 = tpu.memref_slice %arg3[%dma_wait3A_146] : memref<16384xf32, #tpu.memory_space<hbm>> -> memref<1024xf32, #tpu.memory_space<hbm>>
    %dma_wait3A_148 = arith.constant 0 : i32
    %dma_wait3A_149 = tpu.memref_slice %arg10[%dma_wait3A_142, %dma_wait3A_148] : memref<2x1024xf32, #tpu.memory_space<vmem>> -> memref<1x1024xf32, #tpu.memory_space<vmem>>
    %dma_wait3A_150 = tpu.memref_squeeze %dma_wait3A_149 : memref<1x1024xf32, #tpu.memory_space<vmem>> -> memref<1024xf32, #tpu.memory_space<vmem>>
    %dma_wait3A_151 = arith.constant 0 : i32
    %dma_wait3A_152 = tpu.memref_slice %arg3[%dma_wait3A_151] : memref<16384xf32, #tpu.memory_space<hbm>> -> memref<1024xf32, #tpu.memory_space<hbm>>
    tpu.wait_dma2 semaphore(%arg28 : memref<!tpu.dma_semaphore, #tpu.memory_space<semaphore_mem>>) src(%dma_wait3A_152 : memref<1024xf32, #tpu.memory_space<hbm>>) dst(%dma_wait3A_150 : memref<1024xf32, #tpu.memory_space<vmem>>)
    %while3A = arith.constant 0 : i32
    %while3A_153 = arith.constant 0 : i32
    %while3A_154 = arith.subi %scan3A_130, %while3A : i32
    %while3A_155 = arith.addi %while3A, %while3A_154 : i32
    %while3A_156 = arith.constant 1 : i32
    %while3A_157 = arith.divsi %while3A_154, %while3A_156 : i32
    %while3A_158 = arith.muli %while3A_157, %while3A_156 : i32
    %while3A_159 = arith.addi %while3A, %while3A_158 : i32
    %while3A_160 = arith.constant 1 : i32
    %while3A_161 = scf.for %while3A_188 = %while3A to %while3A_159 step %while3A_160 iter_args(%while3A_189 = %while3A_153) -> (i32)  : i32 {
      %get3A = arith.index_cast %while3A_188 : i32 to index
      %get3A_190 = tpu.vector_load %arg11[%get3A] {strides = array<i32>} : memref<2064xi32, #tpu.memory_space<vmem>>, vector<16xi32>,
      %slice3A = vector.extract_strided_slice %get3A_190 {offsets = [0], sizes = [1], strides = [1]} : vector<16xi32> to vector<1xi32>
      %squeeze3A = vector.extract %slice3A[0] : i32 from vector<1xi32>
      %shift_right_logical3A = arith.constant 7 : i32
      %shift_right_logical3A_191 = arith.shrui %squeeze3A, %shift_right_logical3A : i32
      %sub3A = arith.subi %shift_right_logical3A_191, %mul3A_2 : i32
      %broadcast_in_dim3A_192 = vector.broadcast %sub3A : i32 to vector<16xi32>
      %gather3A = tpu.vector_load_idx %arg15[%broadcast_in_dim3A_192] : memref<261xi32, #tpu.memory_space<vmem>>[vector<16xi32>], vector<16xi32>,
      %slice3A_193 = vector.extract_strided_slice %gather3A {offsets = [0], sizes = [1], strides = [1]} : vector<16xi32> to vector<1xi32>
      %squeeze3A_194 = vector.extract %slice3A_193[0] : i32 from vector<1xi32>
      %min3A_195 = arith.constant 63 : i32
      %min3A_196 = arith.minsi %squeeze3A_194, %min3A_195 : i32
      %broadcast_in_dim3A_197 = vector.broadcast %sub3A : i32 to vector<16xi32>
      %broadcast_in_dim3A_198 = vector.broadcast %min3A_196 : i32 to vector<16xi32>
      %broadcast_in_dim3A_199 = vector.broadcast %while3A_188 : i32 to vector<16xi32>
      tpu.vector_store_idx %arg14[%broadcast_in_dim3A_197, %broadcast_in_dim3A_198], %broadcast_in_dim3A_199 masked %eq3A_7 : memref<245x64xi32, #tpu.memory_space<vmem>>[vector<16xi32>, vector<16xi32>], vector<16xi32>, vector<16xi1>
      %broadcast_in_dim3A_200 = vector.broadcast %sub3A : i32 to vector<16xi32>
      %add3A_201 = arith.constant 1 : i32
      %add3A_202 = arith.addi %squeeze3A_194, %add3A_201 : i32
      %broadcast_in_dim3A_203 = vector.broadcast %add3A_202 : i32 to vector<16xi32>
      tpu.vector_store_idx %arg15[%broadcast_in_dim3A_200], %broadcast_in_dim3A_203 masked %eq3A_7 : memref<261xi32, #tpu.memory_space<vmem>>[vector<16xi32>], vector<16xi32>, vector<16xi1>
      %broadcast_in_dim3A_204 = vector.broadcast %while3A_189 : i32 to vector<16xi32>
      %broadcast_in_dim3A_205 = vector.broadcast %sub3A : i32 to vector<16xi32>
      %eq3A_206 = arith.constant 0 : i32
      %eq3A_207 = arith.cmpi eq, %squeeze3A_194, %eq3A_206 : i32
      %and3A_208 = vector.broadcast %eq3A_207 : i1 to vector<16xi1>
      %and3A_209 = arith.andi %eq3A_7, %and3A_208 : vector<16xi1>
      tpu.vector_store_idx %arg16[%broadcast_in_dim3A_204], %broadcast_in_dim3A_205 masked %and3A_209 : memref<261xi32, #tpu.memory_space<vmem>>[vector<16xi32>], vector<16xi32>, vector<16xi1>
      %eq3A_210 = arith.constant 0 : i32
      %eq3A_211 = arith.cmpi eq, %squeeze3A_194, %eq3A_210 : i32
      %jit3A = arith.constant 1 : i32
      %jit3A_212 = arith.constant 0 : i32
      %select_n3A = arith.select %eq3A_211, %jit3A, %jit3A_212 : i32
      %add3A_213 = arith.addi %while3A_189, %select_n3A : i32
      scf.yield %add3A_213 : i32
    }
    %while3A_162 = arith.constant 1 : i32
    %while3A_163 = scf.for %while3A_188 = %while3A_159 to %while3A_155 step %while3A_162 iter_args(%while3A_189 = %while3A_161) -> (i32)  : i32 {
      %get3A = arith.index_cast %while3A_188 : i32 to index
      %get3A_190 = tpu.vector_load %arg11[%get3A] {strides = array<i32>} : memref<2064xi32, #tpu.memory_space<vmem>>, vector<16xi32>,
      %slice3A = vector.extract_strided_slice %get3A_190 {offsets = [0], sizes = [1], strides = [1]} : vector<16xi32> to vector<1xi32>
      %squeeze3A = vector.extract %slice3A[0] : i32 from vector<1xi32>
      %shift_right_logical3A = arith.constant 7 : i32
      %shift_right_logical3A_191 = arith.shrui %squeeze3A, %shift_right_logical3A : i32
      %sub3A = arith.subi %shift_right_logical3A_191, %mul3A_2 : i32
      %broadcast_in_dim3A_192 = vector.broadcast %sub3A : i32 to vector<16xi32>
      %gather3A = tpu.vector_load_idx %arg15[%broadcast_in_dim3A_192] : memref<261xi32, #tpu.memory_space<vmem>>[vector<16xi32>], vector<16xi32>,
      %slice3A_193 = vector.extract_strided_slice %gather3A {offsets = [0], sizes = [1], strides = [1]} : vector<16xi32> to vector<1xi32>
      %squeeze3A_194 = vector.extract %slice3A_193[0] : i32 from vector<1xi32>
      %min3A_195 = arith.constant 63 : i32
      %min3A_196 = arith.minsi %squeeze3A_194, %min3A_195 : i32
      %broadcast_in_dim3A_197 = vector.broadcast %sub3A : i32 to vector<16xi32>
      %broadcast_in_dim3A_198 = vector.broadcast %min3A_196 : i32 to vector<16xi32>
      %broadcast_in_dim3A_199 = vector.broadcast %while3A_188 : i32 to vector<16xi32>
      tpu.vector_store_idx %arg14[%broadcast_in_dim3A_197, %broadcast_in_dim3A_198], %broadcast_in_dim3A_199 masked %eq3A_7 : memref<245x64xi32, #tpu.memory_space<vmem>>[vector<16xi32>, vector<16xi32>], vector<16xi32>, vector<16xi1>
      %broadcast_in_dim3A_200 = vector.broadcast %sub3A : i32 to vector<16xi32>
      %add3A_201 = arith.constant 1 : i32
      %add3A_202 = arith.addi %squeeze3A_194, %add3A_201 : i32
      %broadcast_in_dim3A_203 = vector.broadcast %add3A_202 : i32 to vector<16xi32>
      tpu.vector_store_idx %arg15[%broadcast_in_dim3A_200], %broadcast_in_dim3A_203 masked %eq3A_7 : memref<261xi32, #tpu.memory_space<vmem>>[vector<16xi32>], vector<16xi32>, vector<16xi1>
      %broadcast_in_dim3A_204 = vector.broadcast %while3A_189 : i32 to vector<16xi32>
      %broadcast_in_dim3A_205 = vector.broadcast %sub3A : i32 to vector<16xi32>
      %eq3A_206 = arith.constant 0 : i32
      %eq3A_207 = arith.cmpi eq, %squeeze3A_194, %eq3A_206 : i32
      %and3A_208 = vector.broadcast %eq3A_207 : i1 to vector<16xi1>
      %and3A_209 = arith.andi %eq3A_7, %and3A_208 : vector<16xi1>
      tpu.vector_store_idx %arg16[%broadcast_in_dim3A_204], %broadcast_in_dim3A_205 masked %and3A_209 : memref<261xi32, #tpu.memory_space<vmem>>[vector<16xi32>], vector<16xi32>, vector<16xi1>
      %eq3A_210 = arith.constant 0 : i32
      %eq3A_211 = arith.cmpi eq, %squeeze3A_194, %eq3A_210 : i32
      %jit3A = arith.constant 1 : i32
      %jit3A_212 = arith.constant 0 : i32
      %select_n3A = arith.select %eq3A_211, %jit3A, %jit3A_212 : i32
      %add3A_213 = arith.addi %while3A_189, %select_n3A : i32
      scf.yield %add3A_213 : i32
    }
    %gt3A = arith.constant 0 : i32
    %gt3A_164 = arith.cmpi sgt, %while3A_163, %gt3A : i32
    %convert_element_type3A = arith.extui %gt3A_164 : i1 to i32
    %cond3A = arith.constant 0 : i32
    %cond3A_165 = arith.cmpi ne, %convert_element_type3A, %cond3A : i32
    scf.if %cond3A_165 {
      %get3A = arith.constant 0 : index
      %get3A_188 = tpu.vector_load %arg16[%get3A] {strides = array<i32>} : memref<261xi32, #tpu.memory_space<vmem>>, vector<16xi32>,
      %slice3A = vector.extract_strided_slice %get3A_188 {offsets = [0], sizes = [1], strides = [1]} : vector<16xi32> to vector<1xi32>
      %squeeze3A = vector.extract %slice3A[0] : i32 from vector<1xi32>
      %add3A_189 = arith.addi %mul3A_2, %squeeze3A : i32
      %mul3A_190 = arith.constant 128 : i32
      %mul3A_191 = arith.muli %add3A_189, %mul3A_190 : i32
      %multiple_of3A_192 = tpu.assume_multiple %mul3A_191, 128 : i32
      %dma_start3A_193 = arith.constant 0 : i32
      %dma_start3A_194 = arith.constant 0 : i32
      %dma_start3A_195 = arith.constant 0 : i32
      %dma_start3A_196 = tpu.memref_slice %arg17[%dma_start3A_193, %dma_start3A_194, %dma_start3A_195] : memref<2x64x128xf32, #tpu.memory_space<vmem>> -> memref<1x64x128xf32, #tpu.memory_space<vmem>>
      %dma_start3A_197 = tpu.memref_squeeze %dma_start3A_196 : memref<1x64x128xf32, #tpu.memory_space<vmem>> -> memref<64x128xf32, #tpu.memory_space<vmem>>
      %dma_start3A_198 = arith.constant 0 : i32
      %dma_start3A_199 = tpu.memref_slice %arg4[%dma_start3A_198, %multiple_of3A_192] : memref<64x1000000xf32, #tpu.memory_space<hbm>> -> memref<64x128xf32, #tpu.memory_space<hbm>>
      %dma_start3A_200 = arith.constant 0 : i32
      %dma_start3A_201 = arith.constant 0 : i32
      %dma_start3A_202 = tpu.memref_slice %arg17[%dma_start3A_193, %dma_start3A_200, %dma_start3A_201] : memref<2x64x128xf32, #tpu.memory_space<vmem>> -> memref<1x64x128xf32, #tpu.memory_space<vmem>>
      %dma_start3A_203 = tpu.memref_squeeze %dma_start3A_202 : memref<1x64x128xf32, #tpu.memory_space<vmem>> -> memref<64x128xf32, #tpu.memory_space<vmem>>
      %dma_start3A_204 = arith.constant 0 : i32
      %dma_start3A_205 = tpu.memref_slice %arg4[%dma_start3A_204, %multiple_of3A_192] : memref<64x1000000xf32, #tpu.memory_space<hbm>> -> memref<64x128xf32, #tpu.memory_space<hbm>>
      tpu.enqueue_dma source(%dma_start3A_205 : memref<64x128xf32, #tpu.memory_space<hbm>>) target(%dma_start3A_203 : memref<64x128xf32, #tpu.memory_space<vmem>>) target_semaphore(%arg23 : memref<!tpu.dma_semaphore, #tpu.memory_space<semaphore_mem>>)
      %dma_start3A_206 = arith.constant 0 : i32
      %dma_start3A_207 = arith.constant 0 : i32
      %dma_start3A_208 = arith.constant 0 : i32
      %dma_start3A_209 = tpu.memref_slice %arg18[%dma_start3A_206, %dma_start3A_207, %dma_start3A_208] : memref<2x32x128xf32, #tpu.memory_space<vmem>> -> memref<1x32x128xf32, #tpu.memory_space<vmem>>
      %dma_start3A_210 = tpu.memref_squeeze %dma_start3A_209 : memref<1x32x128xf32, #tpu.memory_space<vmem>> -> memref<32x128xf32, #tpu.memory_space<vmem>>
      %dma_start3A_211 = arith.constant 0 : i32
      %dma_start3A_212 = tpu.memref_slice %arg5[%dma_start3A_211, %multiple_of3A_192] : memref<32x1000000xf32, #tpu.memory_space<hbm>> -> memref<32x128xf32, #tpu.memory_space<hbm>>
      %dma_start3A_213 = arith.constant 0 : i32
      %dma_start3A_214 = arith.constant 0 : i32
      %dma_start3A_215 = tpu.memref_slice %arg18[%dma_start3A_206, %dma_start3A_213, %dma_start3A_214] : memref<2x32x128xf32, #tpu.memory_space<vmem>> -> memref<1x32x128xf32, #tpu.memory_space<vmem>>
      %dma_start3A_216 = tpu.memref_squeeze %dma_start3A_215 : memref<1x32x128xf32, #tpu.memory_space<vmem>> -> memref<32x128xf32, #tpu.memory_space<vmem>>
      %dma_start3A_217 = arith.constant 0 : i32
      %dma_start3A_218 = tpu.memref_slice %arg5[%dma_start3A_217, %multiple_of3A_192] : memref<32x1000000xf32, #tpu.memory_space<hbm>> -> memref<32x128xf32, #tpu.memory_space<hbm>>
      tpu.enqueue_dma source(%dma_start3A_218 : memref<32x128xf32, #tpu.memory_space<hbm>>) target(%dma_start3A_216 : memref<32x128xf32, #tpu.memory_space<vmem>>) target_semaphore(%arg24 : memref<!tpu.dma_semaphore, #tpu.memory_space<semaphore_mem>>)
      %dma_start3A_219 = arith.constant 0 : i32
      %dma_start3A_220 = arith.constant 0 : i32
      %dma_start3A_221 = arith.constant 0 : i32
      %dma_start3A_222 = tpu.memref_slice %arg19[%dma_start3A_219, %dma_start3A_220, %dma_start3A_221] : memref<2x32x128xf32, #tpu.memory_space<vmem>> -> memref<1x32x128xf32, #tpu.memory_space<vmem>>
      %dma_start3A_223 = tpu.memref_squeeze %dma_start3A_222 : memref<1x32x128xf32, #tpu.memory_space<vmem>> -> memref<32x128xf32, #tpu.memory_space<vmem>>
      %dma_start3A_224 = arith.constant 0 : i32
      %dma_start3A_225 = tpu.memref_slice %arg6[%dma_start3A_224, %multiple_of3A_192] : memref<32x1000000xf32, #tpu.memory_space<hbm>> -> memref<32x128xf32, #tpu.memory_space<hbm>>
      %dma_start3A_226 = arith.constant 0 : i32
      %dma_start3A_227 = arith.constant 0 : i32
      %dma_start3A_228 = tpu.memref_slice %arg19[%dma_start3A_219, %dma_start3A_226, %dma_start3A_227] : memref<2x32x128xf32, #tpu.memory_space<vmem>> -> memref<1x32x128xf32, #tpu.memory_space<vmem>>
      %dma_start3A_229 = tpu.memref_squeeze %dma_start3A_228 : memref<1x32x128xf32, #tpu.memory_space<vmem>> -> memref<32x128xf32, #tpu.memory_space<vmem>>
      %dma_start3A_230 = arith.constant 0 : i32
      %dma_start3A_231 = tpu.memref_slice %arg6[%dma_start3A_230, %multiple_of3A_192] : memref<32x1000000xf32, #tpu.memory_space<hbm>> -> memref<32x128xf32, #tpu.memory_space<hbm>>
      tpu.enqueue_dma source(%dma_start3A_231 : memref<32x128xf32, #tpu.memory_space<hbm>>) target(%dma_start3A_229 : memref<32x128xf32, #tpu.memory_space<vmem>>) target_semaphore(%arg25 : memref<!tpu.dma_semaphore, #tpu.memory_space<semaphore_mem>>)
      %dma_start3A_232 = arith.constant 0 : i32
      %dma_start3A_233 = arith.constant 0 : i32
      %dma_start3A_234 = arith.constant 0 : i32
      %dma_start3A_235 = tpu.memref_slice %arg20[%dma_start3A_232, %dma_start3A_233, %dma_start3A_234] : memref<2x32x128xf32, #tpu.memory_space<vmem>> -> memref<1x32x128xf32, #tpu.memory_space<vmem>>
      %dma_start3A_236 = tpu.memref_squeeze %dma_start3A_235 : memref<1x32x128xf32, #tpu.memory_space<vmem>> -> memref<32x128xf32, #tpu.memory_space<vmem>>
      %dma_start3A_237 = arith.constant 0 : i32
      %dma_start3A_238 = tpu.memref_slice %arg7[%dma_start3A_237, %multiple_of3A_192] : memref<32x1000000xf32, #tpu.memory_space<hbm>> -> memref<32x128xf32, #tpu.memory_space<hbm>>
      %dma_start3A_239 = arith.constant 0 : i32
      %dma_start3A_240 = arith.constant 0 : i32
      %dma_start3A_241 = tpu.memref_slice %arg20[%dma_start3A_232, %dma_start3A_239, %dma_start3A_240] : memref<2x32x128xf32, #tpu.memory_space<vmem>> -> memref<1x32x128xf32, #tpu.memory_space<vmem>>
      %dma_start3A_242 = tpu.memref_squeeze %dma_start3A_241 : memref<1x32x128xf32, #tpu.memory_space<vmem>> -> memref<32x128xf32, #tpu.memory_space<vmem>>
      %dma_start3A_243 = arith.constant 0 : i32
      %dma_start3A_244 = tpu.memref_slice %arg7[%dma_start3A_243, %multiple_of3A_192] : memref<32x1000000xf32, #tpu.memory_space<hbm>> -> memref<32x128xf32, #tpu.memory_space<hbm>>
      tpu.enqueue_dma source(%dma_start3A_244 : memref<32x128xf32, #tpu.memory_space<hbm>>) target(%dma_start3A_242 : memref<32x128xf32, #tpu.memory_space<vmem>>) target_semaphore(%arg26 : memref<!tpu.dma_semaphore, #tpu.memory_space<semaphore_mem>>)
    } else {
    }
    %while3A_166 = arith.constant 0 : i32
    %while3A_167 = arith.constant 0 : i32
    %while3A_168 = arith.subi %while3A_163, %while3A_166 : i32
    %while3A_169 = arith.addi %while3A_166, %while3A_168 : i32
    %while3A_170 = arith.constant 1 : i32
    %while3A_171 = arith.divsi %while3A_168, %while3A_170 : i32
    %while3A_172 = arith.muli %while3A_171, %while3A_170 : i32
    %while3A_173 = arith.addi %while3A_166, %while3A_172 : i32
    %while3A_174 = arith.constant 1 : i32
    %while3A_175 = scf.for %while3A_188 = %while3A_166 to %while3A_173 step %while3A_174 iter_args(%while3A_189 = %while3A_167) -> (i32)  : i32 {
      %get3A = arith.index_cast %while3A_188 : i32 to index
      %get3A_190 = tpu.vector_load %arg16[%get3A] {strides = array<i32>} : memref<261xi32, #tpu.memory_space<vmem>>, vector<16xi32>,
      %slice3A = vector.extract_strided_slice %get3A_190 {offsets = [0], sizes = [1], strides = [1]} : vector<16xi32> to vector<1xi32>
      %squeeze3A = vector.extract %slice3A[0] : i32 from vector<1xi32>
      %and3A_191 = arith.constant 1 : i32
      %and3A_192 = arith.andi %while3A_188, %and3A_191 : i32
      %dma_wait3A_193 = arith.constant 0 : i32
      %dma_wait3A_194 = arith.constant 0 : i32
      %dma_wait3A_195 = tpu.memref_slice %arg17[%and3A_192, %dma_wait3A_193, %dma_wait3A_194] : memref<2x64x128xf32, #tpu.memory_space<vmem>> -> memref<1x64x128xf32, #tpu.memory_space<vmem>>
      %dma_wait3A_196 = tpu.memref_squeeze %dma_wait3A_195 : memref<1x64x128xf32, #tpu.memory_space<vmem>> -> memref<64x128xf32, #tpu.memory_space<vmem>>
      %dma_wait3A_197 = arith.constant 0 : i32
      %dma_wait3A_198 = arith.constant 0 : i32
      %dma_wait3A_199 = tpu.memref_slice %arg4[%dma_wait3A_197, %dma_wait3A_198] : memref<64x1000000xf32, #tpu.memory_space<hbm>> -> memref<64x128xf32, #tpu.memory_space<hbm>>
      %dma_wait3A_200 = arith.constant 0 : i32
      %dma_wait3A_201 = arith.constant 0 : i32
      %dma_wait3A_202 = tpu.memref_slice %arg17[%and3A_192, %dma_wait3A_200, %dma_wait3A_201] : memref<2x64x128xf32, #tpu.memory_space<vmem>> -> memref<1x64x128xf32, #tpu.memory_space<vmem>>
      %dma_wait3A_203 = tpu.memref_squeeze %dma_wait3A_202 : memref<1x64x128xf32, #tpu.memory_space<vmem>> -> memref<64x128xf32, #tpu.memory_space<vmem>>
      %dma_wait3A_204 = arith.constant 0 : i32
      %dma_wait3A_205 = arith.constant 0 : i32
      %dma_wait3A_206 = tpu.memref_slice %arg4[%dma_wait3A_204, %dma_wait3A_205] : memref<64x1000000xf32, #tpu.memory_space<hbm>> -> memref<64x128xf32, #tpu.memory_space<hbm>>
      tpu.wait_dma2 semaphore(%arg23 : memref<!tpu.dma_semaphore, #tpu.memory_space<semaphore_mem>>) src(%dma_wait3A_206 : memref<64x128xf32, #tpu.memory_space<hbm>>) dst(%dma_wait3A_203 : memref<64x128xf32, #tpu.memory_space<vmem>>)
      %dma_wait3A_207 = arith.constant 0 : i32
      %dma_wait3A_208 = arith.constant 0 : i32
      %dma_wait3A_209 = tpu.memref_slice %arg18[%and3A_192, %dma_wait3A_207, %dma_wait3A_208] : memref<2x32x128xf32, #tpu.memory_space<vmem>> -> memref<1x32x128xf32, #tpu.memory_space<vmem>>
      %dma_wait3A_210 = tpu.memref_squeeze %dma_wait3A_209 : memref<1x32x128xf32, #tpu.memory_space<vmem>> -> memref<32x128xf32, #tpu.memory_space<vmem>>
      %dma_wait3A_211 = arith.constant 0 : i32
      %dma_wait3A_212 = arith.constant 0 : i32
      %dma_wait3A_213 = tpu.memref_slice %arg5[%dma_wait3A_211, %dma_wait3A_212] : memref<32x1000000xf32, #tpu.memory_space<hbm>> -> memref<32x128xf32, #tpu.memory_space<hbm>>
      %dma_wait3A_214 = arith.constant 0 : i32
      %dma_wait3A_215 = arith.constant 0 : i32
      %dma_wait3A_216 = tpu.memref_slice %arg18[%and3A_192, %dma_wait3A_214, %dma_wait3A_215] : memref<2x32x128xf32, #tpu.memory_space<vmem>> -> memref<1x32x128xf32, #tpu.memory_space<vmem>>
      %dma_wait3A_217 = tpu.memref_squeeze %dma_wait3A_216 : memref<1x32x128xf32, #tpu.memory_space<vmem>> -> memref<32x128xf32, #tpu.memory_space<vmem>>
      %dma_wait3A_218 = arith.constant 0 : i32
      %dma_wait3A_219 = arith.constant 0 : i32
      %dma_wait3A_220 = tpu.memref_slice %arg5[%dma_wait3A_218, %dma_wait3A_219] : memref<32x1000000xf32, #tpu.memory_space<hbm>> -> memref<32x128xf32, #tpu.memory_space<hbm>>
      tpu.wait_dma2 semaphore(%arg24 : memref<!tpu.dma_semaphore, #tpu.memory_space<semaphore_mem>>) src(%dma_wait3A_220 : memref<32x128xf32, #tpu.memory_space<hbm>>) dst(%dma_wait3A_217 : memref<32x128xf32, #tpu.memory_space<vmem>>)
      %dma_wait3A_221 = arith.constant 0 : i32
      %dma_wait3A_222 = arith.constant 0 : i32
      %dma_wait3A_223 = tpu.memref_slice %arg19[%and3A_192, %dma_wait3A_221, %dma_wait3A_222] : memref<2x32x128xf32, #tpu.memory_space<vmem>> -> memref<1x32x128xf32, #tpu.memory_space<vmem>>
      %dma_wait3A_224 = tpu.memref_squeeze %dma_wait3A_223 : memref<1x32x128xf32, #tpu.memory_space<vmem>> -> memref<32x128xf32, #tpu.memory_space<vmem>>
      %dma_wait3A_225 = arith.constant 0 : i32
      %dma_wait3A_226 = arith.constant 0 : i32
      %dma_wait3A_227 = tpu.memref_slice %arg6[%dma_wait3A_225, %dma_wait3A_226] : memref<32x1000000xf32, #tpu.memory_space<hbm>> -> memref<32x128xf32, #tpu.memory_space<hbm>>
      %dma_wait3A_228 = arith.constant 0 : i32
      %dma_wait3A_229 = arith.constant 0 : i32
      %dma_wait3A_230 = tpu.memref_slice %arg19[%and3A_192, %dma_wait3A_228, %dma_wait3A_229] : memref<2x32x128xf32, #tpu.memory_space<vmem>> -> memref<1x32x128xf32, #tpu.memory_space<vmem>>
      %dma_wait3A_231 = tpu.memref_squeeze %dma_wait3A_230 : memref<1x32x128xf32, #tpu.memory_space<vmem>> -> memref<32x128xf32, #tpu.memory_space<vmem>>
      %dma_wait3A_232 = arith.constant 0 : i32
      %dma_wait3A_233 = arith.constant 0 : i32
      %dma_wait3A_234 = tpu.memref_slice %arg6[%dma_wait3A_232, %dma_wait3A_233] : memref<32x1000000xf32, #tpu.memory_space<hbm>> -> memref<32x128xf32, #tpu.memory_space<hbm>>
      tpu.wait_dma2 semaphore(%arg25 : memref<!tpu.dma_semaphore, #tpu.memory_space<semaphore_mem>>) src(%dma_wait3A_234 : memref<32x128xf32, #tpu.memory_space<hbm>>) dst(%dma_wait3A_231 : memref<32x128xf32, #tpu.memory_space<vmem>>)
      %dma_wait3A_235 = arith.constant 0 : i32
      %dma_wait3A_236 = arith.constant 0 : i32
      %dma_wait3A_237 = tpu.memref_slice %arg20[%and3A_192, %dma_wait3A_235, %dma_wait3A_236] : memref<2x32x128xf32, #tpu.memory_space<vmem>> -> memref<1x32x128xf32, #tpu.memory_space<vmem>>
      %dma_wait3A_238 = tpu.memref_squeeze %dma_wait3A_237 : memref<1x32x128xf32, #tpu.memory_space<vmem>> -> memref<32x128xf32, #tpu.memory_space<vmem>>
      %dma_wait3A_239 = arith.constant 0 : i32
      %dma_wait3A_240 = arith.constant 0 : i32
      %dma_wait3A_241 = tpu.memref_slice %arg7[%dma_wait3A_239, %dma_wait3A_240] : memref<32x1000000xf32, #tpu.memory_space<hbm>> -> memref<32x128xf32, #tpu.memory_space<hbm>>
      %dma_wait3A_242 = arith.constant 0 : i32
      %dma_wait3A_243 = arith.constant 0 : i32
      %dma_wait3A_244 = tpu.memref_slice %arg20[%and3A_192, %dma_wait3A_242, %dma_wait3A_243] : memref<2x32x128xf32, #tpu.memory_space<vmem>> -> memref<1x32x128xf32, #tpu.memory_space<vmem>>
      %dma_wait3A_245 = tpu.memref_squeeze %dma_wait3A_244 : memref<1x32x128xf32, #tpu.memory_space<vmem>> -> memref<32x128xf32, #tpu.memory_space<vmem>>
      %dma_wait3A_246 = arith.constant 0 : i32
      %dma_wait3A_247 = arith.constant 0 : i32
      %dma_wait3A_248 = tpu.memref_slice %arg7[%dma_wait3A_246, %dma_wait3A_247] : memref<32x1000000xf32, #tpu.memory_space<hbm>> -> memref<32x128xf32, #tpu.memory_space<hbm>>
      tpu.wait_dma2 semaphore(%arg26 : memref<!tpu.dma_semaphore, #tpu.memory_space<semaphore_mem>>) src(%dma_wait3A_248 : memref<32x128xf32, #tpu.memory_space<hbm>>) dst(%dma_wait3A_245 : memref<32x128xf32, #tpu.memory_space<vmem>>)
      %add3A_249 = arith.constant 1 : i32
      %add3A_250 = arith.addi %while3A_188, %add3A_249 : i32
      %sub3A = arith.constant 1 : i32
      %sub3A_251 = arith.subi %while3A_163, %sub3A : i32
      %min3A_252 = arith.minsi %add3A_250, %sub3A_251 : i32
      %get3A_253 = arith.index_cast %min3A_252 : i32 to index
      %get3A_254 = tpu.vector_load %arg16[%get3A_253] {strides = array<i32>} : memref<261xi32, #tpu.memory_space<vmem>>, vector<16xi32>,
      %slice3A_255 = vector.extract_strided_slice %get3A_254 {offsets = [0], sizes = [1], strides = [1]} : vector<16xi32> to vector<1xi32>
      %squeeze3A_256 = vector.extract %slice3A_255[0] : i32 from vector<1xi32>
      %add3A_257 = arith.addi %mul3A_2, %squeeze3A_256 : i32
      %sub3A_258 = arith.constant 1 : i32
      %sub3A_259 = arith.subi %sub3A_258, %and3A_192 : i32
      %mul3A_260 = arith.constant 128 : i32
      %mul3A_261 = arith.muli %add3A_257, %mul3A_260 : i32
      %multiple_of3A_262 = tpu.assume_multiple %mul3A_261, 128 : i32
      %dma_start3A_263 = arith.constant 0 : i32
      %dma_start3A_264 = arith.constant 0 : i32
      %dma_start3A_265 = tpu.memref_slice %arg17[%sub3A_259, %dma_start3A_263, %dma_start3A_264] : memref<2x64x128xf32, #tpu.memory_space<vmem>> -> memref<1x64x128xf32, #tpu.memory_space<vmem>>
      %dma_start3A_266 = tpu.memref_squeeze %dma_start3A_265 : memref<1x64x128xf32, #tpu.memory_space<vmem>> -> memref<64x128xf32, #tpu.memory_space<vmem>>
      %dma_start3A_267 = arith.constant 0 : i32
      %dma_start3A_268 = tpu.memref_slice %arg4[%dma_start3A_267, %multiple_of3A_262] : memref<64x1000000xf32, #tpu.memory_space<hbm>> -> memref<64x128xf32, #tpu.memory_space<hbm>>
      %dma_start3A_269 = arith.constant 0 : i32
      %dma_start3A_270 = arith.constant 0 : i32
      %dma_start3A_271 = tpu.memref_slice %arg17[%sub3A_259, %dma_start3A_269, %dma_start3A_270] : memref<2x64x128xf32, #tpu.memory_space<vmem>> -> memref<1x64x128xf32, #tpu.memory_space<vmem>>
      %dma_start3A_272 = tpu.memref_squeeze %dma_start3A_271 : memref<1x64x128xf32, #tpu.memory_space<vmem>> -> memref<64x128xf32, #tpu.memory_space<vmem>>
      %dma_start3A_273 = arith.constant 0 : i32
      %dma_start3A_274 = tpu.memref_slice %arg4[%dma_start3A_273, %multiple_of3A_262] : memref<64x1000000xf32, #tpu.memory_space<hbm>> -> memref<64x128xf32, #tpu.memory_space<hbm>>
      tpu.enqueue_dma source(%dma_start3A_274 : memref<64x128xf32, #tpu.memory_space<hbm>>) target(%dma_start3A_272 : memref<64x128xf32, #tpu.memory_space<vmem>>) target_semaphore(%arg23 : memref<!tpu.dma_semaphore, #tpu.memory_space<semaphore_mem>>)
      %dma_start3A_275 = arith.constant 0 : i32
      %dma_start3A_276 = arith.constant 0 : i32
      %dma_start3A_277 = tpu.memref_slice %arg18[%sub3A_259, %dma_start3A_275, %dma_start3A_276] : memref<2x32x128xf32, #tpu.memory_space<vmem>> -> memref<1x32x128xf32, #tpu.memory_space<vmem>>
      %dma_start3A_278 = tpu.memref_squeeze %dma_start3A_277 : memref<1x32x128xf32, #tpu.memory_space<vmem>> -> memref<32x128xf32, #tpu.memory_space<vmem>>
      %dma_start3A_279 = arith.constant 0 : i32
      %dma_start3A_280 = tpu.memref_slice %arg5[%dma_start3A_279, %multiple_of3A_262] : memref<32x1000000xf32, #tpu.memory_space<hbm>> -> memref<32x128xf32, #tpu.memory_space<hbm>>
      %dma_start3A_281 = arith.constant 0 : i32
      %dma_start3A_282 = arith.constant 0 : i32
      %dma_start3A_283 = tpu.memref_slice %arg18[%sub3A_259, %dma_start3A_281, %dma_start3A_282] : memref<2x32x128xf32, #tpu.memory_space<vmem>> -> memref<1x32x128xf32, #tpu.memory_space<vmem>>
      %dma_start3A_284 = tpu.memref_squeeze %dma_start3A_283 : memref<1x32x128xf32, #tpu.memory_space<vmem>> -> memref<32x128xf32, #tpu.memory_space<vmem>>
      %dma_start3A_285 = arith.constant 0 : i32
      %dma_start3A_286 = tpu.memref_slice %arg5[%dma_start3A_285, %multiple_of3A_262] : memref<32x1000000xf32, #tpu.memory_space<hbm>> -> memref<32x128xf32, #tpu.memory_space<hbm>>
      tpu.enqueue_dma source(%dma_start3A_286 : memref<32x128xf32, #tpu.memory_space<hbm>>) target(%dma_start3A_284 : memref<32x128xf32, #tpu.memory_space<vmem>>) target_semaphore(%arg24 : memref<!tpu.dma_semaphore, #tpu.memory_space<semaphore_mem>>)
      %dma_start3A_287 = arith.constant 0 : i32
      %dma_start3A_288 = arith.constant 0 : i32
      %dma_start3A_289 = tpu.memref_slice %arg19[%sub3A_259, %dma_start3A_287, %dma_start3A_288] : memref<2x32x128xf32, #tpu.memory_space<vmem>> -> memref<1x32x128xf32, #tpu.memory_space<vmem>>
      %dma_start3A_290 = tpu.memref_squeeze %dma_start3A_289 : memref<1x32x128xf32, #tpu.memory_space<vmem>> -> memref<32x128xf32, #tpu.memory_space<vmem>>
      %dma_start3A_291 = arith.constant 0 : i32
      %dma_start3A_292 = tpu.memref_slice %arg6[%dma_start3A_291, %multiple_of3A_262] : memref<32x1000000xf32, #tpu.memory_space<hbm>> -> memref<32x128xf32, #tpu.memory_space<hbm>>
      %dma_start3A_293 = arith.constant 0 : i32
      %dma_start3A_294 = arith.constant 0 : i32
      %dma_start3A_295 = tpu.memref_slice %arg19[%sub3A_259, %dma_start3A_293, %dma_start3A_294] : memref<2x32x128xf32, #tpu.memory_space<vmem>> -> memref<1x32x128xf32, #tpu.memory_space<vmem>>
      %dma_start3A_296 = tpu.memref_squeeze %dma_start3A_295 : memref<1x32x128xf32, #tpu.memory_space<vmem>> -> memref<32x128xf32, #tpu.memory_space<vmem>>
      %dma_start3A_297 = arith.constant 0 : i32
      %dma_start3A_298 = tpu.memref_slice %arg6[%dma_start3A_297, %multiple_of3A_262] : memref<32x1000000xf32, #tpu.memory_space<hbm>> -> memref<32x128xf32, #tpu.memory_space<hbm>>
      tpu.enqueue_dma source(%dma_start3A_298 : memref<32x128xf32, #tpu.memory_space<hbm>>) target(%dma_start3A_296 : memref<32x128xf32, #tpu.memory_space<vmem>>) target_semaphore(%arg25 : memref<!tpu.dma_semaphore, #tpu.memory_space<semaphore_mem>>)
      %dma_start3A_299 = arith.constant 0 : i32
      %dma_start3A_300 = arith.constant 0 : i32
      %dma_start3A_301 = tpu.memref_slice %arg20[%sub3A_259, %dma_start3A_299, %dma_start3A_300] : memref<2x32x128xf32, #tpu.memory_space<vmem>> -> memref<1x32x128xf32, #tpu.memory_space<vmem>>
      %dma_start3A_302 = tpu.memref_squeeze %dma_start3A_301 : memref<1x32x128xf32, #tpu.memory_space<vmem>> -> memref<32x128xf32, #tpu.memory_space<vmem>>
      %dma_start3A_303 = arith.constant 0 : i32
      %dma_start3A_304 = tpu.memref_slice %arg7[%dma_start3A_303, %multiple_of3A_262] : memref<32x1000000xf32, #tpu.memory_space<hbm>> -> memref<32x128xf32, #tpu.memory_space<hbm>>
      %dma_start3A_305 = arith.constant 0 : i32
      %dma_start3A_306 = arith.constant 0 : i32
      %dma_start3A_307 = tpu.memref_slice %arg20[%sub3A_259, %dma_start3A_305, %dma_start3A_306] : memref<2x32x128xf32, #tpu.memory_space<vmem>> -> memref<1x32x128xf32, #tpu.memory_space<vmem>>
      %dma_start3A_308 = tpu.memref_squeeze %dma_start3A_307 : memref<1x32x128xf32, #tpu.memory_space<vmem>> -> memref<32x128xf32, #tpu.memory_space<vmem>>
      %dma_start3A_309 = arith.constant 0 : i32
      %dma_start3A_310 = tpu.memref_slice %arg7[%dma_start3A_309, %multiple_of3A_262] : memref<32x1000000xf32, #tpu.memory_space<hbm>> -> memref<32x128xf32, #tpu.memory_space<hbm>>
      tpu.enqueue_dma source(%dma_start3A_310 : memref<32x128xf32, #tpu.memory_space<hbm>>) target(%dma_start3A_308 : memref<32x128xf32, #tpu.memory_space<vmem>>) target_semaphore(%arg26 : memref<!tpu.dma_semaphore, #tpu.memory_space<semaphore_mem>>)
      %broadcast_in_dim3A_311 = vector.broadcast %squeeze3A : i32 to vector<16xi32>
      %gather3A = tpu.vector_load_idx %arg15[%broadcast_in_dim3A_311] : memref<261xi32, #tpu.memory_space<vmem>>[vector<16xi32>], vector<16xi32>,
      %slice3A_312 = vector.extract_strided_slice %gather3A {offsets = [0], sizes = [1], strides = [1]} : vector<16xi32> to vector<1xi32>
      %squeeze3A_313 = vector.extract %slice3A_312[0] : i32 from vector<1xi32>
      %min3A_314 = arith.constant 64 : i32
      %min3A_315 = arith.minsi %squeeze3A_313, %min3A_314 : i32
      %while3A_316 = arith.constant 0 : i32
      %while3A_317 = arith.subi %min3A_315, %while3A_316 : i32
      %while3A_318 = arith.addi %while3A_316, %while3A_317 : i32
      %while3A_319 = arith.constant 1 : i32
      %while3A_320 = arith.divsi %while3A_317, %while3A_319 : i32
      %while3A_321 = arith.muli %while3A_320, %while3A_319 : i32
      %while3A_322 = arith.addi %while3A_316, %while3A_321 : i32
      %while3A_323 = arith.constant 1 : i32
      %while3A_324 = scf.for %while3A_327 = %while3A_316 to %while3A_322 step %while3A_323 iter_args(%while3A_328 = %while3A_189) -> (i32)  : i32 {
        %broadcast_in_dim3A_329 = vector.broadcast %squeeze3A : i32 to vector<16xi32>
        %broadcast_in_dim3A_330 = vector.broadcast %while3A_327 : i32 to vector<16xi32>
        %gather3A_331 = tpu.vector_load_idx %arg14[%broadcast_in_dim3A_329, %broadcast_in_dim3A_330] : memref<245x64xi32, #tpu.memory_space<vmem>>[vector<16xi32>, vector<16xi32>], vector<16xi32>,
        %slice3A_332 = vector.extract_strided_slice %gather3A_331 {offsets = [0], sizes = [1], strides = [1]} : vector<16xi32> to vector<1xi32>
        %squeeze3A_333 = vector.extract %slice3A_332[0] : i32 from vector<1xi32>
        %get3A_334 = arith.index_cast %squeeze3A_333 : i32 to index
        %get3A_335 = tpu.vector_load %arg13[%get3A_334] {strides = array<i32>} : memref<2064xi32, #tpu.memory_space<vmem>>, vector<16xi32>,
        %slice3A_336 = vector.extract_strided_slice %get3A_335 {offsets = [0], sizes = [1], strides = [1]} : vector<16xi32> to vector<1xi32>
        %squeeze3A_337 = vector.extract %slice3A_336[0] : i32 from vector<1xi32>
        %get3A_338 = arith.index_cast %squeeze3A_333 : i32 to index
        %get3A_339 = tpu.vector_load %arg11[%get3A_338] {strides = array<i32>} : memref<2064xi32, #tpu.memory_space<vmem>>, vector<16xi32>,
        %slice3A_340 = vector.extract_strided_slice %get3A_339 {offsets = [0], sizes = [1], strides = [1]} : vector<16xi32> to vector<1xi32>
        %squeeze3A_341 = vector.extract %slice3A_340[0] : i32 from vector<1xi32>
        %and3A_342 = arith.constant 127 : i32
        %and3A_343 = arith.andi %squeeze3A_341, %and3A_342 : i32
        %broadcast_in_dim3A_344 = vector.broadcast %and3A_343 : i32 to vector<16xi32>
        %get3A_345 = arith.index_cast %squeeze3A_333 : i32 to index
        %get3A_346 = tpu.vector_load %arg12[%get3A_345] {strides = array<i32>} : memref<2064xf32, #tpu.memory_space<vmem>>, vector<16xf32>,
        %slice3A_347 = vector.extract_strided_slice %get3A_346 {offsets = [0], sizes = [1], strides = [1]} : vector<16xf32> to vector<1xf32>
        %squeeze3A_348 = vector.extract %slice3A_347[0] : f32 from vector<1xf32>
        %broadcast_in_dim3A_349 = vector.broadcast %squeeze3A_348 : f32 to vector<16xf32>
        %shift_right_logical3A = arith.constant 7 : i32
        %shift_right_logical3A_350 = arith.shrui %while3A_328, %shift_right_logical3A : i32
        %and3A_351 = arith.constant 1 : i32
        %and3A_352 = arith.andi %shift_right_logical3A_350, %and3A_351 : i32
        %and3A_353 = arith.constant 127 : i32
        %and3A_354 = arith.andi %while3A_328, %and3A_353 : i32
        %broadcast_in_dim3A_355 = vector.broadcast %and3A_354 : i32 to vector<16xi32>
        %add3A_356 = arith.constant 0 : i32
        %add3A_357 = vector.broadcast %add3A_356 : i32 to vector<16xi32>
        %add3A_358 = arith.addi %iota3A, %add3A_357 : vector<16xi32>
        %gather3A_359 = arith.constant 0 : i32
        %gather3A_360 = arith.constant 0 : i32
        %gather3A_361 = tpu.memref_slice %arg17[%and3A_192, %gather3A_359, %gather3A_360] : memref<2x64x128xf32, #tpu.memory_space<vmem>> -> memref<1x64x128xf32, #tpu.memory_space<vmem>>
        %gather3A_362 = tpu.memref_squeeze %gather3A_361 : memref<1x64x128xf32, #tpu.memory_space<vmem>> -> memref<64x128xf32, #tpu.memory_space<vmem>>
        %gather3A_363 = tpu.vector_load_idx %gather3A_362[%add3A_358, %broadcast_in_dim3A_344] : memref<64x128xf32, #tpu.memory_space<vmem>>[vector<16xi32>, vector<16xi32>], vector<16xf32>,
        %scatter3A = arith.constant 0 : i32
        %scatter3A_364 = arith.constant 0 : i32
        %scatter3A_365 = tpu.memref_slice %arg21[%and3A_352, %scatter3A, %scatter3A_364] : memref<2x128x128xf32, #tpu.memory_space<vmem>> -> memref<1x128x128xf32, #tpu.memory_space<vmem>>
        %scatter3A_366 = tpu.memref_squeeze %scatter3A_365 : memref<1x128x128xf32, #tpu.memory_space<vmem>> -> memref<128x128xf32, #tpu.memory_space<vmem>>
        tpu.vector_store_idx %scatter3A_366[%broadcast_in_dim3A_355, %add3A_358], %gather3A_363 : memref<128x128xf32, #tpu.memory_space<vmem>>[vector<16xi32>, vector<16xi32>], vector<16xf32>,
        %add3A_367 = arith.constant 32 : i32
        %add3A_368 = vector.broadcast %add3A_367 : i32 to vector<16xi32>
        %add3A_369 = arith.addi %add3A_358, %add3A_368 : vector<16xi32>
        %gather3A_370 = arith.constant 0 : i32
        %gather3A_371 = arith.constant 0 : i32
        %gather3A_372 = tpu.memref_slice %arg17[%and3A_192, %gather3A_370, %gather3A_371] : memref<2x64x128xf32, #tpu.memory_space<vmem>> -> memref<1x64x128xf32, #tpu.memory_space<vmem>>
        %gather3A_373 = tpu.memref_squeeze %gather3A_372 : memref<1x64x128xf32, #tpu.memory_space<vmem>> -> memref<64x128xf32, #tpu.memory_space<vmem>>
        %gather3A_374 = tpu.vector_load_idx %gather3A_373[%add3A_369, %broadcast_in_dim3A_344] : memref<64x128xf32, #tpu.memory_space<vmem>>[vector<16xi32>, vector<16xi32>], vector<16xf32>,
        %gather3A_375 = arith.constant 0 : i32
        %gather3A_376 = arith.constant 0 : i32
        %gather3A_377 = tpu.memref_slice %arg18[%and3A_192, %gather3A_375, %gather3A_376] : memref<2x32x128xf32, #tpu.memory_space<vmem>> -> memref<1x32x128xf32, #tpu.memory_space<vmem>>
        %gather3A_378 = tpu.memref_squeeze %gather3A_377 : memref<1x32x128xf32, #tpu.memory_space<vmem>> -> memref<32x128xf32, #tpu.memory_space<vmem>>
        %gather3A_379 = tpu.vector_load_idx %gather3A_378[%add3A_358, %broadcast_in_dim3A_344] : memref<32x128xf32, #tpu.memory_space<vmem>>[vector<16xi32>, vector<16xi32>], vector<16xf32>,
        %gather3A_380 = arith.constant 0 : i32
        %gather3A_381 = arith.constant 0 : i32
        %gather3A_382 = tpu.memref_slice %arg19[%and3A_192, %gather3A_380, %gather3A_381] : memref<2x32x128xf32, #tpu.memory_space<vmem>> -> memref<1x32x128xf32, #tpu.memory_space<vmem>>
        %gather3A_383 = tpu.memref_squeeze %gather3A_382 : memref<1x32x128xf32, #tpu.memory_space<vmem>> -> memref<32x128xf32, #tpu.memory_space<vmem>>
        %gather3A_384 = tpu.vector_load_idx %gather3A_383[%add3A_358, %broadcast_in_dim3A_344] : memref<32x128xf32, #tpu.memory_space<vmem>>[vector<16xi32>, vector<16xi32>], vector<16xf32>,
        %gather3A_385 = arith.constant 0 : i32
        %gather3A_386 = arith.constant 0 : i32
        %gather3A_387 = tpu.memref_slice %arg20[%and3A_192, %gather3A_385, %gather3A_386] : memref<2x32x128xf32, #tpu.memory_space<vmem>> -> memref<1x32x128xf32, #tpu.memory_space<vmem>>
        %gather3A_388 = tpu.memref_squeeze %gather3A_387 : memref<1x32x128xf32, #tpu.memory_space<vmem>> -> memref<32x128xf32, #tpu.memory_space<vmem>>
        %gather3A_389 = tpu.vector_load_idx %gather3A_388[%add3A_358, %broadcast_in_dim3A_344] : memref<32x128xf32, #tpu.memory_space<vmem>>[vector<16xi32>, vector<16xi32>], vector<16xf32>,
        %mul3A_390 = arith.mulf %gather3A_384, %broadcast_in_dim3A_349 : vector<16xf32>
        %add3A_391 = arith.addf %mul3A_390, %gather3A_389 : vector<16xf32>
        %mul3A_392 = arith.constant 0.159154937 : f32
        %mul3A_393 = vector.broadcast %mul3A_392 : f32 to vector<16xf32>
        %mul3A_394 = arith.mulf %add3A_391, %mul3A_393 : vector<16xf32>
        %ge3A = arith.constant 0.000000e+00 : f32
        %ge3A_395 = vector.broadcast %ge3A : f32 to vector<16xf32>
        %ge3A_396 = arith.cmpf oge, %mul3A_394, %ge3A_395 : vector<16xf32>
        %jit3A = arith.constant 5.000000e-01 : f32
        %jit3A_397 = arith.constant -5.000000e-01 : f32
        %broadcast_in_dim3A_398 = vector.broadcast %jit3A : f32 to vector<16xf32>
        %broadcast_in_dim3A_399 = vector.broadcast %jit3A_397 : f32 to vector<16xf32>
        %select_n3A = arith.select %ge3A_396, %broadcast_in_dim3A_398, %broadcast_in_dim3A_399 : vector<16xi1>, vector<16xf32>
        %add3A_400 = arith.addf %mul3A_394, %select_n3A : vector<16xf32>
        %convert_element_type3A_401 = arith.fptosi %add3A_400 : vector<16xf32> to vector<16xi32>
        %convert_element_type3A_402 = arith.sitofp %convert_element_type3A_401 : vector<16xi32> to vector<16xf32>
        %sub3A_403 = arith.subf %mul3A_394, %convert_element_type3A_402 : vector<16xf32>
        %mul3A_404 = arith.mulf %sub3A_403, %sub3A_403 : vector<16xf32>
        %mul3A_405 = arith.constant 3.19969988 : f32
        %mul3A_406 = vector.broadcast %mul3A_405 : f32 to vector<16xf32>
        %mul3A_407 = arith.mulf %mul3A_406, %mul3A_404 : vector<16xf32>
        %add3A_408 = arith.constant -14.8686161 : f32
        %add3A_409 = vector.broadcast %add3A_408 : f32 to vector<16xf32>
        %add3A_410 = arith.addf %mul3A_407, %add3A_409 : vector<16xf32>
        %mul3A_411 = arith.mulf %add3A_410, %mul3A_404 : vector<16xf32>
        %add3A_412 = arith.constant 42.0161667 : f32
        %add3A_413 = vector.broadcast %add3A_412 : f32 to vector<16xf32>
        %add3A_414 = arith.addf %mul3A_411, %add3A_413 : vector<16xf32>
        %mul3A_415 = arith.mulf %add3A_414, %mul3A_404 : vector<16xf32>
        %add3A_416 = arith.constant -76.7015533 : f32
        %add3A_417 = vector.broadcast %add3A_416 : f32 to vector<16xf32>
        %add3A_418 = arith.addf %mul3A_415, %add3A_417 : vector<16xf32>
        %mul3A_419 = arith.mulf %add3A_418, %mul3A_404 : vector<16xf32>
        %add3A_420 = arith.constant 81.6050262 : f32
        %add3A_421 = vector.broadcast %add3A_420 : f32 to vector<16xf32>
        %add3A_422 = arith.addf %mul3A_419, %add3A_421 : vector<16xf32>
        %mul3A_423 = arith.mulf %add3A_422, %mul3A_404 : vector<16xf32>
        %add3A_424 = arith.constant -41.3416977 : f32
        %add3A_425 = vector.broadcast %add3A_424 : f32 to vector<16xf32>
        %add3A_426 = arith.addf %mul3A_423, %add3A_425 : vector<16xf32>
        %mul3A_427 = arith.mulf %add3A_426, %mul3A_404 : vector<16xf32>
        %add3A_428 = arith.constant 6.28318548 : f32
        %add3A_429 = vector.broadcast %add3A_428 : f32 to vector<16xf32>
        %add3A_430 = arith.addf %mul3A_427, %add3A_429 : vector<16xf32>
        %mul3A_431 = arith.mulf %sub3A_403, %add3A_430 : vector<16xf32>
        %mul3A_432 = arith.mulf %gather3A_379, %mul3A_431 : vector<16xf32>
        %add3A_433 = arith.addf %gather3A_374, %mul3A_432 : vector<16xf32>
        %add3A_434 = arith.constant 32 : i32
        %add3A_435 = vector.broadcast %add3A_434 : i32 to vector<16xi32>
        %add3A_436 = arith.addi %add3A_358, %add3A_435 : vector<16xi32>
        %scatter3A_437 = arith.constant 0 : i32
        %scatter3A_438 = arith.constant 0 : i32
        %scatter3A_439 = tpu.memref_slice %arg21[%and3A_352, %scatter3A_437, %scatter3A_438] : memref<2x128x128xf32, #tpu.memory_space<vmem>> -> memref<1x128x128xf32, #tpu.memory_space<vmem>>
        %scatter3A_440 = tpu.memref_squeeze %scatter3A_439 : memref<1x128x128xf32, #tpu.memory_space<vmem>> -> memref<128x128xf32, #tpu.memory_space<vmem>>
        tpu.vector_store_idx %scatter3A_440[%broadcast_in_dim3A_355, %add3A_436], %add3A_433 : memref<128x128xf32, #tpu.memory_space<vmem>>[vector<16xi32>, vector<16xi32>], vector<16xf32>,
        %add3A_441 = arith.constant 16 : i32
        %add3A_442 = vector.broadcast %add3A_441 : i32 to vector<16xi32>
        %add3A_443 = arith.addi %iota3A, %add3A_442 : vector<16xi32>
        %gather3A_444 = arith.constant 0 : i32
        %gather3A_445 = arith.constant 0 : i32
        %gather3A_446 = tpu.memref_slice %arg17[%and3A_192, %gather3A_444, %gather3A_445] : memref<2x64x128xf32, #tpu.memory_space<vmem>> -> memref<1x64x128xf32, #tpu.memory_space<vmem>>
        %gather3A_447 = tpu.memref_squeeze %gather3A_446 : memref<1x64x128xf32, #tpu.memory_space<vmem>> -> memref<64x128xf32, #tpu.memory_space<vmem>>
        %gather3A_448 = tpu.vector_load_idx %gather3A_447[%add3A_443, %broadcast_in_dim3A_344] : memref<64x128xf32, #tpu.memory_space<vmem>>[vector<16xi32>, vector<16xi32>], vector<16xf32>,
        %scatter3A_449 = arith.constant 0 : i32
        %scatter3A_450 = arith.constant 0 : i32
        %scatter3A_451 = tpu.memref_slice %arg21[%and3A_352, %scatter3A_449, %scatter3A_450] : memref<2x128x128xf32, #tpu.memory_space<vmem>> -> memref<1x128x128xf32, #tpu.memory_space<vmem>>
        %scatter3A_452 = tpu.memref_squeeze %scatter3A_451 : memref<1x128x128xf32, #tpu.memory_space<vmem>> -> memref<128x128xf32, #tpu.memory_space<vmem>>
        tpu.vector_store_idx %scatter3A_452[%broadcast_in_dim3A_355, %add3A_443], %gather3A_448 : memref<128x128xf32, #tpu.memory_space<vmem>>[vector<16xi32>, vector<16xi32>], vector<16xf32>,
        %add3A_453 = arith.constant 32 : i32
        %add3A_454 = vector.broadcast %add3A_453 : i32 to vector<16xi32>
        %add3A_455 = arith.addi %add3A_443, %add3A_454 : vector<16xi32>
        %gather3A_456 = arith.constant 0 : i32
        %gather3A_457 = arith.constant 0 : i32
        %gather3A_458 = tpu.memref_slice %arg17[%and3A_192, %gather3A_456, %gather3A_457] : memref<2x64x128xf32, #tpu.memory_space<vmem>> -> memref<1x64x128xf32, #tpu.memory_space<vmem>>
        %gather3A_459 = tpu.memref_squeeze %gather3A_458 : memref<1x64x128xf32, #tpu.memory_space<vmem>> -> memref<64x128xf32, #tpu.memory_space<vmem>>
        %gather3A_460 = tpu.vector_load_idx %gather3A_459[%add3A_455, %broadcast_in_dim3A_344] : memref<64x128xf32, #tpu.memory_space<vmem>>[vector<16xi32>, vector<16xi32>], vector<16xf32>,
        %gather3A_461 = arith.constant 0 : i32
        %gather3A_462 = arith.constant 0 : i32
        %gather3A_463 = tpu.memref_slice %arg18[%and3A_192, %gather3A_461, %gather3A_462] : memref<2x32x128xf32, #tpu.memory_space<vmem>> -> memref<1x32x128xf32, #tpu.memory_space<vmem>>
        %gather3A_464 = tpu.memref_squeeze %gather3A_463 : memref<1x32x128xf32, #tpu.memory_space<vmem>> -> memref<32x128xf32, #tpu.memory_space<vmem>>
        %gather3A_465 = tpu.vector_load_idx %gather3A_464[%add3A_443, %broadcast_in_dim3A_344] : memref<32x128xf32, #tpu.memory_space<vmem>>[vector<16xi32>, vector<16xi32>], vector<16xf32>,
        %gather3A_466 = arith.constant 0 : i32
        %gather3A_467 = arith.constant 0 : i32
        %gather3A_468 = tpu.memref_slice %arg19[%and3A_192, %gather3A_466, %gather3A_467] : memref<2x32x128xf32, #tpu.memory_space<vmem>> -> memref<1x32x128xf32, #tpu.memory_space<vmem>>
        %gather3A_469 = tpu.memref_squeeze %gather3A_468 : memref<1x32x128xf32, #tpu.memory_space<vmem>> -> memref<32x128xf32, #tpu.memory_space<vmem>>
        %gather3A_470 = tpu.vector_load_idx %gather3A_469[%add3A_443, %broadcast_in_dim3A_344] : memref<32x128xf32, #tpu.memory_space<vmem>>[vector<16xi32>, vector<16xi32>], vector<16xf32>,
        %gather3A_471 = arith.constant 0 : i32
        %gather3A_472 = arith.constant 0 : i32
        %gather3A_473 = tpu.memref_slice %arg20[%and3A_192, %gather3A_471, %gather3A_472] : memref<2x32x128xf32, #tpu.memory_space<vmem>> -> memref<1x32x128xf32, #tpu.memory_space<vmem>>
        %gather3A_474 = tpu.memref_squeeze %gather3A_473 : memref<1x32x128xf32, #tpu.memory_space<vmem>> -> memref<32x128xf32, #tpu.memory_space<vmem>>
        %gather3A_475 = tpu.vector_load_idx %gather3A_474[%add3A_443, %broadcast_in_dim3A_344] : memref<32x128xf32, #tpu.memory_space<vmem>>[vector<16xi32>, vector<16xi32>], vector<16xf32>,
        %mul3A_476 = arith.mulf %gather3A_470, %broadcast_in_dim3A_349 : vector<16xf32>
        %add3A_477 = arith.addf %mul3A_476, %gather3A_475 : vector<16xf32>
        %mul3A_478 = arith.constant 0.159154937 : f32
        %mul3A_479 = vector.broadcast %mul3A_478 : f32 to vector<16xf32>
        %mul3A_480 = arith.mulf %add3A_477, %mul3A_479 : vector<16xf32>
        %ge3A_481 = arith.constant 0.000000e+00 : f32
        %ge3A_482 = vector.broadcast %ge3A_481 : f32 to vector<16xf32>
        %ge3A_483 = arith.cmpf oge, %mul3A_480, %ge3A_482 : vector<16xf32>
        %jit3A_484 = arith.constant 5.000000e-01 : f32
        %jit3A_485 = arith.constant -5.000000e-01 : f32
        %broadcast_in_dim3A_486 = vector.broadcast %jit3A_484 : f32 to vector<16xf32>
        %broadcast_in_dim3A_487 = vector.broadcast %jit3A_485 : f32 to vector<16xf32>
        %select_n3A_488 = arith.select %ge3A_483, %broadcast_in_dim3A_486, %broadcast_in_dim3A_487 : vector<16xi1>, vector<16xf32>
        %add3A_489 = arith.addf %mul3A_480, %select_n3A_488 : vector<16xf32>
        %convert_element_type3A_490 = arith.fptosi %add3A_489 : vector<16xf32> to vector<16xi32>
        %convert_element_type3A_491 = arith.sitofp %convert_element_type3A_490 : vector<16xi32> to vector<16xf32>
        %sub3A_492 = arith.subf %mul3A_480, %convert_element_type3A_491 : vector<16xf32>
        %mul3A_493 = arith.mulf %sub3A_492, %sub3A_492 : vector<16xf32>
        %mul3A_494 = arith.constant 3.19969988 : f32
        %mul3A_495 = vector.broadcast %mul3A_494 : f32 to vector<16xf32>
        %mul3A_496 = arith.mulf %mul3A_495, %mul3A_493 : vector<16xf32>
        %add3A_497 = arith.constant -14.8686161 : f32
        %add3A_498 = vector.broadcast %add3A_497 : f32 to vector<16xf32>
        %add3A_499 = arith.addf %mul3A_496, %add3A_498 : vector<16xf32>
        %mul3A_500 = arith.mulf %add3A_499, %mul3A_493 : vector<16xf32>
        %add3A_501 = arith.constant 42.0161667 : f32
        %add3A_502 = vector.broadcast %add3A_501 : f32 to vector<16xf32>
        %add3A_503 = arith.addf %mul3A_500, %add3A_502 : vector<16xf32>
        %mul3A_504 = arith.mulf %add3A_503, %mul3A_493 : vector<16xf32>
        %add3A_505 = arith.constant -76.7015533 : f32
        %add3A_506 = vector.broadcast %add3A_505 : f32 to vector<16xf32>
        %add3A_507 = arith.addf %mul3A_504, %add3A_506 : vector<16xf32>
        %mul3A_508 = arith.mulf %add3A_507, %mul3A_493 : vector<16xf32>
        %add3A_509 = arith.constant 81.6050262 : f32
        %add3A_510 = vector.broadcast %add3A_509 : f32 to vector<16xf32>
        %add3A_511 = arith.addf %mul3A_508, %add3A_510 : vector<16xf32>
        %mul3A_512 = arith.mulf %add3A_511, %mul3A_493 : vector<16xf32>
        %add3A_513 = arith.constant -41.3416977 : f32
        %add3A_514 = vector.broadcast %add3A_513 : f32 to vector<16xf32>
        %add3A_515 = arith.addf %mul3A_512, %add3A_514 : vector<16xf32>
        %mul3A_516 = arith.mulf %add3A_515, %mul3A_493 : vector<16xf32>
        %add3A_517 = arith.constant 6.28318548 : f32
        %add3A_518 = vector.broadcast %add3A_517 : f32 to vector<16xf32>
        %add3A_519 = arith.addf %mul3A_516, %add3A_518 : vector<16xf32>
        %mul3A_520 = arith.mulf %sub3A_492, %add3A_519 : vector<16xf32>
        %mul3A_521 = arith.mulf %gather3A_465, %mul3A_520 : vector<16xf32>
        %add3A_522 = arith.addf %gather3A_460, %mul3A_521 : vector<16xf32>
        %add3A_523 = arith.constant 32 : i32
        %add3A_524 = vector.broadcast %add3A_523 : i32 to vector<16xi32>
        %add3A_525 = arith.addi %add3A_443, %add3A_524 : vector<16xi32>
        %scatter3A_526 = arith.constant 0 : i32
        %scatter3A_527 = arith.constant 0 : i32
        %scatter3A_528 = tpu.memref_slice %arg21[%and3A_352, %scatter3A_526, %scatter3A_527] : memref<2x128x128xf32, #tpu.memory_space<vmem>> -> memref<1x128x128xf32, #tpu.memory_space<vmem>>
        %scatter3A_529 = tpu.memref_squeeze %scatter3A_528 : memref<1x128x128xf32, #tpu.memory_space<vmem>> -> memref<128x128xf32, #tpu.memory_space<vmem>>
        tpu.vector_store_idx %scatter3A_529[%broadcast_in_dim3A_355, %add3A_525], %add3A_522 : memref<128x128xf32, #tpu.memory_space<vmem>>[vector<16xi32>, vector<16xi32>], vector<16xf32>,
        %broadcast_in_dim3A_530 = vector.broadcast %and3A_352 : i32 to vector<16xi32>
        %and3A_531 = arith.constant 127 : i32
        %and3A_532 = arith.andi %while3A_328, %and3A_531 : i32
        %broadcast_in_dim3A_533 = vector.broadcast %and3A_532 : i32 to vector<16xi32>
        %broadcast_in_dim3A_534 = vector.broadcast %squeeze3A_337 : i32 to vector<16xi32>
        tpu.vector_store_idx %arg22[%broadcast_in_dim3A_530, %broadcast_in_dim3A_533], %broadcast_in_dim3A_534 masked %eq3A_7 : memref<2x128xi32, #tpu.memory_space<vmem>>[vector<16xi32>, vector<16xi32>], vector<16xi32>, vector<16xi1>
        %add3A_535 = arith.constant 1 : i32
        %add3A_536 = arith.addi %while3A_328, %add3A_535 : i32
        %and3A_537 = arith.constant 127 : i32
        %and3A_538 = arith.andi %add3A_536, %and3A_537 : i32
        %eq3A_539 = arith.constant 0 : i32
        %eq3A_540 = arith.cmpi eq, %and3A_538, %eq3A_539 : i32
        %convert_element_type3A_541 = arith.extui %eq3A_540 : i1 to i32
        %cond3A_542 = arith.constant 0 : i32
        %cond3A_543 = arith.cmpi ne, %convert_element_type3A_541, %cond3A_542 : i32
        scf.if %cond3A_543 {
          %dma_start3A_544 = arith.constant 0 : i32
          %dma_start3A_545 = arith.constant 0 : i32
          %dma_start3A_546 = tpu.memref_slice %arg21[%and3A_352, %dma_start3A_544, %dma_start3A_545] : memref<2x128x128xf32, #tpu.memory_space<vmem>> -> memref<1x128x128xf32, #tpu.memory_space<vmem>>
          %dma_start3A_547 = tpu.memref_squeeze %dma_start3A_546 : memref<1x128x128xf32, #tpu.memory_space<vmem>> -> memref<128x128xf32, #tpu.memory_space<vmem>>
          %dma_start3A_548 = arith.constant 0 : i32
          %dma_start3A_549 = tpu.memref_slice %arg22[%and3A_352, %dma_start3A_548] : memref<2x128xi32, #tpu.memory_space<vmem>> -> memref<1x128xi32, #tpu.memory_space<vmem>>
          %dma_start3A_550 = tpu.memref_squeeze %dma_start3A_549 : memref<1x128xi32, #tpu.memory_space<vmem>> -> memref<128xi32, #tpu.memory_space<vmem>>
          %dma_start3A_551 = arith.constant 0 : i32
          %dma_start3A_552 = arith.constant 0 : i32
          %dma_start3A_553 = tpu.memref_slice %arg8[%dma_start3A_551, %dma_start3A_552] : memref<16384x128xf32, #tpu.memory_space<hbm>> -> memref<16384x128xf32, #tpu.memory_space<hbm>>
          %dma_start3A_554 = arith.constant -1 : i32
          tpu.enqueue_indirect_dma source(%dma_start3A_547 : memref<128x128xf32, #tpu.memory_space<vmem>>) target(%dma_start3A_553 : memref<16384x128xf32, #tpu.memory_space<hbm>>) offsets(%dma_start3A_550 : memref<128xi32, #tpu.memory_space<vmem>>) offset_filter(%dma_start3A_554) semaphore(%arg27 : memref<!tpu.dma_semaphore, #tpu.memory_space<semaphore_mem>>)
          %dma_wait3A_555 = arith.constant 0 : i32
          %dma_wait3A_556 = arith.constant 0 : i32
          %dma_wait3A_557 = tpu.memref_slice %arg21[%and3A_352, %dma_wait3A_555, %dma_wait3A_556] : memref<2x128x128xf32, #tpu.memory_space<vmem>> -> memref<1x128x128xf32, #tpu.memory_space<vmem>>
          %dma_wait3A_558 = tpu.memref_squeeze %dma_wait3A_557 : memref<1x128x128xf32, #tpu.memory_space<vmem>> -> memref<128x128xf32, #tpu.memory_space<vmem>>
          %dma_wait3A_559 = arith.constant 0 : i32
          %dma_wait3A_560 = tpu.memref_slice %arg22[%and3A_352, %dma_wait3A_559] : memref<2x128xi32, #tpu.memory_space<vmem>> -> memref<1x128xi32, #tpu.memory_space<vmem>>
          %dma_wait3A_561 = tpu.memref_squeeze %dma_wait3A_560 : memref<1x128xi32, #tpu.memory_space<vmem>> -> memref<128xi32, #tpu.memory_space<vmem>>
          %dma_wait3A_562 = arith.constant 0 : i32
          %dma_wait3A_563 = arith.constant 0 : i32
          %dma_wait3A_564 = tpu.memref_slice %arg8[%dma_wait3A_562, %dma_wait3A_563] : memref<16384x128xf32, #tpu.memory_space<hbm>> -> memref<16384x128xf32, #tpu.memory_space<hbm>>
          tpu.wait_indirect_dma semaphore(%arg27 : memref<!tpu.dma_semaphore, #tpu.memory_space<semaphore_mem>>) src(%dma_wait3A_558 : memref<128x128xf32, #tpu.memory_space<vmem>>) dst(%dma_wait3A_564 : memref<16384x128xf32, #tpu.memory_space<hbm>>)
          %broadcast_in_dim3A_565 = arith.constant -1 : i32
          %broadcast_in_dim3A_566 = vector.broadcast %broadcast_in_dim3A_565 : i32 to vector<16xi32>
          %swap3A_567 = arith.index_cast %and3A_352 : i32 to index
          %swap3A_568 = arith.constant 0 : index
          %swap3A_569 = tpu.vector_load %arg22[%swap3A_567, %swap3A_568] {strides = array<i32>} : memref<2x128xi32, #tpu.memory_space<vmem>>, vector<16xi32>,
          tpu.vector_store %arg22[%swap3A_567, %swap3A_568], %broadcast_in_dim3A_566 {strides = array<i32>} : memref<2x128xi32, #tpu.memory_space<vmem>>, vector<16xi32>,
          %broadcast_in_dim3A_570 = arith.constant -1 : i32
          %broadcast_in_dim3A_571 = vector.broadcast %broadcast_in_dim3A_570 : i32 to vector<16xi32>
          %swap3A_572 = arith.index_cast %and3A_352 : i32 to index
          %swap3A_573 = arith.constant 16 : index
          %swap3A_574 = tpu.vector_load %arg22[%swap3A_572, %swap3A_573] {strides = array<i32>} : memref<2x128xi32, #tpu.memory_space<vmem>>, vector<16xi32>,
          tpu.vector_store %arg22[%swap3A_572, %swap3A_573], %broadcast_in_dim3A_571 {strides = array<i32>} : memref<2x128xi32, #tpu.memory_space<vmem>>, vector<16xi32>,
          %broadcast_in_dim3A_575 = arith.constant -1 : i32
          %broadcast_in_dim3A_576 = vector.broadcast %broadcast_in_dim3A_575 : i32 to vector<16xi32>
          %swap3A_577 = arith.index_cast %and3A_352 : i32 to index
          %swap3A_578 = arith.constant 32 : index
          %swap3A_579 = tpu.vector_load %arg22[%swap3A_577, %swap3A_578] {strides = array<i32>} : memref<2x128xi32, #tpu.memory_space<vmem>>, vector<16xi32>,
          tpu.vector_store %arg22[%swap3A_577, %swap3A_578], %broadcast_in_dim3A_576 {strides = array<i32>} : memref<2x128xi32, #tpu.memory_space<vmem>>, vector<16xi32>,
          %broadcast_in_dim3A_580 = arith.constant -1 : i32
          %broadcast_in_dim3A_581 = vector.broadcast %broadcast_in_dim3A_580 : i32 to vector<16xi32>
          %swap3A_582 = arith.index_cast %and3A_352 : i32 to index
          %swap3A_583 = arith.constant 48 : index
          %swap3A_584 = tpu.vector_load %arg22[%swap3A_582, %swap3A_583] {strides = array<i32>} : memref<2x128xi32, #tpu.memory_space<vmem>>, vector<16xi32>,
          tpu.vector_store %arg22[%swap3A_582, %swap3A_583], %broadcast_in_dim3A_581 {strides = array<i32>} : memref<2x128xi32, #tpu.memory_space<vmem>>, vector<16xi32>,
          %broadcast_in_dim3A_585 = arith.constant -1 : i32
          %broadcast_in_dim3A_586 = vector.broadcast %broadcast_in_dim3A_585 : i32 to vector<16xi32>
          %swap3A_587 = arith.index_cast %and3A_352 : i32 to index
          %swap3A_588 = arith.constant 64 : index
          %swap3A_589 = tpu.vector_load %arg22[%swap3A_587, %swap3A_588] {strides = array<i32>} : memref<2x128xi32, #tpu.memory_space<vmem>>, vector<16xi32>,
          tpu.vector_store %arg22[%swap3A_587, %swap3A_588], %broadcast_in_dim3A_586 {strides = array<i32>} : memref<2x128xi32, #tpu.memory_space<vmem>>, vector<16xi32>,
          %broadcast_in_dim3A_590 = arith.constant -1 : i32
          %broadcast_in_dim3A_591 = vector.broadcast %broadcast_in_dim3A_590 : i32 to vector<16xi32>
          %swap3A_592 = arith.index_cast %and3A_352 : i32 to index
          %swap3A_593 = arith.constant 80 : index
          %swap3A_594 = tpu.vector_load %arg22[%swap3A_592, %swap3A_593] {strides = array<i32>} : memref<2x128xi32, #tpu.memory_space<vmem>>, vector<16xi32>,
          tpu.vector_store %arg22[%swap3A_592, %swap3A_593], %broadcast_in_dim3A_591 {strides = array<i32>} : memref<2x128xi32, #tpu.memory_space<vmem>>, vector<16xi32>,
          %broadcast_in_dim3A_595 = arith.constant -1 : i32
          %broadcast_in_dim3A_596 = vector.broadcast %broadcast_in_dim3A_595 : i32 to vector<16xi32>
          %swap3A_597 = arith.index_cast %and3A_352 : i32 to index
          %swap3A_598 = arith.constant 96 : index
          %swap3A_599 = tpu.vector_load %arg22[%swap3A_597, %swap3A_598] {strides = array<i32>} : memref<2x128xi32, #tpu.memory_space<vmem>>, vector<16xi32>,
          tpu.vector_store %arg22[%swap3A_597, %swap3A_598], %broadcast_in_dim3A_596 {strides = array<i32>} : memref<2x128xi32, #tpu.memory_space<vmem>>, vector<16xi32>,
          %broadcast_in_dim3A_600 = arith.constant -1 : i32
          %broadcast_in_dim3A_601 = vector.broadcast %broadcast_in_dim3A_600 : i32 to vector<16xi32>
          %swap3A_602 = arith.index_cast %and3A_352 : i32 to index
          %swap3A_603 = arith.constant 112 : index
          %swap3A_604 = tpu.vector_load %arg22[%swap3A_602, %swap3A_603] {strides = array<i32>} : memref<2x128xi32, #tpu.memory_space<vmem>>, vector<16xi32>,
          tpu.vector_store %arg22[%swap3A_602, %swap3A_603], %broadcast_in_dim3A_601 {strides = array<i32>} : memref<2x128xi32, #tpu.memory_space<vmem>>, vector<16xi32>,
        } else {
        }
        scf.yield %add3A_536 : i32
      }
      %while3A_325 = arith.constant 1 : i32
      %while3A_326 = scf.for %while3A_327 = %while3A_322 to %while3A_318 step %while3A_325 iter_args(%while3A_328 = %while3A_324) -> (i32)  : i32 {
        %broadcast_in_dim3A_329 = vector.broadcast %squeeze3A : i32 to vector<16xi32>
        %broadcast_in_dim3A_330 = vector.broadcast %while3A_327 : i32 to vector<16xi32>
        %gather3A_331 = tpu.vector_load_idx %arg14[%broadcast_in_dim3A_329, %broadcast_in_dim3A_330] : memref<245x64xi32, #tpu.memory_space<vmem>>[vector<16xi32>, vector<16xi32>], vector<16xi32>,
        %slice3A_332 = vector.extract_strided_slice %gather3A_331 {offsets = [0], sizes = [1], strides = [1]} : vector<16xi32> to vector<1xi32>
        %squeeze3A_333 = vector.extract %slice3A_332[0] : i32 from vector<1xi32>
        %get3A_334 = arith.index_cast %squeeze3A_333 : i32 to index
        %get3A_335 = tpu.vector_load %arg13[%get3A_334] {strides = array<i32>} : memref<2064xi32, #tpu.memory_space<vmem>>, vector<16xi32>,
        %slice3A_336 = vector.extract_strided_slice %get3A_335 {offsets = [0], sizes = [1], strides = [1]} : vector<16xi32> to vector<1xi32>
        %squeeze3A_337 = vector.extract %slice3A_336[0] : i32 from vector<1xi32>
        %get3A_338 = arith.index_cast %squeeze3A_333 : i32 to index
        %get3A_339 = tpu.vector_load %arg11[%get3A_338] {strides = array<i32>} : memref<2064xi32, #tpu.memory_space<vmem>>, vector<16xi32>,
        %slice3A_340 = vector.extract_strided_slice %get3A_339 {offsets = [0], sizes = [1], strides = [1]} : vector<16xi32> to vector<1xi32>
        %squeeze3A_341 = vector.extract %slice3A_340[0] : i32 from vector<1xi32>
        %and3A_342 = arith.constant 127 : i32
        %and3A_343 = arith.andi %squeeze3A_341, %and3A_342 : i32
        %broadcast_in_dim3A_344 = vector.broadcast %and3A_343 : i32 to vector<16xi32>
        %get3A_345 = arith.index_cast %squeeze3A_333 : i32 to index
        %get3A_346 = tpu.vector_load %arg12[%get3A_345] {strides = array<i32>} : memref<2064xf32, #tpu.memory_space<vmem>>, vector<16xf32>,
        %slice3A_347 = vector.extract_strided_slice %get3A_346 {offsets = [0], sizes = [1], strides = [1]} : vector<16xf32> to vector<1xf32>
        %squeeze3A_348 = vector.extract %slice3A_347[0] : f32 from vector<1xf32>
        %broadcast_in_dim3A_349 = vector.broadcast %squeeze3A_348 : f32 to vector<16xf32>
        %shift_right_logical3A = arith.constant 7 : i32
        %shift_right_logical3A_350 = arith.shrui %while3A_328, %shift_right_logical3A : i32
        %and3A_351 = arith.constant 1 : i32
        %and3A_352 = arith.andi %shift_right_logical3A_350, %and3A_351 : i32
        %and3A_353 = arith.constant 127 : i32
        %and3A_354 = arith.andi %while3A_328, %and3A_353 : i32
        %broadcast_in_dim3A_355 = vector.broadcast %and3A_354 : i32 to vector<16xi32>
        %add3A_356 = arith.constant 0 : i32
        %add3A_357 = vector.broadcast %add3A_356 : i32 to vector<16xi32>
        %add3A_358 = arith.addi %iota3A, %add3A_357 : vector<16xi32>
        %gather3A_359 = arith.constant 0 : i32
        %gather3A_360 = arith.constant 0 : i32
        %gather3A_361 = tpu.memref_slice %arg17[%and3A_192, %gather3A_359, %gather3A_360] : memref<2x64x128xf32, #tpu.memory_space<vmem>> -> memref<1x64x128xf32, #tpu.memory_space<vmem>>
        %gather3A_362 = tpu.memref_squeeze %gather3A_361 : memref<1x64x128xf32, #tpu.memory_space<vmem>> -> memref<64x128xf32, #tpu.memory_space<vmem>>
        %gather3A_363 = tpu.vector_load_idx %gather3A_362[%add3A_358, %broadcast_in_dim3A_344] : memref<64x128xf32, #tpu.memory_space<vmem>>[vector<16xi32>, vector<16xi32>], vector<16xf32>,
        %scatter3A = arith.constant 0 : i32
        %scatter3A_364 = arith.constant 0 : i32
        %scatter3A_365 = tpu.memref_slice %arg21[%and3A_352, %scatter3A, %scatter3A_364] : memref<2x128x128xf32, #tpu.memory_space<vmem>> -> memref<1x128x128xf32, #tpu.memory_space<vmem>>
        %scatter3A_366 = tpu.memref_squeeze %scatter3A_365 : memref<1x128x128xf32, #tpu.memory_space<vmem>> -> memref<128x128xf32, #tpu.memory_space<vmem>>
        tpu.vector_store_idx %scatter3A_366[%broadcast_in_dim3A_355, %add3A_358], %gather3A_363 : memref<128x128xf32, #tpu.memory_space<vmem>>[vector<16xi32>, vector<16xi32>], vector<16xf32>,
        %add3A_367 = arith.constant 32 : i32
        %add3A_368 = vector.broadcast %add3A_367 : i32 to vector<16xi32>
        %add3A_369 = arith.addi %add3A_358, %add3A_368 : vector<16xi32>
        %gather3A_370 = arith.constant 0 : i32
        %gather3A_371 = arith.constant 0 : i32
        %gather3A_372 = tpu.memref_slice %arg17[%and3A_192, %gather3A_370, %gather3A_371] : memref<2x64x128xf32, #tpu.memory_space<vmem>> -> memref<1x64x128xf32, #tpu.memory_space<vmem>>
        %gather3A_373 = tpu.memref_squeeze %gather3A_372 : memref<1x64x128xf32, #tpu.memory_space<vmem>> -> memref<64x128xf32, #tpu.memory_space<vmem>>
        %gather3A_374 = tpu.vector_load_idx %gather3A_373[%add3A_369, %broadcast_in_dim3A_344] : memref<64x128xf32, #tpu.memory_space<vmem>>[vector<16xi32>, vector<16xi32>], vector<16xf32>,
        %gather3A_375 = arith.constant 0 : i32
        %gather3A_376 = arith.constant 0 : i32
        %gather3A_377 = tpu.memref_slice %arg18[%and3A_192, %gather3A_375, %gather3A_376] : memref<2x32x128xf32, #tpu.memory_space<vmem>> -> memref<1x32x128xf32, #tpu.memory_space<vmem>>
        %gather3A_378 = tpu.memref_squeeze %gather3A_377 : memref<1x32x128xf32, #tpu.memory_space<vmem>> -> memref<32x128xf32, #tpu.memory_space<vmem>>
        %gather3A_379 = tpu.vector_load_idx %gather3A_378[%add3A_358, %broadcast_in_dim3A_344] : memref<32x128xf32, #tpu.memory_space<vmem>>[vector<16xi32>, vector<16xi32>], vector<16xf32>,
        %gather3A_380 = arith.constant 0 : i32
        %gather3A_381 = arith.constant 0 : i32
        %gather3A_382 = tpu.memref_slice %arg19[%and3A_192, %gather3A_380, %gather3A_381] : memref<2x32x128xf32, #tpu.memory_space<vmem>> -> memref<1x32x128xf32, #tpu.memory_space<vmem>>
        %gather3A_383 = tpu.memref_squeeze %gather3A_382 : memref<1x32x128xf32, #tpu.memory_space<vmem>> -> memref<32x128xf32, #tpu.memory_space<vmem>>
        %gather3A_384 = tpu.vector_load_idx %gather3A_383[%add3A_358, %broadcast_in_dim3A_344] : memref<32x128xf32, #tpu.memory_space<vmem>>[vector<16xi32>, vector<16xi32>], vector<16xf32>,
        %gather3A_385 = arith.constant 0 : i32
        %gather3A_386 = arith.constant 0 : i32
        %gather3A_387 = tpu.memref_slice %arg20[%and3A_192, %gather3A_385, %gather3A_386] : memref<2x32x128xf32, #tpu.memory_space<vmem>> -> memref<1x32x128xf32, #tpu.memory_space<vmem>>
        %gather3A_388 = tpu.memref_squeeze %gather3A_387 : memref<1x32x128xf32, #tpu.memory_space<vmem>> -> memref<32x128xf32, #tpu.memory_space<vmem>>
        %gather3A_389 = tpu.vector_load_idx %gather3A_388[%add3A_358, %broadcast_in_dim3A_344] : memref<32x128xf32, #tpu.memory_space<vmem>>[vector<16xi32>, vector<16xi32>], vector<16xf32>,
        %mul3A_390 = arith.mulf %gather3A_384, %broadcast_in_dim3A_349 : vector<16xf32>
        %add3A_391 = arith.addf %mul3A_390, %gather3A_389 : vector<16xf32>
        %mul3A_392 = arith.constant 0.159154937 : f32
        %mul3A_393 = vector.broadcast %mul3A_392 : f32 to vector<16xf32>
        %mul3A_394 = arith.mulf %add3A_391, %mul3A_393 : vector<16xf32>
        %ge3A = arith.constant 0.000000e+00 : f32
        %ge3A_395 = vector.broadcast %ge3A : f32 to vector<16xf32>
        %ge3A_396 = arith.cmpf oge, %mul3A_394, %ge3A_395 : vector<16xf32>
        %jit3A = arith.constant 5.000000e-01 : f32
        %jit3A_397 = arith.constant -5.000000e-01 : f32
        %broadcast_in_dim3A_398 = vector.broadcast %jit3A : f32 to vector<16xf32>
        %broadcast_in_dim3A_399 = vector.broadcast %jit3A_397 : f32 to vector<16xf32>
        %select_n3A = arith.select %ge3A_396, %broadcast_in_dim3A_398, %broadcast_in_dim3A_399 : vector<16xi1>, vector<16xf32>
        %add3A_400 = arith.addf %mul3A_394, %select_n3A : vector<16xf32>
        %convert_element_type3A_401 = arith.fptosi %add3A_400 : vector<16xf32> to vector<16xi32>
        %convert_element_type3A_402 = arith.sitofp %convert_element_type3A_401 : vector<16xi32> to vector<16xf32>
        %sub3A_403 = arith.subf %mul3A_394, %convert_element_type3A_402 : vector<16xf32>
        %mul3A_404 = arith.mulf %sub3A_403, %sub3A_403 : vector<16xf32>
        %mul3A_405 = arith.constant 3.19969988 : f32
        %mul3A_406 = vector.broadcast %mul3A_405 : f32 to vector<16xf32>
        %mul3A_407 = arith.mulf %mul3A_406, %mul3A_404 : vector<16xf32>
        %add3A_408 = arith.constant -14.8686161 : f32
        %add3A_409 = vector.broadcast %add3A_408 : f32 to vector<16xf32>
        %add3A_410 = arith.addf %mul3A_407, %add3A_409 : vector<16xf32>
        %mul3A_411 = arith.mulf %add3A_410, %mul3A_404 : vector<16xf32>
        %add3A_412 = arith.constant 42.0161667 : f32
        %add3A_413 = vector.broadcast %add3A_412 : f32 to vector<16xf32>
        %add3A_414 = arith.addf %mul3A_411, %add3A_413 : vector<16xf32>
        %mul3A_415 = arith.mulf %add3A_414, %mul3A_404 : vector<16xf32>
        %add3A_416 = arith.constant -76.7015533 : f32
        %add3A_417 = vector.broadcast %add3A_416 : f32 to vector<16xf32>
        %add3A_418 = arith.addf %mul3A_415, %add3A_417 : vector<16xf32>
        %mul3A_419 = arith.mulf %add3A_418, %mul3A_404 : vector<16xf32>
        %add3A_420 = arith.constant 81.6050262 : f32
        %add3A_421 = vector.broadcast %add3A_420 : f32 to vector<16xf32>
        %add3A_422 = arith.addf %mul3A_419, %add3A_421 : vector<16xf32>
        %mul3A_423 = arith.mulf %add3A_422, %mul3A_404 : vector<16xf32>
        %add3A_424 = arith.constant -41.3416977 : f32
        %add3A_425 = vector.broadcast %add3A_424 : f32 to vector<16xf32>
        %add3A_426 = arith.addf %mul3A_423, %add3A_425 : vector<16xf32>
        %mul3A_427 = arith.mulf %add3A_426, %mul3A_404 : vector<16xf32>
        %add3A_428 = arith.constant 6.28318548 : f32
        %add3A_429 = vector.broadcast %add3A_428 : f32 to vector<16xf32>
        %add3A_430 = arith.addf %mul3A_427, %add3A_429 : vector<16xf32>
        %mul3A_431 = arith.mulf %sub3A_403, %add3A_430 : vector<16xf32>
        %mul3A_432 = arith.mulf %gather3A_379, %mul3A_431 : vector<16xf32>
        %add3A_433 = arith.addf %gather3A_374, %mul3A_432 : vector<16xf32>
        %add3A_434 = arith.constant 32 : i32
        %add3A_435 = vector.broadcast %add3A_434 : i32 to vector<16xi32>
        %add3A_436 = arith.addi %add3A_358, %add3A_435 : vector<16xi32>
        %scatter3A_437 = arith.constant 0 : i32
        %scatter3A_438 = arith.constant 0 : i32
        %scatter3A_439 = tpu.memref_slice %arg21[%and3A_352, %scatter3A_437, %scatter3A_438] : memref<2x128x128xf32, #tpu.memory_space<vmem>> -> memref<1x128x128xf32, #tpu.memory_space<vmem>>
        %scatter3A_440 = tpu.memref_squeeze %scatter3A_439 : memref<1x128x128xf32, #tpu.memory_space<vmem>> -> memref<128x128xf32, #tpu.memory_space<vmem>>
        tpu.vector_store_idx %scatter3A_440[%broadcast_in_dim3A_355, %add3A_436], %add3A_433 : memref<128x128xf32, #tpu.memory_space<vmem>>[vector<16xi32>, vector<16xi32>], vector<16xf32>,
        %add3A_441 = arith.constant 16 : i32
        %add3A_442 = vector.broadcast %add3A_441 : i32 to vector<16xi32>
        %add3A_443 = arith.addi %iota3A, %add3A_442 : vector<16xi32>
        %gather3A_444 = arith.constant 0 : i32
        %gather3A_445 = arith.constant 0 : i32
        %gather3A_446 = tpu.memref_slice %arg17[%and3A_192, %gather3A_444, %gather3A_445] : memref<2x64x128xf32, #tpu.memory_space<vmem>> -> memref<1x64x128xf32, #tpu.memory_space<vmem>>
        %gather3A_447 = tpu.memref_squeeze %gather3A_446 : memref<1x64x128xf32, #tpu.memory_space<vmem>> -> memref<64x128xf32, #tpu.memory_space<vmem>>
        %gather3A_448 = tpu.vector_load_idx %gather3A_447[%add3A_443, %broadcast_in_dim3A_344] : memref<64x128xf32, #tpu.memory_space<vmem>>[vector<16xi32>, vector<16xi32>], vector<16xf32>,
        %scatter3A_449 = arith.constant 0 : i32
        %scatter3A_450 = arith.constant 0 : i32
        %scatter3A_451 = tpu.memref_slice %arg21[%and3A_352, %scatter3A_449, %scatter3A_450] : memref<2x128x128xf32, #tpu.memory_space<vmem>> -> memref<1x128x128xf32, #tpu.memory_space<vmem>>
        %scatter3A_452 = tpu.memref_squeeze %scatter3A_451 : memref<1x128x128xf32, #tpu.memory_space<vmem>> -> memref<128x128xf32, #tpu.memory_space<vmem>>
        tpu.vector_store_idx %scatter3A_452[%broadcast_in_dim3A_355, %add3A_443], %gather3A_448 : memref<128x128xf32, #tpu.memory_space<vmem>>[vector<16xi32>, vector<16xi32>], vector<16xf32>,
        %add3A_453 = arith.constant 32 : i32
        %add3A_454 = vector.broadcast %add3A_453 : i32 to vector<16xi32>
        %add3A_455 = arith.addi %add3A_443, %add3A_454 : vector<16xi32>
        %gather3A_456 = arith.constant 0 : i32
        %gather3A_457 = arith.constant 0 : i32
        %gather3A_458 = tpu.memref_slice %arg17[%and3A_192, %gather3A_456, %gather3A_457] : memref<2x64x128xf32, #tpu.memory_space<vmem>> -> memref<1x64x128xf32, #tpu.memory_space<vmem>>
        %gather3A_459 = tpu.memref_squeeze %gather3A_458 : memref<1x64x128xf32, #tpu.memory_space<vmem>> -> memref<64x128xf32, #tpu.memory_space<vmem>>
        %gather3A_460 = tpu.vector_load_idx %gather3A_459[%add3A_455, %broadcast_in_dim3A_344] : memref<64x128xf32, #tpu.memory_space<vmem>>[vector<16xi32>, vector<16xi32>], vector<16xf32>,
        %gather3A_461 = arith.constant 0 : i32
        %gather3A_462 = arith.constant 0 : i32
        %gather3A_463 = tpu.memref_slice %arg18[%and3A_192, %gather3A_461, %gather3A_462] : memref<2x32x128xf32, #tpu.memory_space<vmem>> -> memref<1x32x128xf32, #tpu.memory_space<vmem>>
        %gather3A_464 = tpu.memref_squeeze %gather3A_463 : memref<1x32x128xf32, #tpu.memory_space<vmem>> -> memref<32x128xf32, #tpu.memory_space<vmem>>
        %gather3A_465 = tpu.vector_load_idx %gather3A_464[%add3A_443, %broadcast_in_dim3A_344] : memref<32x128xf32, #tpu.memory_space<vmem>>[vector<16xi32>, vector<16xi32>], vector<16xf32>,
        %gather3A_466 = arith.constant 0 : i32
        %gather3A_467 = arith.constant 0 : i32
        %gather3A_468 = tpu.memref_slice %arg19[%and3A_192, %gather3A_466, %gather3A_467] : memref<2x32x128xf32, #tpu.memory_space<vmem>> -> memref<1x32x128xf32, #tpu.memory_space<vmem>>
        %gather3A_469 = tpu.memref_squeeze %gather3A_468 : memref<1x32x128xf32, #tpu.memory_space<vmem>> -> memref<32x128xf32, #tpu.memory_space<vmem>>
        %gather3A_470 = tpu.vector_load_idx %gather3A_469[%add3A_443, %broadcast_in_dim3A_344] : memref<32x128xf32, #tpu.memory_space<vmem>>[vector<16xi32>, vector<16xi32>], vector<16xf32>,
        %gather3A_471 = arith.constant 0 : i32
        %gather3A_472 = arith.constant 0 : i32
        %gather3A_473 = tpu.memref_slice %arg20[%and3A_192, %gather3A_471, %gather3A_472] : memref<2x32x128xf32, #tpu.memory_space<vmem>> -> memref<1x32x128xf32, #tpu.memory_space<vmem>>
        %gather3A_474 = tpu.memref_squeeze %gather3A_473 : memref<1x32x128xf32, #tpu.memory_space<vmem>> -> memref<32x128xf32, #tpu.memory_space<vmem>>
        %gather3A_475 = tpu.vector_load_idx %gather3A_474[%add3A_443, %broadcast_in_dim3A_344] : memref<32x128xf32, #tpu.memory_space<vmem>>[vector<16xi32>, vector<16xi32>], vector<16xf32>,
        %mul3A_476 = arith.mulf %gather3A_470, %broadcast_in_dim3A_349 : vector<16xf32>
        %add3A_477 = arith.addf %mul3A_476, %gather3A_475 : vector<16xf32>
        %mul3A_478 = arith.constant 0.159154937 : f32
        %mul3A_479 = vector.broadcast %mul3A_478 : f32 to vector<16xf32>
        %mul3A_480 = arith.mulf %add3A_477, %mul3A_479 : vector<16xf32>
        %ge3A_481 = arith.constant 0.000000e+00 : f32
        %ge3A_482 = vector.broadcast %ge3A_481 : f32 to vector<16xf32>
        %ge3A_483 = arith.cmpf oge, %mul3A_480, %ge3A_482 : vector<16xf32>
        %jit3A_484 = arith.constant 5.000000e-01 : f32
        %jit3A_485 = arith.constant -5.000000e-01 : f32
        %broadcast_in_dim3A_486 = vector.broadcast %jit3A_484 : f32 to vector<16xf32>
        %broadcast_in_dim3A_487 = vector.broadcast %jit3A_485 : f32 to vector<16xf32>
        %select_n3A_488 = arith.select %ge3A_483, %broadcast_in_dim3A_486, %broadcast_in_dim3A_487 : vector<16xi1>, vector<16xf32>
        %add3A_489 = arith.addf %mul3A_480, %select_n3A_488 : vector<16xf32>
        %convert_element_type3A_490 = arith.fptosi %add3A_489 : vector<16xf32> to vector<16xi32>
        %convert_element_type3A_491 = arith.sitofp %convert_element_type3A_490 : vector<16xi32> to vector<16xf32>
        %sub3A_492 = arith.subf %mul3A_480, %convert_element_type3A_491 : vector<16xf32>
        %mul3A_493 = arith.mulf %sub3A_492, %sub3A_492 : vector<16xf32>
        %mul3A_494 = arith.constant 3.19969988 : f32
        %mul3A_495 = vector.broadcast %mul3A_494 : f32 to vector<16xf32>
        %mul3A_496 = arith.mulf %mul3A_495, %mul3A_493 : vector<16xf32>
        %add3A_497 = arith.constant -14.8686161 : f32
        %add3A_498 = vector.broadcast %add3A_497 : f32 to vector<16xf32>
        %add3A_499 = arith.addf %mul3A_496, %add3A_498 : vector<16xf32>
        %mul3A_500 = arith.mulf %add3A_499, %mul3A_493 : vector<16xf32>
        %add3A_501 = arith.constant 42.0161667 : f32
        %add3A_502 = vector.broadcast %add3A_501 : f32 to vector<16xf32>
        %add3A_503 = arith.addf %mul3A_500, %add3A_502 : vector<16xf32>
        %mul3A_504 = arith.mulf %add3A_503, %mul3A_493 : vector<16xf32>
        %add3A_505 = arith.constant -76.7015533 : f32
        %add3A_506 = vector.broadcast %add3A_505 : f32 to vector<16xf32>
        %add3A_507 = arith.addf %mul3A_504, %add3A_506 : vector<16xf32>
        %mul3A_508 = arith.mulf %add3A_507, %mul3A_493 : vector<16xf32>
        %add3A_509 = arith.constant 81.6050262 : f32
        %add3A_510 = vector.broadcast %add3A_509 : f32 to vector<16xf32>
        %add3A_511 = arith.addf %mul3A_508, %add3A_510 : vector<16xf32>
        %mul3A_512 = arith.mulf %add3A_511, %mul3A_493 : vector<16xf32>
        %add3A_513 = arith.constant -41.3416977 : f32
        %add3A_514 = vector.broadcast %add3A_513 : f32 to vector<16xf32>
        %add3A_515 = arith.addf %mul3A_512, %add3A_514 : vector<16xf32>
        %mul3A_516 = arith.mulf %add3A_515, %mul3A_493 : vector<16xf32>
        %add3A_517 = arith.constant 6.28318548 : f32
        %add3A_518 = vector.broadcast %add3A_517 : f32 to vector<16xf32>
        %add3A_519 = arith.addf %mul3A_516, %add3A_518 : vector<16xf32>
        %mul3A_520 = arith.mulf %sub3A_492, %add3A_519 : vector<16xf32>
        %mul3A_521 = arith.mulf %gather3A_465, %mul3A_520 : vector<16xf32>
        %add3A_522 = arith.addf %gather3A_460, %mul3A_521 : vector<16xf32>
        %add3A_523 = arith.constant 32 : i32
        %add3A_524 = vector.broadcast %add3A_523 : i32 to vector<16xi32>
        %add3A_525 = arith.addi %add3A_443, %add3A_524 : vector<16xi32>
        %scatter3A_526 = arith.constant 0 : i32
        %scatter3A_527 = arith.constant 0 : i32
        %scatter3A_528 = tpu.memref_slice %arg21[%and3A_352, %scatter3A_526, %scatter3A_527] : memref<2x128x128xf32, #tpu.memory_space<vmem>> -> memref<1x128x128xf32, #tpu.memory_space<vmem>>
        %scatter3A_529 = tpu.memref_squeeze %scatter3A_528 : memref<1x128x128xf32, #tpu.memory_space<vmem>> -> memref<128x128xf32, #tpu.memory_space<vmem>>
        tpu.vector_store_idx %scatter3A_529[%broadcast_in_dim3A_355, %add3A_525], %add3A_522 : memref<128x128xf32, #tpu.memory_space<vmem>>[vector<16xi32>, vector<16xi32>], vector<16xf32>,
        %broadcast_in_dim3A_530 = vector.broadcast %and3A_352 : i32 to vector<16xi32>
        %and3A_531 = arith.constant 127 : i32
        %and3A_532 = arith.andi %while3A_328, %and3A_531 : i32
        %broadcast_in_dim3A_533 = vector.broadcast %and3A_532 : i32 to vector<16xi32>
        %broadcast_in_dim3A_534 = vector.broadcast %squeeze3A_337 : i32 to vector<16xi32>
        tpu.vector_store_idx %arg22[%broadcast_in_dim3A_530, %broadcast_in_dim3A_533], %broadcast_in_dim3A_534 masked %eq3A_7 : memref<2x128xi32, #tpu.memory_space<vmem>>[vector<16xi32>, vector<16xi32>], vector<16xi32>, vector<16xi1>
        %add3A_535 = arith.constant 1 : i32
        %add3A_536 = arith.addi %while3A_328, %add3A_535 : i32
        %and3A_537 = arith.constant 127 : i32
        %and3A_538 = arith.andi %add3A_536, %and3A_537 : i32
        %eq3A_539 = arith.constant 0 : i32
        %eq3A_540 = arith.cmpi eq, %and3A_538, %eq3A_539 : i32
        %convert_element_type3A_541 = arith.extui %eq3A_540 : i1 to i32
        %cond3A_542 = arith.constant 0 : i32
        %cond3A_543 = arith.cmpi ne, %convert_element_type3A_541, %cond3A_542 : i32
        scf.if %cond3A_543 {
          %dma_start3A_544 = arith.constant 0 : i32
          %dma_start3A_545 = arith.constant 0 : i32
          %dma_start3A_546 = tpu.memref_slice %arg21[%and3A_352, %dma_start3A_544, %dma_start3A_545] : memref<2x128x128xf32, #tpu.memory_space<vmem>> -> memref<1x128x128xf32, #tpu.memory_space<vmem>>
          %dma_start3A_547 = tpu.memref_squeeze %dma_start3A_546 : memref<1x128x128xf32, #tpu.memory_space<vmem>> -> memref<128x128xf32, #tpu.memory_space<vmem>>
          %dma_start3A_548 = arith.constant 0 : i32
          %dma_start3A_549 = tpu.memref_slice %arg22[%and3A_352, %dma_start3A_548] : memref<2x128xi32, #tpu.memory_space<vmem>> -> memref<1x128xi32, #tpu.memory_space<vmem>>
          %dma_start3A_550 = tpu.memref_squeeze %dma_start3A_549 : memref<1x128xi32, #tpu.memory_space<vmem>> -> memref<128xi32, #tpu.memory_space<vmem>>
          %dma_start3A_551 = arith.constant 0 : i32
          %dma_start3A_552 = arith.constant 0 : i32
          %dma_start3A_553 = tpu.memref_slice %arg8[%dma_start3A_551, %dma_start3A_552] : memref<16384x128xf32, #tpu.memory_space<hbm>> -> memref<16384x128xf32, #tpu.memory_space<hbm>>
          %dma_start3A_554 = arith.constant -1 : i32
          tpu.enqueue_indirect_dma source(%dma_start3A_547 : memref<128x128xf32, #tpu.memory_space<vmem>>) target(%dma_start3A_553 : memref<16384x128xf32, #tpu.memory_space<hbm>>) offsets(%dma_start3A_550 : memref<128xi32, #tpu.memory_space<vmem>>) offset_filter(%dma_start3A_554) semaphore(%arg27 : memref<!tpu.dma_semaphore, #tpu.memory_space<semaphore_mem>>)
          %dma_wait3A_555 = arith.constant 0 : i32
          %dma_wait3A_556 = arith.constant 0 : i32
          %dma_wait3A_557 = tpu.memref_slice %arg21[%and3A_352, %dma_wait3A_555, %dma_wait3A_556] : memref<2x128x128xf32, #tpu.memory_space<vmem>> -> memref<1x128x128xf32, #tpu.memory_space<vmem>>
          %dma_wait3A_558 = tpu.memref_squeeze %dma_wait3A_557 : memref<1x128x128xf32, #tpu.memory_space<vmem>> -> memref<128x128xf32, #tpu.memory_space<vmem>>
          %dma_wait3A_559 = arith.constant 0 : i32
          %dma_wait3A_560 = tpu.memref_slice %arg22[%and3A_352, %dma_wait3A_559] : memref<2x128xi32, #tpu.memory_space<vmem>> -> memref<1x128xi32, #tpu.memory_space<vmem>>
          %dma_wait3A_561 = tpu.memref_squeeze %dma_wait3A_560 : memref<1x128xi32, #tpu.memory_space<vmem>> -> memref<128xi32, #tpu.memory_space<vmem>>
          %dma_wait3A_562 = arith.constant 0 : i32
          %dma_wait3A_563 = arith.constant 0 : i32
          %dma_wait3A_564 = tpu.memref_slice %arg8[%dma_wait3A_562, %dma_wait3A_563] : memref<16384x128xf32, #tpu.memory_space<hbm>> -> memref<16384x128xf32, #tpu.memory_space<hbm>>
          tpu.wait_indirect_dma semaphore(%arg27 : memref<!tpu.dma_semaphore, #tpu.memory_space<semaphore_mem>>) src(%dma_wait3A_558 : memref<128x128xf32, #tpu.memory_space<vmem>>) dst(%dma_wait3A_564 : memref<16384x128xf32, #tpu.memory_space<hbm>>)
          %broadcast_in_dim3A_565 = arith.constant -1 : i32
          %broadcast_in_dim3A_566 = vector.broadcast %broadcast_in_dim3A_565 : i32 to vector<16xi32>
          %swap3A_567 = arith.index_cast %and3A_352 : i32 to index
          %swap3A_568 = arith.constant 0 : index
          %swap3A_569 = tpu.vector_load %arg22[%swap3A_567, %swap3A_568] {strides = array<i32>} : memref<2x128xi32, #tpu.memory_space<vmem>>, vector<16xi32>,
          tpu.vector_store %arg22[%swap3A_567, %swap3A_568], %broadcast_in_dim3A_566 {strides = array<i32>} : memref<2x128xi32, #tpu.memory_space<vmem>>, vector<16xi32>,
          %broadcast_in_dim3A_570 = arith.constant -1 : i32
          %broadcast_in_dim3A_571 = vector.broadcast %broadcast_in_dim3A_570 : i32 to vector<16xi32>
          %swap3A_572 = arith.index_cast %and3A_352 : i32 to index
          %swap3A_573 = arith.constant 16 : index
          %swap3A_574 = tpu.vector_load %arg22[%swap3A_572, %swap3A_573] {strides = array<i32>} : memref<2x128xi32, #tpu.memory_space<vmem>>, vector<16xi32>,
          tpu.vector_store %arg22[%swap3A_572, %swap3A_573], %broadcast_in_dim3A_571 {strides = array<i32>} : memref<2x128xi32, #tpu.memory_space<vmem>>, vector<16xi32>,
          %broadcast_in_dim3A_575 = arith.constant -1 : i32
          %broadcast_in_dim3A_576 = vector.broadcast %broadcast_in_dim3A_575 : i32 to vector<16xi32>
          %swap3A_577 = arith.index_cast %and3A_352 : i32 to index
          %swap3A_578 = arith.constant 32 : index
          %swap3A_579 = tpu.vector_load %arg22[%swap3A_577, %swap3A_578] {strides = array<i32>} : memref<2x128xi32, #tpu.memory_space<vmem>>, vector<16xi32>,
          tpu.vector_store %arg22[%swap3A_577, %swap3A_578], %broadcast_in_dim3A_576 {strides = array<i32>} : memref<2x128xi32, #tpu.memory_space<vmem>>, vector<16xi32>,
          %broadcast_in_dim3A_580 = arith.constant -1 : i32
          %broadcast_in_dim3A_581 = vector.broadcast %broadcast_in_dim3A_580 : i32 to vector<16xi32>
          %swap3A_582 = arith.index_cast %and3A_352 : i32 to index
          %swap3A_583 = arith.constant 48 : index
          %swap3A_584 = tpu.vector_load %arg22[%swap3A_582, %swap3A_583] {strides = array<i32>} : memref<2x128xi32, #tpu.memory_space<vmem>>, vector<16xi32>,
          tpu.vector_store %arg22[%swap3A_582, %swap3A_583], %broadcast_in_dim3A_581 {strides = array<i32>} : memref<2x128xi32, #tpu.memory_space<vmem>>, vector<16xi32>,
          %broadcast_in_dim3A_585 = arith.constant -1 : i32
          %broadcast_in_dim3A_586 = vector.broadcast %broadcast_in_dim3A_585 : i32 to vector<16xi32>
          %swap3A_587 = arith.index_cast %and3A_352 : i32 to index
          %swap3A_588 = arith.constant 64 : index
          %swap3A_589 = tpu.vector_load %arg22[%swap3A_587, %swap3A_588] {strides = array<i32>} : memref<2x128xi32, #tpu.memory_space<vmem>>, vector<16xi32>,
          tpu.vector_store %arg22[%swap3A_587, %swap3A_588], %broadcast_in_dim3A_586 {strides = array<i32>} : memref<2x128xi32, #tpu.memory_space<vmem>>, vector<16xi32>,
          %broadcast_in_dim3A_590 = arith.constant -1 : i32
          %broadcast_in_dim3A_591 = vector.broadcast %broadcast_in_dim3A_590 : i32 to vector<16xi32>
          %swap3A_592 = arith.index_cast %and3A_352 : i32 to index
          %swap3A_593 = arith.constant 80 : index
          %swap3A_594 = tpu.vector_load %arg22[%swap3A_592, %swap3A_593] {strides = array<i32>} : memref<2x128xi32, #tpu.memory_space<vmem>>, vector<16xi32>,
          tpu.vector_store %arg22[%swap3A_592, %swap3A_593], %broadcast_in_dim3A_591 {strides = array<i32>} : memref<2x128xi32, #tpu.memory_space<vmem>>, vector<16xi32>,
          %broadcast_in_dim3A_595 = arith.constant -1 : i32
          %broadcast_in_dim3A_596 = vector.broadcast %broadcast_in_dim3A_595 : i32 to vector<16xi32>
          %swap3A_597 = arith.index_cast %and3A_352 : i32 to index
          %swap3A_598 = arith.constant 96 : index
          %swap3A_599 = tpu.vector_load %arg22[%swap3A_597, %swap3A_598] {strides = array<i32>} : memref<2x128xi32, #tpu.memory_space<vmem>>, vector<16xi32>,
          tpu.vector_store %arg22[%swap3A_597, %swap3A_598], %broadcast_in_dim3A_596 {strides = array<i32>} : memref<2x128xi32, #tpu.memory_space<vmem>>, vector<16xi32>,
          %broadcast_in_dim3A_600 = arith.constant -1 : i32
          %broadcast_in_dim3A_601 = vector.broadcast %broadcast_in_dim3A_600 : i32 to vector<16xi32>
          %swap3A_602 = arith.index_cast %and3A_352 : i32 to index
          %swap3A_603 = arith.constant 112 : index
          %swap3A_604 = tpu.vector_load %arg22[%swap3A_602, %swap3A_603] {strides = array<i32>} : memref<2x128xi32, #tpu.memory_space<vmem>>, vector<16xi32>,
          tpu.vector_store %arg22[%swap3A_602, %swap3A_603], %broadcast_in_dim3A_601 {strides = array<i32>} : memref<2x128xi32, #tpu.memory_space<vmem>>, vector<16xi32>,
        } else {
        }
        scf.yield %add3A_536 : i32
      }
      scf.yield %while3A_326 : i32
    }
    %while3A_176 = arith.constant 1 : i32
    %while3A_177 = scf.for %while3A_188 = %while3A_173 to %while3A_169 step %while3A_176 iter_args(%while3A_189 = %while3A_175) -> (i32)  : i32 {
      %get3A = arith.index_cast %while3A_188 : i32 to index
      %get3A_190 = tpu.vector_load %arg16[%get3A] {strides = array<i32>} : memref<261xi32, #tpu.memory_space<vmem>>, vector<16xi32>,
      %slice3A = vector.extract_strided_slice %get3A_190 {offsets = [0], sizes = [1], strides = [1]} : vector<16xi32> to vector<1xi32>
      %squeeze3A = vector.extract %slice3A[0] : i32 from vector<1xi32>
      %and3A_191 = arith.constant 1 : i32
      %and3A_192 = arith.andi %while3A_188, %and3A_191 : i32
      %dma_wait3A_193 = arith.constant 0 : i32
      %dma_wait3A_194 = arith.constant 0 : i32
      %dma_wait3A_195 = tpu.memref_slice %arg17[%and3A_192, %dma_wait3A_193, %dma_wait3A_194] : memref<2x64x128xf32, #tpu.memory_space<vmem>> -> memref<1x64x128xf32, #tpu.memory_space<vmem>>
      %dma_wait3A_196 = tpu.memref_squeeze %dma_wait3A_195 : memref<1x64x128xf32, #tpu.memory_space<vmem>> -> memref<64x128xf32, #tpu.memory_space<vmem>>
      %dma_wait3A_197 = arith.constant 0 : i32
      %dma_wait3A_198 = arith.constant 0 : i32
      %dma_wait3A_199 = tpu.memref_slice %arg4[%dma_wait3A_197, %dma_wait3A_198] : memref<64x1000000xf32, #tpu.memory_space<hbm>> -> memref<64x128xf32, #tpu.memory_space<hbm>>
      %dma_wait3A_200 = arith.constant 0 : i32
      %dma_wait3A_201 = arith.constant 0 : i32
      %dma_wait3A_202 = tpu.memref_slice %arg17[%and3A_192, %dma_wait3A_200, %dma_wait3A_201] : memref<2x64x128xf32, #tpu.memory_space<vmem>> -> memref<1x64x128xf32, #tpu.memory_space<vmem>>
      %dma_wait3A_203 = tpu.memref_squeeze %dma_wait3A_202 : memref<1x64x128xf32, #tpu.memory_space<vmem>> -> memref<64x128xf32, #tpu.memory_space<vmem>>
      %dma_wait3A_204 = arith.constant 0 : i32
      %dma_wait3A_205 = arith.constant 0 : i32
      %dma_wait3A_206 = tpu.memref_slice %arg4[%dma_wait3A_204, %dma_wait3A_205] : memref<64x1000000xf32, #tpu.memory_space<hbm>> -> memref<64x128xf32, #tpu.memory_space<hbm>>
      tpu.wait_dma2 semaphore(%arg23 : memref<!tpu.dma_semaphore, #tpu.memory_space<semaphore_mem>>) src(%dma_wait3A_206 : memref<64x128xf32, #tpu.memory_space<hbm>>) dst(%dma_wait3A_203 : memref<64x128xf32, #tpu.memory_space<vmem>>)
      %dma_wait3A_207 = arith.constant 0 : i32
      %dma_wait3A_208 = arith.constant 0 : i32
      %dma_wait3A_209 = tpu.memref_slice %arg18[%and3A_192, %dma_wait3A_207, %dma_wait3A_208] : memref<2x32x128xf32, #tpu.memory_space<vmem>> -> memref<1x32x128xf32, #tpu.memory_space<vmem>>
      %dma_wait3A_210 = tpu.memref_squeeze %dma_wait3A_209 : memref<1x32x128xf32, #tpu.memory_space<vmem>> -> memref<32x128xf32, #tpu.memory_space<vmem>>
      %dma_wait3A_211 = arith.constant 0 : i32
      %dma_wait3A_212 = arith.constant 0 : i32
      %dma_wait3A_213 = tpu.memref_slice %arg5[%dma_wait3A_211, %dma_wait3A_212] : memref<32x1000000xf32, #tpu.memory_space<hbm>> -> memref<32x128xf32, #tpu.memory_space<hbm>>
      %dma_wait3A_214 = arith.constant 0 : i32
      %dma_wait3A_215 = arith.constant 0 : i32
      %dma_wait3A_216 = tpu.memref_slice %arg18[%and3A_192, %dma_wait3A_214, %dma_wait3A_215] : memref<2x32x128xf32, #tpu.memory_space<vmem>> -> memref<1x32x128xf32, #tpu.memory_space<vmem>>
      %dma_wait3A_217 = tpu.memref_squeeze %dma_wait3A_216 : memref<1x32x128xf32, #tpu.memory_space<vmem>> -> memref<32x128xf32, #tpu.memory_space<vmem>>
      %dma_wait3A_218 = arith.constant 0 : i32
      %dma_wait3A_219 = arith.constant 0 : i32
      %dma_wait3A_220 = tpu.memref_slice %arg5[%dma_wait3A_218, %dma_wait3A_219] : memref<32x1000000xf32, #tpu.memory_space<hbm>> -> memref<32x128xf32, #tpu.memory_space<hbm>>
      tpu.wait_dma2 semaphore(%arg24 : memref<!tpu.dma_semaphore, #tpu.memory_space<semaphore_mem>>) src(%dma_wait3A_220 : memref<32x128xf32, #tpu.memory_space<hbm>>) dst(%dma_wait3A_217 : memref<32x128xf32, #tpu.memory_space<vmem>>)
      %dma_wait3A_221 = arith.constant 0 : i32
      %dma_wait3A_222 = arith.constant 0 : i32
      %dma_wait3A_223 = tpu.memref_slice %arg19[%and3A_192, %dma_wait3A_221, %dma_wait3A_222] : memref<2x32x128xf32, #tpu.memory_space<vmem>> -> memref<1x32x128xf32, #tpu.memory_space<vmem>>
      %dma_wait3A_224 = tpu.memref_squeeze %dma_wait3A_223 : memref<1x32x128xf32, #tpu.memory_space<vmem>> -> memref<32x128xf32, #tpu.memory_space<vmem>>
      %dma_wait3A_225 = arith.constant 0 : i32
      %dma_wait3A_226 = arith.constant 0 : i32
      %dma_wait3A_227 = tpu.memref_slice %arg6[%dma_wait3A_225, %dma_wait3A_226] : memref<32x1000000xf32, #tpu.memory_space<hbm>> -> memref<32x128xf32, #tpu.memory_space<hbm>>
      %dma_wait3A_228 = arith.constant 0 : i32
      %dma_wait3A_229 = arith.constant 0 : i32
      %dma_wait3A_230 = tpu.memref_slice %arg19[%and3A_192, %dma_wait3A_228, %dma_wait3A_229] : memref<2x32x128xf32, #tpu.memory_space<vmem>> -> memref<1x32x128xf32, #tpu.memory_space<vmem>>
      %dma_wait3A_231 = tpu.memref_squeeze %dma_wait3A_230 : memref<1x32x128xf32, #tpu.memory_space<vmem>> -> memref<32x128xf32, #tpu.memory_space<vmem>>
      %dma_wait3A_232 = arith.constant 0 : i32
      %dma_wait3A_233 = arith.constant 0 : i32
      %dma_wait3A_234 = tpu.memref_slice %arg6[%dma_wait3A_232, %dma_wait3A_233] : memref<32x1000000xf32, #tpu.memory_space<hbm>> -> memref<32x128xf32, #tpu.memory_space<hbm>>
      tpu.wait_dma2 semaphore(%arg25 : memref<!tpu.dma_semaphore, #tpu.memory_space<semaphore_mem>>) src(%dma_wait3A_234 : memref<32x128xf32, #tpu.memory_space<hbm>>) dst(%dma_wait3A_231 : memref<32x128xf32, #tpu.memory_space<vmem>>)
      %dma_wait3A_235 = arith.constant 0 : i32
      %dma_wait3A_236 = arith.constant 0 : i32
      %dma_wait3A_237 = tpu.memref_slice %arg20[%and3A_192, %dma_wait3A_235, %dma_wait3A_236] : memref<2x32x128xf32, #tpu.memory_space<vmem>> -> memref<1x32x128xf32, #tpu.memory_space<vmem>>
      %dma_wait3A_238 = tpu.memref_squeeze %dma_wait3A_237 : memref<1x32x128xf32, #tpu.memory_space<vmem>> -> memref<32x128xf32, #tpu.memory_space<vmem>>
      %dma_wait3A_239 = arith.constant 0 : i32
      %dma_wait3A_240 = arith.constant 0 : i32
      %dma_wait3A_241 = tpu.memref_slice %arg7[%dma_wait3A_239, %dma_wait3A_240] : memref<32x1000000xf32, #tpu.memory_space<hbm>> -> memref<32x128xf32, #tpu.memory_space<hbm>>
      %dma_wait3A_242 = arith.constant 0 : i32
      %dma_wait3A_243 = arith.constant 0 : i32
      %dma_wait3A_244 = tpu.memref_slice %arg20[%and3A_192, %dma_wait3A_242, %dma_wait3A_243] : memref<2x32x128xf32, #tpu.memory_space<vmem>> -> memref<1x32x128xf32, #tpu.memory_space<vmem>>
      %dma_wait3A_245 = tpu.memref_squeeze %dma_wait3A_244 : memref<1x32x128xf32, #tpu.memory_space<vmem>> -> memref<32x128xf32, #tpu.memory_space<vmem>>
      %dma_wait3A_246 = arith.constant 0 : i32
      %dma_wait3A_247 = arith.constant 0 : i32
      %dma_wait3A_248 = tpu.memref_slice %arg7[%dma_wait3A_246, %dma_wait3A_247] : memref<32x1000000xf32, #tpu.memory_space<hbm>> -> memref<32x128xf32, #tpu.memory_space<hbm>>
      tpu.wait_dma2 semaphore(%arg26 : memref<!tpu.dma_semaphore, #tpu.memory_space<semaphore_mem>>) src(%dma_wait3A_248 : memref<32x128xf32, #tpu.memory_space<hbm>>) dst(%dma_wait3A_245 : memref<32x128xf32, #tpu.memory_space<vmem>>)
      %add3A_249 = arith.constant 1 : i32
      %add3A_250 = arith.addi %while3A_188, %add3A_249 : i32
      %sub3A = arith.constant 1 : i32
      %sub3A_251 = arith.subi %while3A_163, %sub3A : i32
      %min3A_252 = arith.minsi %add3A_250, %sub3A_251 : i32
      %get3A_253 = arith.index_cast %min3A_252 : i32 to index
      %get3A_254 = tpu.vector_load %arg16[%get3A_253] {strides = array<i32>} : memref<261xi32, #tpu.memory_space<vmem>>, vector<16xi32>,
      %slice3A_255 = vector.extract_strided_slice %get3A_254 {offsets = [0], sizes = [1], strides = [1]} : vector<16xi32> to vector<1xi32>
      %squeeze3A_256 = vector.extract %slice3A_255[0] : i32 from vector<1xi32>
      %add3A_257 = arith.addi %mul3A_2, %squeeze3A_256 : i32
      %sub3A_258 = arith.constant 1 : i32
      %sub3A_259 = arith.subi %sub3A_258, %and3A_192 : i32
      %mul3A_260 = arith.constant 128 : i32
      %mul3A_261 = arith.muli %add3A_257, %mul3A_260 : i32
      %multiple_of3A_262 = tpu.assume_multiple %mul3A_261, 128 : i32
      %dma_start3A_263 = arith.constant 0 : i32
      %dma_start3A_264 = arith.constant 0 : i32
      %dma_start3A_265 = tpu.memref_slice %arg17[%sub3A_259, %dma_start3A_263, %dma_start3A_264] : memref<2x64x128xf32, #tpu.memory_space<vmem>> -> memref<1x64x128xf32, #tpu.memory_space<vmem>>
      %dma_start3A_266 = tpu.memref_squeeze %dma_start3A_265 : memref<1x64x128xf32, #tpu.memory_space<vmem>> -> memref<64x128xf32, #tpu.memory_space<vmem>>
      %dma_start3A_267 = arith.constant 0 : i32
      %dma_start3A_268 = tpu.memref_slice %arg4[%dma_start3A_267, %multiple_of3A_262] : memref<64x1000000xf32, #tpu.memory_space<hbm>> -> memref<64x128xf32, #tpu.memory_space<hbm>>
      %dma_start3A_269 = arith.constant 0 : i32
      %dma_start3A_270 = arith.constant 0 : i32
      %dma_start3A_271 = tpu.memref_slice %arg17[%sub3A_259, %dma_start3A_269, %dma_start3A_270] : memref<2x64x128xf32, #tpu.memory_space<vmem>> -> memref<1x64x128xf32, #tpu.memory_space<vmem>>
      %dma_start3A_272 = tpu.memref_squeeze %dma_start3A_271 : memref<1x64x128xf32, #tpu.memory_space<vmem>> -> memref<64x128xf32, #tpu.memory_space<vmem>>
      %dma_start3A_273 = arith.constant 0 : i32
      %dma_start3A_274 = tpu.memref_slice %arg4[%dma_start3A_273, %multiple_of3A_262] : memref<64x1000000xf32, #tpu.memory_space<hbm>> -> memref<64x128xf32, #tpu.memory_space<hbm>>
      tpu.enqueue_dma source(%dma_start3A_274 : memref<64x128xf32, #tpu.memory_space<hbm>>) target(%dma_start3A_272 : memref<64x128xf32, #tpu.memory_space<vmem>>) target_semaphore(%arg23 : memref<!tpu.dma_semaphore, #tpu.memory_space<semaphore_mem>>)
      %dma_start3A_275 = arith.constant 0 : i32
      %dma_start3A_276 = arith.constant 0 : i32
      %dma_start3A_277 = tpu.memref_slice %arg18[%sub3A_259, %dma_start3A_275, %dma_start3A_276] : memref<2x32x128xf32, #tpu.memory_space<vmem>> -> memref<1x32x128xf32, #tpu.memory_space<vmem>>
      %dma_start3A_278 = tpu.memref_squeeze %dma_start3A_277 : memref<1x32x128xf32, #tpu.memory_space<vmem>> -> memref<32x128xf32, #tpu.memory_space<vmem>>
      %dma_start3A_279 = arith.constant 0 : i32
      %dma_start3A_280 = tpu.memref_slice %arg5[%dma_start3A_279, %multiple_of3A_262] : memref<32x1000000xf32, #tpu.memory_space<hbm>> -> memref<32x128xf32, #tpu.memory_space<hbm>>
      %dma_start3A_281 = arith.constant 0 : i32
      %dma_start3A_282 = arith.constant 0 : i32
      %dma_start3A_283 = tpu.memref_slice %arg18[%sub3A_259, %dma_start3A_281, %dma_start3A_282] : memref<2x32x128xf32, #tpu.memory_space<vmem>> -> memref<1x32x128xf32, #tpu.memory_space<vmem>>
      %dma_start3A_284 = tpu.memref_squeeze %dma_start3A_283 : memref<1x32x128xf32, #tpu.memory_space<vmem>> -> memref<32x128xf32, #tpu.memory_space<vmem>>
      %dma_start3A_285 = arith.constant 0 : i32
      %dma_start3A_286 = tpu.memref_slice %arg5[%dma_start3A_285, %multiple_of3A_262] : memref<32x1000000xf32, #tpu.memory_space<hbm>> -> memref<32x128xf32, #tpu.memory_space<hbm>>
      tpu.enqueue_dma source(%dma_start3A_286 : memref<32x128xf32, #tpu.memory_space<hbm>>) target(%dma_start3A_284 : memref<32x128xf32, #tpu.memory_space<vmem>>) target_semaphore(%arg24 : memref<!tpu.dma_semaphore, #tpu.memory_space<semaphore_mem>>)
      %dma_start3A_287 = arith.constant 0 : i32
      %dma_start3A_288 = arith.constant 0 : i32
      %dma_start3A_289 = tpu.memref_slice %arg19[%sub3A_259, %dma_start3A_287, %dma_start3A_288] : memref<2x32x128xf32, #tpu.memory_space<vmem>> -> memref<1x32x128xf32, #tpu.memory_space<vmem>>
      %dma_start3A_290 = tpu.memref_squeeze %dma_start3A_289 : memref<1x32x128xf32, #tpu.memory_space<vmem>> -> memref<32x128xf32, #tpu.memory_space<vmem>>
      %dma_start3A_291 = arith.constant 0 : i32
      %dma_start3A_292 = tpu.memref_slice %arg6[%dma_start3A_291, %multiple_of3A_262] : memref<32x1000000xf32, #tpu.memory_space<hbm>> -> memref<32x128xf32, #tpu.memory_space<hbm>>
      %dma_start3A_293 = arith.constant 0 : i32
      %dma_start3A_294 = arith.constant 0 : i32
      %dma_start3A_295 = tpu.memref_slice %arg19[%sub3A_259, %dma_start3A_293, %dma_start3A_294] : memref<2x32x128xf32, #tpu.memory_space<vmem>> -> memref<1x32x128xf32, #tpu.memory_space<vmem>>
      %dma_start3A_296 = tpu.memref_squeeze %dma_start3A_295 : memref<1x32x128xf32, #tpu.memory_space<vmem>> -> memref<32x128xf32, #tpu.memory_space<vmem>>
      %dma_start3A_297 = arith.constant 0 : i32
      %dma_start3A_298 = tpu.memref_slice %arg6[%dma_start3A_297, %multiple_of3A_262] : memref<32x1000000xf32, #tpu.memory_space<hbm>> -> memref<32x128xf32, #tpu.memory_space<hbm>>
      tpu.enqueue_dma source(%dma_start3A_298 : memref<32x128xf32, #tpu.memory_space<hbm>>) target(%dma_start3A_296 : memref<32x128xf32, #tpu.memory_space<vmem>>) target_semaphore(%arg25 : memref<!tpu.dma_semaphore, #tpu.memory_space<semaphore_mem>>)
      %dma_start3A_299 = arith.constant 0 : i32
      %dma_start3A_300 = arith.constant 0 : i32
      %dma_start3A_301 = tpu.memref_slice %arg20[%sub3A_259, %dma_start3A_299, %dma_start3A_300] : memref<2x32x128xf32, #tpu.memory_space<vmem>> -> memref<1x32x128xf32, #tpu.memory_space<vmem>>
      %dma_start3A_302 = tpu.memref_squeeze %dma_start3A_301 : memref<1x32x128xf32, #tpu.memory_space<vmem>> -> memref<32x128xf32, #tpu.memory_space<vmem>>
      %dma_start3A_303 = arith.constant 0 : i32
      %dma_start3A_304 = tpu.memref_slice %arg7[%dma_start3A_303, %multiple_of3A_262] : memref<32x1000000xf32, #tpu.memory_space<hbm>> -> memref<32x128xf32, #tpu.memory_space<hbm>>
      %dma_start3A_305 = arith.constant 0 : i32
      %dma_start3A_306 = arith.constant 0 : i32
      %dma_start3A_307 = tpu.memref_slice %arg20[%sub3A_259, %dma_start3A_305, %dma_start3A_306] : memref<2x32x128xf32, #tpu.memory_space<vmem>> -> memref<1x32x128xf32, #tpu.memory_space<vmem>>
      %dma_start3A_308 = tpu.memref_squeeze %dma_start3A_307 : memref<1x32x128xf32, #tpu.memory_space<vmem>> -> memref<32x128xf32, #tpu.memory_space<vmem>>
      %dma_start3A_309 = arith.constant 0 : i32
      %dma_start3A_310 = tpu.memref_slice %arg7[%dma_start3A_309, %multiple_of3A_262] : memref<32x1000000xf32, #tpu.memory_space<hbm>> -> memref<32x128xf32, #tpu.memory_space<hbm>>
      tpu.enqueue_dma source(%dma_start3A_310 : memref<32x128xf32, #tpu.memory_space<hbm>>) target(%dma_start3A_308 : memref<32x128xf32, #tpu.memory_space<vmem>>) target_semaphore(%arg26 : memref<!tpu.dma_semaphore, #tpu.memory_space<semaphore_mem>>)
      %broadcast_in_dim3A_311 = vector.broadcast %squeeze3A : i32 to vector<16xi32>
      %gather3A = tpu.vector_load_idx %arg15[%broadcast_in_dim3A_311] : memref<261xi32, #tpu.memory_space<vmem>>[vector<16xi32>], vector<16xi32>,
      %slice3A_312 = vector.extract_strided_slice %gather3A {offsets = [0], sizes = [1], strides = [1]} : vector<16xi32> to vector<1xi32>
      %squeeze3A_313 = vector.extract %slice3A_312[0] : i32 from vector<1xi32>
      %min3A_314 = arith.constant 64 : i32
      %min3A_315 = arith.minsi %squeeze3A_313, %min3A_314 : i32
      %while3A_316 = arith.constant 0 : i32
      %while3A_317 = arith.subi %min3A_315, %while3A_316 : i32
      %while3A_318 = arith.addi %while3A_316, %while3A_317 : i32
      %while3A_319 = arith.constant 1 : i32
      %while3A_320 = arith.divsi %while3A_317, %while3A_319 : i32
      %while3A_321 = arith.muli %while3A_320, %while3A_319 : i32
      %while3A_322 = arith.addi %while3A_316, %while3A_321 : i32
      %while3A_323 = arith.constant 1 : i32
      %while3A_324 = scf.for %while3A_327 = %while3A_316 to %while3A_322 step %while3A_323 iter_args(%while3A_328 = %while3A_189) -> (i32)  : i32 {
        %broadcast_in_dim3A_329 = vector.broadcast %squeeze3A : i32 to vector<16xi32>
        %broadcast_in_dim3A_330 = vector.broadcast %while3A_327 : i32 to vector<16xi32>
        %gather3A_331 = tpu.vector_load_idx %arg14[%broadcast_in_dim3A_329, %broadcast_in_dim3A_330] : memref<245x64xi32, #tpu.memory_space<vmem>>[vector<16xi32>, vector<16xi32>], vector<16xi32>,
        %slice3A_332 = vector.extract_strided_slice %gather3A_331 {offsets = [0], sizes = [1], strides = [1]} : vector<16xi32> to vector<1xi32>
        %squeeze3A_333 = vector.extract %slice3A_332[0] : i32 from vector<1xi32>
        %get3A_334 = arith.index_cast %squeeze3A_333 : i32 to index
        %get3A_335 = tpu.vector_load %arg13[%get3A_334] {strides = array<i32>} : memref<2064xi32, #tpu.memory_space<vmem>>, vector<16xi32>,
        %slice3A_336 = vector.extract_strided_slice %get3A_335 {offsets = [0], sizes = [1], strides = [1]} : vector<16xi32> to vector<1xi32>
        %squeeze3A_337 = vector.extract %slice3A_336[0] : i32 from vector<1xi32>
        %get3A_338 = arith.index_cast %squeeze3A_333 : i32 to index
        %get3A_339 = tpu.vector_load %arg11[%get3A_338] {strides = array<i32>} : memref<2064xi32, #tpu.memory_space<vmem>>, vector<16xi32>,
        %slice3A_340 = vector.extract_strided_slice %get3A_339 {offsets = [0], sizes = [1], strides = [1]} : vector<16xi32> to vector<1xi32>
        %squeeze3A_341 = vector.extract %slice3A_340[0] : i32 from vector<1xi32>
        %and3A_342 = arith.constant 127 : i32
        %and3A_343 = arith.andi %squeeze3A_341, %and3A_342 : i32
        %broadcast_in_dim3A_344 = vector.broadcast %and3A_343 : i32 to vector<16xi32>
        %get3A_345 = arith.index_cast %squeeze3A_333 : i32 to index
        %get3A_346 = tpu.vector_load %arg12[%get3A_345] {strides = array<i32>} : memref<2064xf32, #tpu.memory_space<vmem>>, vector<16xf32>,
        %slice3A_347 = vector.extract_strided_slice %get3A_346 {offsets = [0], sizes = [1], strides = [1]} : vector<16xf32> to vector<1xf32>
        %squeeze3A_348 = vector.extract %slice3A_347[0] : f32 from vector<1xf32>
        %broadcast_in_dim3A_349 = vector.broadcast %squeeze3A_348 : f32 to vector<16xf32>
        %shift_right_logical3A = arith.constant 7 : i32
        %shift_right_logical3A_350 = arith.shrui %while3A_328, %shift_right_logical3A : i32
        %and3A_351 = arith.constant 1 : i32
        %and3A_352 = arith.andi %shift_right_logical3A_350, %and3A_351 : i32
        %and3A_353 = arith.constant 127 : i32
        %and3A_354 = arith.andi %while3A_328, %and3A_353 : i32
        %broadcast_in_dim3A_355 = vector.broadcast %and3A_354 : i32 to vector<16xi32>
        %add3A_356 = arith.constant 0 : i32
        %add3A_357 = vector.broadcast %add3A_356 : i32 to vector<16xi32>
        %add3A_358 = arith.addi %iota3A, %add3A_357 : vector<16xi32>
        %gather3A_359 = arith.constant 0 : i32
        %gather3A_360 = arith.constant 0 : i32
        %gather3A_361 = tpu.memref_slice %arg17[%and3A_192, %gather3A_359, %gather3A_360] : memref<2x64x128xf32, #tpu.memory_space<vmem>> -> memref<1x64x128xf32, #tpu.memory_space<vmem>>
        %gather3A_362 = tpu.memref_squeeze %gather3A_361 : memref<1x64x128xf32, #tpu.memory_space<vmem>> -> memref<64x128xf32, #tpu.memory_space<vmem>>
        %gather3A_363 = tpu.vector_load_idx %gather3A_362[%add3A_358, %broadcast_in_dim3A_344] : memref<64x128xf32, #tpu.memory_space<vmem>>[vector<16xi32>, vector<16xi32>], vector<16xf32>,
        %scatter3A = arith.constant 0 : i32
        %scatter3A_364 = arith.constant 0 : i32
        %scatter3A_365 = tpu.memref_slice %arg21[%and3A_352, %scatter3A, %scatter3A_364] : memref<2x128x128xf32, #tpu.memory_space<vmem>> -> memref<1x128x128xf32, #tpu.memory_space<vmem>>
        %scatter3A_366 = tpu.memref_squeeze %scatter3A_365 : memref<1x128x128xf32, #tpu.memory_space<vmem>> -> memref<128x128xf32, #tpu.memory_space<vmem>>
        tpu.vector_store_idx %scatter3A_366[%broadcast_in_dim3A_355, %add3A_358], %gather3A_363 : memref<128x128xf32, #tpu.memory_space<vmem>>[vector<16xi32>, vector<16xi32>], vector<16xf32>,
        %add3A_367 = arith.constant 32 : i32
        %add3A_368 = vector.broadcast %add3A_367 : i32 to vector<16xi32>
        %add3A_369 = arith.addi %add3A_358, %add3A_368 : vector<16xi32>
        %gather3A_370 = arith.constant 0 : i32
        %gather3A_371 = arith.constant 0 : i32
        %gather3A_372 = tpu.memref_slice %arg17[%and3A_192, %gather3A_370, %gather3A_371] : memref<2x64x128xf32, #tpu.memory_space<vmem>> -> memref<1x64x128xf32, #tpu.memory_space<vmem>>
        %gather3A_373 = tpu.memref_squeeze %gather3A_372 : memref<1x64x128xf32, #tpu.memory_space<vmem>> -> memref<64x128xf32, #tpu.memory_space<vmem>>
        %gather3A_374 = tpu.vector_load_idx %gather3A_373[%add3A_369, %broadcast_in_dim3A_344] : memref<64x128xf32, #tpu.memory_space<vmem>>[vector<16xi32>, vector<16xi32>], vector<16xf32>,
        %gather3A_375 = arith.constant 0 : i32
        %gather3A_376 = arith.constant 0 : i32
        %gather3A_377 = tpu.memref_slice %arg18[%and3A_192, %gather3A_375, %gather3A_376] : memref<2x32x128xf32, #tpu.memory_space<vmem>> -> memref<1x32x128xf32, #tpu.memory_space<vmem>>
        %gather3A_378 = tpu.memref_squeeze %gather3A_377 : memref<1x32x128xf32, #tpu.memory_space<vmem>> -> memref<32x128xf32, #tpu.memory_space<vmem>>
        %gather3A_379 = tpu.vector_load_idx %gather3A_378[%add3A_358, %broadcast_in_dim3A_344] : memref<32x128xf32, #tpu.memory_space<vmem>>[vector<16xi32>, vector<16xi32>], vector<16xf32>,
        %gather3A_380 = arith.constant 0 : i32
        %gather3A_381 = arith.constant 0 : i32
        %gather3A_382 = tpu.memref_slice %arg19[%and3A_192, %gather3A_380, %gather3A_381] : memref<2x32x128xf32, #tpu.memory_space<vmem>> -> memref<1x32x128xf32, #tpu.memory_space<vmem>>
        %gather3A_383 = tpu.memref_squeeze %gather3A_382 : memref<1x32x128xf32, #tpu.memory_space<vmem>> -> memref<32x128xf32, #tpu.memory_space<vmem>>
        %gather3A_384 = tpu.vector_load_idx %gather3A_383[%add3A_358, %broadcast_in_dim3A_344] : memref<32x128xf32, #tpu.memory_space<vmem>>[vector<16xi32>, vector<16xi32>], vector<16xf32>,
        %gather3A_385 = arith.constant 0 : i32
        %gather3A_386 = arith.constant 0 : i32
        %gather3A_387 = tpu.memref_slice %arg20[%and3A_192, %gather3A_385, %gather3A_386] : memref<2x32x128xf32, #tpu.memory_space<vmem>> -> memref<1x32x128xf32, #tpu.memory_space<vmem>>
        %gather3A_388 = tpu.memref_squeeze %gather3A_387 : memref<1x32x128xf32, #tpu.memory_space<vmem>> -> memref<32x128xf32, #tpu.memory_space<vmem>>
        %gather3A_389 = tpu.vector_load_idx %gather3A_388[%add3A_358, %broadcast_in_dim3A_344] : memref<32x128xf32, #tpu.memory_space<vmem>>[vector<16xi32>, vector<16xi32>], vector<16xf32>,
        %mul3A_390 = arith.mulf %gather3A_384, %broadcast_in_dim3A_349 : vector<16xf32>
        %add3A_391 = arith.addf %mul3A_390, %gather3A_389 : vector<16xf32>
        %mul3A_392 = arith.constant 0.159154937 : f32
        %mul3A_393 = vector.broadcast %mul3A_392 : f32 to vector<16xf32>
        %mul3A_394 = arith.mulf %add3A_391, %mul3A_393 : vector<16xf32>
        %ge3A = arith.constant 0.000000e+00 : f32
        %ge3A_395 = vector.broadcast %ge3A : f32 to vector<16xf32>
        %ge3A_396 = arith.cmpf oge, %mul3A_394, %ge3A_395 : vector<16xf32>
        %jit3A = arith.constant 5.000000e-01 : f32
        %jit3A_397 = arith.constant -5.000000e-01 : f32
        %broadcast_in_dim3A_398 = vector.broadcast %jit3A : f32 to vector<16xf32>
        %broadcast_in_dim3A_399 = vector.broadcast %jit3A_397 : f32 to vector<16xf32>
        %select_n3A = arith.select %ge3A_396, %broadcast_in_dim3A_398, %broadcast_in_dim3A_399 : vector<16xi1>, vector<16xf32>
        %add3A_400 = arith.addf %mul3A_394, %select_n3A : vector<16xf32>
        %convert_element_type3A_401 = arith.fptosi %add3A_400 : vector<16xf32> to vector<16xi32>
        %convert_element_type3A_402 = arith.sitofp %convert_element_type3A_401 : vector<16xi32> to vector<16xf32>
        %sub3A_403 = arith.subf %mul3A_394, %convert_element_type3A_402 : vector<16xf32>
        %mul3A_404 = arith.mulf %sub3A_403, %sub3A_403 : vector<16xf32>
        %mul3A_405 = arith.constant 3.19969988 : f32
        %mul3A_406 = vector.broadcast %mul3A_405 : f32 to vector<16xf32>
        %mul3A_407 = arith.mulf %mul3A_406, %mul3A_404 : vector<16xf32>
        %add3A_408 = arith.constant -14.8686161 : f32
        %add3A_409 = vector.broadcast %add3A_408 : f32 to vector<16xf32>
        %add3A_410 = arith.addf %mul3A_407, %add3A_409 : vector<16xf32>
        %mul3A_411 = arith.mulf %add3A_410, %mul3A_404 : vector<16xf32>
        %add3A_412 = arith.constant 42.0161667 : f32
        %add3A_413 = vector.broadcast %add3A_412 : f32 to vector<16xf32>
        %add3A_414 = arith.addf %mul3A_411, %add3A_413 : vector<16xf32>
        %mul3A_415 = arith.mulf %add3A_414, %mul3A_404 : vector<16xf32>
        %add3A_416 = arith.constant -76.7015533 : f32
        %add3A_417 = vector.broadcast %add3A_416 : f32 to vector<16xf32>
        %add3A_418 = arith.addf %mul3A_415, %add3A_417 : vector<16xf32>
        %mul3A_419 = arith.mulf %add3A_418, %mul3A_404 : vector<16xf32>
        %add3A_420 = arith.constant 81.6050262 : f32
        %add3A_421 = vector.broadcast %add3A_420 : f32 to vector<16xf32>
        %add3A_422 = arith.addf %mul3A_419, %add3A_421 : vector<16xf32>
        %mul3A_423 = arith.mulf %add3A_422, %mul3A_404 : vector<16xf32>
        %add3A_424 = arith.constant -41.3416977 : f32
        %add3A_425 = vector.broadcast %add3A_424 : f32 to vector<16xf32>
        %add3A_426 = arith.addf %mul3A_423, %add3A_425 : vector<16xf32>
        %mul3A_427 = arith.mulf %add3A_426, %mul3A_404 : vector<16xf32>
        %add3A_428 = arith.constant 6.28318548 : f32
        %add3A_429 = vector.broadcast %add3A_428 : f32 to vector<16xf32>
        %add3A_430 = arith.addf %mul3A_427, %add3A_429 : vector<16xf32>
        %mul3A_431 = arith.mulf %sub3A_403, %add3A_430 : vector<16xf32>
        %mul3A_432 = arith.mulf %gather3A_379, %mul3A_431 : vector<16xf32>
        %add3A_433 = arith.addf %gather3A_374, %mul3A_432 : vector<16xf32>
        %add3A_434 = arith.constant 32 : i32
        %add3A_435 = vector.broadcast %add3A_434 : i32 to vector<16xi32>
        %add3A_436 = arith.addi %add3A_358, %add3A_435 : vector<16xi32>
        %scatter3A_437 = arith.constant 0 : i32
        %scatter3A_438 = arith.constant 0 : i32
        %scatter3A_439 = tpu.memref_slice %arg21[%and3A_352, %scatter3A_437, %scatter3A_438] : memref<2x128x128xf32, #tpu.memory_space<vmem>> -> memref<1x128x128xf32, #tpu.memory_space<vmem>>
        %scatter3A_440 = tpu.memref_squeeze %scatter3A_439 : memref<1x128x128xf32, #tpu.memory_space<vmem>> -> memref<128x128xf32, #tpu.memory_space<vmem>>
        tpu.vector_store_idx %scatter3A_440[%broadcast_in_dim3A_355, %add3A_436], %add3A_433 : memref<128x128xf32, #tpu.memory_space<vmem>>[vector<16xi32>, vector<16xi32>], vector<16xf32>,
        %add3A_441 = arith.constant 16 : i32
        %add3A_442 = vector.broadcast %add3A_441 : i32 to vector<16xi32>
        %add3A_443 = arith.addi %iota3A, %add3A_442 : vector<16xi32>
        %gather3A_444 = arith.constant 0 : i32
        %gather3A_445 = arith.constant 0 : i32
        %gather3A_446 = tpu.memref_slice %arg17[%and3A_192, %gather3A_444, %gather3A_445] : memref<2x64x128xf32, #tpu.memory_space<vmem>> -> memref<1x64x128xf32, #tpu.memory_space<vmem>>
        %gather3A_447 = tpu.memref_squeeze %gather3A_446 : memref<1x64x128xf32, #tpu.memory_space<vmem>> -> memref<64x128xf32, #tpu.memory_space<vmem>>
        %gather3A_448 = tpu.vector_load_idx %gather3A_447[%add3A_443, %broadcast_in_dim3A_344] : memref<64x128xf32, #tpu.memory_space<vmem>>[vector<16xi32>, vector<16xi32>], vector<16xf32>,
        %scatter3A_449 = arith.constant 0 : i32
        %scatter3A_450 = arith.constant 0 : i32
        %scatter3A_451 = tpu.memref_slice %arg21[%and3A_352, %scatter3A_449, %scatter3A_450] : memref<2x128x128xf32, #tpu.memory_space<vmem>> -> memref<1x128x128xf32, #tpu.memory_space<vmem>>
        %scatter3A_452 = tpu.memref_squeeze %scatter3A_451 : memref<1x128x128xf32, #tpu.memory_space<vmem>> -> memref<128x128xf32, #tpu.memory_space<vmem>>
        tpu.vector_store_idx %scatter3A_452[%broadcast_in_dim3A_355, %add3A_443], %gather3A_448 : memref<128x128xf32, #tpu.memory_space<vmem>>[vector<16xi32>, vector<16xi32>], vector<16xf32>,
        %add3A_453 = arith.constant 32 : i32
        %add3A_454 = vector.broadcast %add3A_453 : i32 to vector<16xi32>
        %add3A_455 = arith.addi %add3A_443, %add3A_454 : vector<16xi32>
        %gather3A_456 = arith.constant 0 : i32
        %gather3A_457 = arith.constant 0 : i32
        %gather3A_458 = tpu.memref_slice %arg17[%and3A_192, %gather3A_456, %gather3A_457] : memref<2x64x128xf32, #tpu.memory_space<vmem>> -> memref<1x64x128xf32, #tpu.memory_space<vmem>>
        %gather3A_459 = tpu.memref_squeeze %gather3A_458 : memref<1x64x128xf32, #tpu.memory_space<vmem>> -> memref<64x128xf32, #tpu.memory_space<vmem>>
        %gather3A_460 = tpu.vector_load_idx %gather3A_459[%add3A_455, %broadcast_in_dim3A_344] : memref<64x128xf32, #tpu.memory_space<vmem>>[vector<16xi32>, vector<16xi32>], vector<16xf32>,
        %gather3A_461 = arith.constant 0 : i32
        %gather3A_462 = arith.constant 0 : i32
        %gather3A_463 = tpu.memref_slice %arg18[%and3A_192, %gather3A_461, %gather3A_462] : memref<2x32x128xf32, #tpu.memory_space<vmem>> -> memref<1x32x128xf32, #tpu.memory_space<vmem>>
        %gather3A_464 = tpu.memref_squeeze %gather3A_463 : memref<1x32x128xf32, #tpu.memory_space<vmem>> -> memref<32x128xf32, #tpu.memory_space<vmem>>
        %gather3A_465 = tpu.vector_load_idx %gather3A_464[%add3A_443, %broadcast_in_dim3A_344] : memref<32x128xf32, #tpu.memory_space<vmem>>[vector<16xi32>, vector<16xi32>], vector<16xf32>,
        %gather3A_466 = arith.constant 0 : i32
        %gather3A_467 = arith.constant 0 : i32
        %gather3A_468 = tpu.memref_slice %arg19[%and3A_192, %gather3A_466, %gather3A_467] : memref<2x32x128xf32, #tpu.memory_space<vmem>> -> memref<1x32x128xf32, #tpu.memory_space<vmem>>
        %gather3A_469 = tpu.memref_squeeze %gather3A_468 : memref<1x32x128xf32, #tpu.memory_space<vmem>> -> memref<32x128xf32, #tpu.memory_space<vmem>>
        %gather3A_470 = tpu.vector_load_idx %gather3A_469[%add3A_443, %broadcast_in_dim3A_344] : memref<32x128xf32, #tpu.memory_space<vmem>>[vector<16xi32>, vector<16xi32>], vector<16xf32>,
        %gather3A_471 = arith.constant 0 : i32
        %gather3A_472 = arith.constant 0 : i32
        %gather3A_473 = tpu.memref_slice %arg20[%and3A_192, %gather3A_471, %gather3A_472] : memref<2x32x128xf32, #tpu.memory_space<vmem>> -> memref<1x32x128xf32, #tpu.memory_space<vmem>>
        %gather3A_474 = tpu.memref_squeeze %gather3A_473 : memref<1x32x128xf32, #tpu.memory_space<vmem>> -> memref<32x128xf32, #tpu.memory_space<vmem>>
        %gather3A_475 = tpu.vector_load_idx %gather3A_474[%add3A_443, %broadcast_in_dim3A_344] : memref<32x128xf32, #tpu.memory_space<vmem>>[vector<16xi32>, vector<16xi32>], vector<16xf32>,
        %mul3A_476 = arith.mulf %gather3A_470, %broadcast_in_dim3A_349 : vector<16xf32>
        %add3A_477 = arith.addf %mul3A_476, %gather3A_475 : vector<16xf32>
        %mul3A_478 = arith.constant 0.159154937 : f32
        %mul3A_479 = vector.broadcast %mul3A_478 : f32 to vector<16xf32>
        %mul3A_480 = arith.mulf %add3A_477, %mul3A_479 : vector<16xf32>
        %ge3A_481 = arith.constant 0.000000e+00 : f32
        %ge3A_482 = vector.broadcast %ge3A_481 : f32 to vector<16xf32>
        %ge3A_483 = arith.cmpf oge, %mul3A_480, %ge3A_482 : vector<16xf32>
        %jit3A_484 = arith.constant 5.000000e-01 : f32
        %jit3A_485 = arith.constant -5.000000e-01 : f32
        %broadcast_in_dim3A_486 = vector.broadcast %jit3A_484 : f32 to vector<16xf32>
        %broadcast_in_dim3A_487 = vector.broadcast %jit3A_485 : f32 to vector<16xf32>
        %select_n3A_488 = arith.select %ge3A_483, %broadcast_in_dim3A_486, %broadcast_in_dim3A_487 : vector<16xi1>, vector<16xf32>
        %add3A_489 = arith.addf %mul3A_480, %select_n3A_488 : vector<16xf32>
        %convert_element_type3A_490 = arith.fptosi %add3A_489 : vector<16xf32> to vector<16xi32>
        %convert_element_type3A_491 = arith.sitofp %convert_element_type3A_490 : vector<16xi32> to vector<16xf32>
        %sub3A_492 = arith.subf %mul3A_480, %convert_element_type3A_491 : vector<16xf32>
        %mul3A_493 = arith.mulf %sub3A_492, %sub3A_492 : vector<16xf32>
        %mul3A_494 = arith.constant 3.19969988 : f32
        %mul3A_495 = vector.broadcast %mul3A_494 : f32 to vector<16xf32>
        %mul3A_496 = arith.mulf %mul3A_495, %mul3A_493 : vector<16xf32>
        %add3A_497 = arith.constant -14.8686161 : f32
        %add3A_498 = vector.broadcast %add3A_497 : f32 to vector<16xf32>
        %add3A_499 = arith.addf %mul3A_496, %add3A_498 : vector<16xf32>
        %mul3A_500 = arith.mulf %add3A_499, %mul3A_493 : vector<16xf32>
        %add3A_501 = arith.constant 42.0161667 : f32
        %add3A_502 = vector.broadcast %add3A_501 : f32 to vector<16xf32>
        %add3A_503 = arith.addf %mul3A_500, %add3A_502 : vector<16xf32>
        %mul3A_504 = arith.mulf %add3A_503, %mul3A_493 : vector<16xf32>
        %add3A_505 = arith.constant -76.7015533 : f32
        %add3A_506 = vector.broadcast %add3A_505 : f32 to vector<16xf32>
        %add3A_507 = arith.addf %mul3A_504, %add3A_506 : vector<16xf32>
        %mul3A_508 = arith.mulf %add3A_507, %mul3A_493 : vector<16xf32>
        %add3A_509 = arith.constant 81.6050262 : f32
        %add3A_510 = vector.broadcast %add3A_509 : f32 to vector<16xf32>
        %add3A_511 = arith.addf %mul3A_508, %add3A_510 : vector<16xf32>
        %mul3A_512 = arith.mulf %add3A_511, %mul3A_493 : vector<16xf32>
        %add3A_513 = arith.constant -41.3416977 : f32
        %add3A_514 = vector.broadcast %add3A_513 : f32 to vector<16xf32>
        %add3A_515 = arith.addf %mul3A_512, %add3A_514 : vector<16xf32>
        %mul3A_516 = arith.mulf %add3A_515, %mul3A_493 : vector<16xf32>
        %add3A_517 = arith.constant 6.28318548 : f32
        %add3A_518 = vector.broadcast %add3A_517 : f32 to vector<16xf32>
        %add3A_519 = arith.addf %mul3A_516, %add3A_518 : vector<16xf32>
        %mul3A_520 = arith.mulf %sub3A_492, %add3A_519 : vector<16xf32>
        %mul3A_521 = arith.mulf %gather3A_465, %mul3A_520 : vector<16xf32>
        %add3A_522 = arith.addf %gather3A_460, %mul3A_521 : vector<16xf32>
        %add3A_523 = arith.constant 32 : i32
        %add3A_524 = vector.broadcast %add3A_523 : i32 to vector<16xi32>
        %add3A_525 = arith.addi %add3A_443, %add3A_524 : vector<16xi32>
        %scatter3A_526 = arith.constant 0 : i32
        %scatter3A_527 = arith.constant 0 : i32
        %scatter3A_528 = tpu.memref_slice %arg21[%and3A_352, %scatter3A_526, %scatter3A_527] : memref<2x128x128xf32, #tpu.memory_space<vmem>> -> memref<1x128x128xf32, #tpu.memory_space<vmem>>
        %scatter3A_529 = tpu.memref_squeeze %scatter3A_528 : memref<1x128x128xf32, #tpu.memory_space<vmem>> -> memref<128x128xf32, #tpu.memory_space<vmem>>
        tpu.vector_store_idx %scatter3A_529[%broadcast_in_dim3A_355, %add3A_525], %add3A_522 : memref<128x128xf32, #tpu.memory_space<vmem>>[vector<16xi32>, vector<16xi32>], vector<16xf32>,
        %broadcast_in_dim3A_530 = vector.broadcast %and3A_352 : i32 to vector<16xi32>
        %and3A_531 = arith.constant 127 : i32
        %and3A_532 = arith.andi %while3A_328, %and3A_531 : i32
        %broadcast_in_dim3A_533 = vector.broadcast %and3A_532 : i32 to vector<16xi32>
        %broadcast_in_dim3A_534 = vector.broadcast %squeeze3A_337 : i32 to vector<16xi32>
        tpu.vector_store_idx %arg22[%broadcast_in_dim3A_530, %broadcast_in_dim3A_533], %broadcast_in_dim3A_534 masked %eq3A_7 : memref<2x128xi32, #tpu.memory_space<vmem>>[vector<16xi32>, vector<16xi32>], vector<16xi32>, vector<16xi1>
        %add3A_535 = arith.constant 1 : i32
        %add3A_536 = arith.addi %while3A_328, %add3A_535 : i32
        %and3A_537 = arith.constant 127 : i32
        %and3A_538 = arith.andi %add3A_536, %and3A_537 : i32
        %eq3A_539 = arith.constant 0 : i32
        %eq3A_540 = arith.cmpi eq, %and3A_538, %eq3A_539 : i32
        %convert_element_type3A_541 = arith.extui %eq3A_540 : i1 to i32
        %cond3A_542 = arith.constant 0 : i32
        %cond3A_543 = arith.cmpi ne, %convert_element_type3A_541, %cond3A_542 : i32
        scf.if %cond3A_543 {
          %dma_start3A_544 = arith.constant 0 : i32
          %dma_start3A_545 = arith.constant 0 : i32
          %dma_start3A_546 = tpu.memref_slice %arg21[%and3A_352, %dma_start3A_544, %dma_start3A_545] : memref<2x128x128xf32, #tpu.memory_space<vmem>> -> memref<1x128x128xf32, #tpu.memory_space<vmem>>
          %dma_start3A_547 = tpu.memref_squeeze %dma_start3A_546 : memref<1x128x128xf32, #tpu.memory_space<vmem>> -> memref<128x128xf32, #tpu.memory_space<vmem>>
          %dma_start3A_548 = arith.constant 0 : i32
          %dma_start3A_549 = tpu.memref_slice %arg22[%and3A_352, %dma_start3A_548] : memref<2x128xi32, #tpu.memory_space<vmem>> -> memref<1x128xi32, #tpu.memory_space<vmem>>
          %dma_start3A_550 = tpu.memref_squeeze %dma_start3A_549 : memref<1x128xi32, #tpu.memory_space<vmem>> -> memref<128xi32, #tpu.memory_space<vmem>>
          %dma_start3A_551 = arith.constant 0 : i32
          %dma_start3A_552 = arith.constant 0 : i32
          %dma_start3A_553 = tpu.memref_slice %arg8[%dma_start3A_551, %dma_start3A_552] : memref<16384x128xf32, #tpu.memory_space<hbm>> -> memref<16384x128xf32, #tpu.memory_space<hbm>>
          %dma_start3A_554 = arith.constant -1 : i32
          tpu.enqueue_indirect_dma source(%dma_start3A_547 : memref<128x128xf32, #tpu.memory_space<vmem>>) target(%dma_start3A_553 : memref<16384x128xf32, #tpu.memory_space<hbm>>) offsets(%dma_start3A_550 : memref<128xi32, #tpu.memory_space<vmem>>) offset_filter(%dma_start3A_554) semaphore(%arg27 : memref<!tpu.dma_semaphore, #tpu.memory_space<semaphore_mem>>)
          %dma_wait3A_555 = arith.constant 0 : i32
          %dma_wait3A_556 = arith.constant 0 : i32
          %dma_wait3A_557 = tpu.memref_slice %arg21[%and3A_352, %dma_wait3A_555, %dma_wait3A_556] : memref<2x128x128xf32, #tpu.memory_space<vmem>> -> memref<1x128x128xf32, #tpu.memory_space<vmem>>
          %dma_wait3A_558 = tpu.memref_squeeze %dma_wait3A_557 : memref<1x128x128xf32, #tpu.memory_space<vmem>> -> memref<128x128xf32, #tpu.memory_space<vmem>>
          %dma_wait3A_559 = arith.constant 0 : i32
          %dma_wait3A_560 = tpu.memref_slice %arg22[%and3A_352, %dma_wait3A_559] : memref<2x128xi32, #tpu.memory_space<vmem>> -> memref<1x128xi32, #tpu.memory_space<vmem>>
          %dma_wait3A_561 = tpu.memref_squeeze %dma_wait3A_560 : memref<1x128xi32, #tpu.memory_space<vmem>> -> memref<128xi32, #tpu.memory_space<vmem>>
          %dma_wait3A_562 = arith.constant 0 : i32
          %dma_wait3A_563 = arith.constant 0 : i32
          %dma_wait3A_564 = tpu.memref_slice %arg8[%dma_wait3A_562, %dma_wait3A_563] : memref<16384x128xf32, #tpu.memory_space<hbm>> -> memref<16384x128xf32, #tpu.memory_space<hbm>>
          tpu.wait_indirect_dma semaphore(%arg27 : memref<!tpu.dma_semaphore, #tpu.memory_space<semaphore_mem>>) src(%dma_wait3A_558 : memref<128x128xf32, #tpu.memory_space<vmem>>) dst(%dma_wait3A_564 : memref<16384x128xf32, #tpu.memory_space<hbm>>)
          %broadcast_in_dim3A_565 = arith.constant -1 : i32
          %broadcast_in_dim3A_566 = vector.broadcast %broadcast_in_dim3A_565 : i32 to vector<16xi32>
          %swap3A_567 = arith.index_cast %and3A_352 : i32 to index
          %swap3A_568 = arith.constant 0 : index
          %swap3A_569 = tpu.vector_load %arg22[%swap3A_567, %swap3A_568] {strides = array<i32>} : memref<2x128xi32, #tpu.memory_space<vmem>>, vector<16xi32>,
          tpu.vector_store %arg22[%swap3A_567, %swap3A_568], %broadcast_in_dim3A_566 {strides = array<i32>} : memref<2x128xi32, #tpu.memory_space<vmem>>, vector<16xi32>,
          %broadcast_in_dim3A_570 = arith.constant -1 : i32
          %broadcast_in_dim3A_571 = vector.broadcast %broadcast_in_dim3A_570 : i32 to vector<16xi32>
          %swap3A_572 = arith.index_cast %and3A_352 : i32 to index
          %swap3A_573 = arith.constant 16 : index
          %swap3A_574 = tpu.vector_load %arg22[%swap3A_572, %swap3A_573] {strides = array<i32>} : memref<2x128xi32, #tpu.memory_space<vmem>>, vector<16xi32>,
          tpu.vector_store %arg22[%swap3A_572, %swap3A_573], %broadcast_in_dim3A_571 {strides = array<i32>} : memref<2x128xi32, #tpu.memory_space<vmem>>, vector<16xi32>,
          %broadcast_in_dim3A_575 = arith.constant -1 : i32
          %broadcast_in_dim3A_576 = vector.broadcast %broadcast_in_dim3A_575 : i32 to vector<16xi32>
          %swap3A_577 = arith.index_cast %and3A_352 : i32 to index
          %swap3A_578 = arith.constant 32 : index
          %swap3A_579 = tpu.vector_load %arg22[%swap3A_577, %swap3A_578] {strides = array<i32>} : memref<2x128xi32, #tpu.memory_space<vmem>>, vector<16xi32>,
          tpu.vector_store %arg22[%swap3A_577, %swap3A_578], %broadcast_in_dim3A_576 {strides = array<i32>} : memref<2x128xi32, #tpu.memory_space<vmem>>, vector<16xi32>,
          %broadcast_in_dim3A_580 = arith.constant -1 : i32
          %broadcast_in_dim3A_581 = vector.broadcast %broadcast_in_dim3A_580 : i32 to vector<16xi32>
          %swap3A_582 = arith.index_cast %and3A_352 : i32 to index
          %swap3A_583 = arith.constant 48 : index
          %swap3A_584 = tpu.vector_load %arg22[%swap3A_582, %swap3A_583] {strides = array<i32>} : memref<2x128xi32, #tpu.memory_space<vmem>>, vector<16xi32>,
          tpu.vector_store %arg22[%swap3A_582, %swap3A_583], %broadcast_in_dim3A_581 {strides = array<i32>} : memref<2x128xi32, #tpu.memory_space<vmem>>, vector<16xi32>,
          %broadcast_in_dim3A_585 = arith.constant -1 : i32
          %broadcast_in_dim3A_586 = vector.broadcast %broadcast_in_dim3A_585 : i32 to vector<16xi32>
          %swap3A_587 = arith.index_cast %and3A_352 : i32 to index
          %swap3A_588 = arith.constant 64 : index
          %swap3A_589 = tpu.vector_load %arg22[%swap3A_587, %swap3A_588] {strides = array<i32>} : memref<2x128xi32, #tpu.memory_space<vmem>>, vector<16xi32>,
          tpu.vector_store %arg22[%swap3A_587, %swap3A_588], %broadcast_in_dim3A_586 {strides = array<i32>} : memref<2x128xi32, #tpu.memory_space<vmem>>, vector<16xi32>,
          %broadcast_in_dim3A_590 = arith.constant -1 : i32
          %broadcast_in_dim3A_591 = vector.broadcast %broadcast_in_dim3A_590 : i32 to vector<16xi32>
          %swap3A_592 = arith.index_cast %and3A_352 : i32 to index
          %swap3A_593 = arith.constant 80 : index
          %swap3A_594 = tpu.vector_load %arg22[%swap3A_592, %swap3A_593] {strides = array<i32>} : memref<2x128xi32, #tpu.memory_space<vmem>>, vector<16xi32>,
          tpu.vector_store %arg22[%swap3A_592, %swap3A_593], %broadcast_in_dim3A_591 {strides = array<i32>} : memref<2x128xi32, #tpu.memory_space<vmem>>, vector<16xi32>,
          %broadcast_in_dim3A_595 = arith.constant -1 : i32
          %broadcast_in_dim3A_596 = vector.broadcast %broadcast_in_dim3A_595 : i32 to vector<16xi32>
          %swap3A_597 = arith.index_cast %and3A_352 : i32 to index
          %swap3A_598 = arith.constant 96 : index
          %swap3A_599 = tpu.vector_load %arg22[%swap3A_597, %swap3A_598] {strides = array<i32>} : memref<2x128xi32, #tpu.memory_space<vmem>>, vector<16xi32>,
          tpu.vector_store %arg22[%swap3A_597, %swap3A_598], %broadcast_in_dim3A_596 {strides = array<i32>} : memref<2x128xi32, #tpu.memory_space<vmem>>, vector<16xi32>,
          %broadcast_in_dim3A_600 = arith.constant -1 : i32
          %broadcast_in_dim3A_601 = vector.broadcast %broadcast_in_dim3A_600 : i32 to vector<16xi32>
          %swap3A_602 = arith.index_cast %and3A_352 : i32 to index
          %swap3A_603 = arith.constant 112 : index
          %swap3A_604 = tpu.vector_load %arg22[%swap3A_602, %swap3A_603] {strides = array<i32>} : memref<2x128xi32, #tpu.memory_space<vmem>>, vector<16xi32>,
          tpu.vector_store %arg22[%swap3A_602, %swap3A_603], %broadcast_in_dim3A_601 {strides = array<i32>} : memref<2x128xi32, #tpu.memory_space<vmem>>, vector<16xi32>,
        } else {
        }
        scf.yield %add3A_536 : i32
      }
      %while3A_325 = arith.constant 1 : i32
      %while3A_326 = scf.for %while3A_327 = %while3A_322 to %while3A_318 step %while3A_325 iter_args(%while3A_328 = %while3A_324) -> (i32)  : i32 {
        %broadcast_in_dim3A_329 = vector.broadcast %squeeze3A : i32 to vector<16xi32>
        %broadcast_in_dim3A_330 = vector.broadcast %while3A_327 : i32 to vector<16xi32>
        %gather3A_331 = tpu.vector_load_idx %arg14[%broadcast_in_dim3A_329, %broadcast_in_dim3A_330] : memref<245x64xi32, #tpu.memory_space<vmem>>[vector<16xi32>, vector<16xi32>], vector<16xi32>,
        %slice3A_332 = vector.extract_strided_slice %gather3A_331 {offsets = [0], sizes = [1], strides = [1]} : vector<16xi32> to vector<1xi32>
        %squeeze3A_333 = vector.extract %slice3A_332[0] : i32 from vector<1xi32>
        %get3A_334 = arith.index_cast %squeeze3A_333 : i32 to index
        %get3A_335 = tpu.vector_load %arg13[%get3A_334] {strides = array<i32>} : memref<2064xi32, #tpu.memory_space<vmem>>, vector<16xi32>,
        %slice3A_336 = vector.extract_strided_slice %get3A_335 {offsets = [0], sizes = [1], strides = [1]} : vector<16xi32> to vector<1xi32>
        %squeeze3A_337 = vector.extract %slice3A_336[0] : i32 from vector<1xi32>
        %get3A_338 = arith.index_cast %squeeze3A_333 : i32 to index
        %get3A_339 = tpu.vector_load %arg11[%get3A_338] {strides = array<i32>} : memref<2064xi32, #tpu.memory_space<vmem>>, vector<16xi32>,
        %slice3A_340 = vector.extract_strided_slice %get3A_339 {offsets = [0], sizes = [1], strides = [1]} : vector<16xi32> to vector<1xi32>
        %squeeze3A_341 = vector.extract %slice3A_340[0] : i32 from vector<1xi32>
        %and3A_342 = arith.constant 127 : i32
        %and3A_343 = arith.andi %squeeze3A_341, %and3A_342 : i32
        %broadcast_in_dim3A_344 = vector.broadcast %and3A_343 : i32 to vector<16xi32>
        %get3A_345 = arith.index_cast %squeeze3A_333 : i32 to index
        %get3A_346 = tpu.vector_load %arg12[%get3A_345] {strides = array<i32>} : memref<2064xf32, #tpu.memory_space<vmem>>, vector<16xf32>,
        %slice3A_347 = vector.extract_strided_slice %get3A_346 {offsets = [0], sizes = [1], strides = [1]} : vector<16xf32> to vector<1xf32>
        %squeeze3A_348 = vector.extract %slice3A_347[0] : f32 from vector<1xf32>
        %broadcast_in_dim3A_349 = vector.broadcast %squeeze3A_348 : f32 to vector<16xf32>
        %shift_right_logical3A = arith.constant 7 : i32
        %shift_right_logical3A_350 = arith.shrui %while3A_328, %shift_right_logical3A : i32
        %and3A_351 = arith.constant 1 : i32
        %and3A_352 = arith.andi %shift_right_logical3A_350, %and3A_351 : i32
        %and3A_353 = arith.constant 127 : i32
        %and3A_354 = arith.andi %while3A_328, %and3A_353 : i32
        %broadcast_in_dim3A_355 = vector.broadcast %and3A_354 : i32 to vector<16xi32>
        %add3A_356 = arith.constant 0 : i32
        %add3A_357 = vector.broadcast %add3A_356 : i32 to vector<16xi32>
        %add3A_358 = arith.addi %iota3A, %add3A_357 : vector<16xi32>
        %gather3A_359 = arith.constant 0 : i32
        %gather3A_360 = arith.constant 0 : i32
        %gather3A_361 = tpu.memref_slice %arg17[%and3A_192, %gather3A_359, %gather3A_360] : memref<2x64x128xf32, #tpu.memory_space<vmem>> -> memref<1x64x128xf32, #tpu.memory_space<vmem>>
        %gather3A_362 = tpu.memref_squeeze %gather3A_361 : memref<1x64x128xf32, #tpu.memory_space<vmem>> -> memref<64x128xf32, #tpu.memory_space<vmem>>
        %gather3A_363 = tpu.vector_load_idx %gather3A_362[%add3A_358, %broadcast_in_dim3A_344] : memref<64x128xf32, #tpu.memory_space<vmem>>[vector<16xi32>, vector<16xi32>], vector<16xf32>,
        %scatter3A = arith.constant 0 : i32
        %scatter3A_364 = arith.constant 0 : i32
        %scatter3A_365 = tpu.memref_slice %arg21[%and3A_352, %scatter3A, %scatter3A_364] : memref<2x128x128xf32, #tpu.memory_space<vmem>> -> memref<1x128x128xf32, #tpu.memory_space<vmem>>
        %scatter3A_366 = tpu.memref_squeeze %scatter3A_365 : memref<1x128x128xf32, #tpu.memory_space<vmem>> -> memref<128x128xf32, #tpu.memory_space<vmem>>
        tpu.vector_store_idx %scatter3A_366[%broadcast_in_dim3A_355, %add3A_358], %gather3A_363 : memref<128x128xf32, #tpu.memory_space<vmem>>[vector<16xi32>, vector<16xi32>], vector<16xf32>,
        %add3A_367 = arith.constant 32 : i32
        %add3A_368 = vector.broadcast %add3A_367 : i32 to vector<16xi32>
        %add3A_369 = arith.addi %add3A_358, %add3A_368 : vector<16xi32>
        %gather3A_370 = arith.constant 0 : i32
        %gather3A_371 = arith.constant 0 : i32
        %gather3A_372 = tpu.memref_slice %arg17[%and3A_192, %gather3A_370, %gather3A_371] : memref<2x64x128xf32, #tpu.memory_space<vmem>> -> memref<1x64x128xf32, #tpu.memory_space<vmem>>
        %gather3A_373 = tpu.memref_squeeze %gather3A_372 : memref<1x64x128xf32, #tpu.memory_space<vmem>> -> memref<64x128xf32, #tpu.memory_space<vmem>>
        %gather3A_374 = tpu.vector_load_idx %gather3A_373[%add3A_369, %broadcast_in_dim3A_344] : memref<64x128xf32, #tpu.memory_space<vmem>>[vector<16xi32>, vector<16xi32>], vector<16xf32>,
        %gather3A_375 = arith.constant 0 : i32
        %gather3A_376 = arith.constant 0 : i32
        %gather3A_377 = tpu.memref_slice %arg18[%and3A_192, %gather3A_375, %gather3A_376] : memref<2x32x128xf32, #tpu.memory_space<vmem>> -> memref<1x32x128xf32, #tpu.memory_space<vmem>>
        %gather3A_378 = tpu.memref_squeeze %gather3A_377 : memref<1x32x128xf32, #tpu.memory_space<vmem>> -> memref<32x128xf32, #tpu.memory_space<vmem>>
        %gather3A_379 = tpu.vector_load_idx %gather3A_378[%add3A_358, %broadcast_in_dim3A_344] : memref<32x128xf32, #tpu.memory_space<vmem>>[vector<16xi32>, vector<16xi32>], vector<16xf32>,
        %gather3A_380 = arith.constant 0 : i32
        %gather3A_381 = arith.constant 0 : i32
        %gather3A_382 = tpu.memref_slice %arg19[%and3A_192, %gather3A_380, %gather3A_381] : memref<2x32x128xf32, #tpu.memory_space<vmem>> -> memref<1x32x128xf32, #tpu.memory_space<vmem>>
        %gather3A_383 = tpu.memref_squeeze %gather3A_382 : memref<1x32x128xf32, #tpu.memory_space<vmem>> -> memref<32x128xf32, #tpu.memory_space<vmem>>
        %gather3A_384 = tpu.vector_load_idx %gather3A_383[%add3A_358, %broadcast_in_dim3A_344] : memref<32x128xf32, #tpu.memory_space<vmem>>[vector<16xi32>, vector<16xi32>], vector<16xf32>,
        %gather3A_385 = arith.constant 0 : i32
        %gather3A_386 = arith.constant 0 : i32
        %gather3A_387 = tpu.memref_slice %arg20[%and3A_192, %gather3A_385, %gather3A_386] : memref<2x32x128xf32, #tpu.memory_space<vmem>> -> memref<1x32x128xf32, #tpu.memory_space<vmem>>
        %gather3A_388 = tpu.memref_squeeze %gather3A_387 : memref<1x32x128xf32, #tpu.memory_space<vmem>> -> memref<32x128xf32, #tpu.memory_space<vmem>>
        %gather3A_389 = tpu.vector_load_idx %gather3A_388[%add3A_358, %broadcast_in_dim3A_344] : memref<32x128xf32, #tpu.memory_space<vmem>>[vector<16xi32>, vector<16xi32>], vector<16xf32>,
        %mul3A_390 = arith.mulf %gather3A_384, %broadcast_in_dim3A_349 : vector<16xf32>
        %add3A_391 = arith.addf %mul3A_390, %gather3A_389 : vector<16xf32>
        %mul3A_392 = arith.constant 0.159154937 : f32
        %mul3A_393 = vector.broadcast %mul3A_392 : f32 to vector<16xf32>
        %mul3A_394 = arith.mulf %add3A_391, %mul3A_393 : vector<16xf32>
        %ge3A = arith.constant 0.000000e+00 : f32
        %ge3A_395 = vector.broadcast %ge3A : f32 to vector<16xf32>
        %ge3A_396 = arith.cmpf oge, %mul3A_394, %ge3A_395 : vector<16xf32>
        %jit3A = arith.constant 5.000000e-01 : f32
        %jit3A_397 = arith.constant -5.000000e-01 : f32
        %broadcast_in_dim3A_398 = vector.broadcast %jit3A : f32 to vector<16xf32>
        %broadcast_in_dim3A_399 = vector.broadcast %jit3A_397 : f32 to vector<16xf32>
        %select_n3A = arith.select %ge3A_396, %broadcast_in_dim3A_398, %broadcast_in_dim3A_399 : vector<16xi1>, vector<16xf32>
        %add3A_400 = arith.addf %mul3A_394, %select_n3A : vector<16xf32>
        %convert_element_type3A_401 = arith.fptosi %add3A_400 : vector<16xf32> to vector<16xi32>
        %convert_element_type3A_402 = arith.sitofp %convert_element_type3A_401 : vector<16xi32> to vector<16xf32>
        %sub3A_403 = arith.subf %mul3A_394, %convert_element_type3A_402 : vector<16xf32>
        %mul3A_404 = arith.mulf %sub3A_403, %sub3A_403 : vector<16xf32>
        %mul3A_405 = arith.constant 3.19969988 : f32
        %mul3A_406 = vector.broadcast %mul3A_405 : f32 to vector<16xf32>
        %mul3A_407 = arith.mulf %mul3A_406, %mul3A_404 : vector<16xf32>
        %add3A_408 = arith.constant -14.8686161 : f32
        %add3A_409 = vector.broadcast %add3A_408 : f32 to vector<16xf32>
        %add3A_410 = arith.addf %mul3A_407, %add3A_409 : vector<16xf32>
        %mul3A_411 = arith.mulf %add3A_410, %mul3A_404 : vector<16xf32>
        %add3A_412 = arith.constant 42.0161667 : f32
        %add3A_413 = vector.broadcast %add3A_412 : f32 to vector<16xf32>
        %add3A_414 = arith.addf %mul3A_411, %add3A_413 : vector<16xf32>
        %mul3A_415 = arith.mulf %add3A_414, %mul3A_404 : vector<16xf32>
        %add3A_416 = arith.constant -76.7015533 : f32
        %add3A_417 = vector.broadcast %add3A_416 : f32 to vector<16xf32>
        %add3A_418 = arith.addf %mul3A_415, %add3A_417 : vector<16xf32>
        %mul3A_419 = arith.mulf %add3A_418, %mul3A_404 : vector<16xf32>
        %add3A_420 = arith.constant 81.6050262 : f32
        %add3A_421 = vector.broadcast %add3A_420 : f32 to vector<16xf32>
        %add3A_422 = arith.addf %mul3A_419, %add3A_421 : vector<16xf32>
        %mul3A_423 = arith.mulf %add3A_422, %mul3A_404 : vector<16xf32>
        %add3A_424 = arith.constant -41.3416977 : f32
        %add3A_425 = vector.broadcast %add3A_424 : f32 to vector<16xf32>
        %add3A_426 = arith.addf %mul3A_423, %add3A_425 : vector<16xf32>
        %mul3A_427 = arith.mulf %add3A_426, %mul3A_404 : vector<16xf32>
        %add3A_428 = arith.constant 6.28318548 : f32
        %add3A_429 = vector.broadcast %add3A_428 : f32 to vector<16xf32>
        %add3A_430 = arith.addf %mul3A_427, %add3A_429 : vector<16xf32>
        %mul3A_431 = arith.mulf %sub3A_403, %add3A_430 : vector<16xf32>
        %mul3A_432 = arith.mulf %gather3A_379, %mul3A_431 : vector<16xf32>
        %add3A_433 = arith.addf %gather3A_374, %mul3A_432 : vector<16xf32>
        %add3A_434 = arith.constant 32 : i32
        %add3A_435 = vector.broadcast %add3A_434 : i32 to vector<16xi32>
        %add3A_436 = arith.addi %add3A_358, %add3A_435 : vector<16xi32>
        %scatter3A_437 = arith.constant 0 : i32
        %scatter3A_438 = arith.constant 0 : i32
        %scatter3A_439 = tpu.memref_slice %arg21[%and3A_352, %scatter3A_437, %scatter3A_438] : memref<2x128x128xf32, #tpu.memory_space<vmem>> -> memref<1x128x128xf32, #tpu.memory_space<vmem>>
        %scatter3A_440 = tpu.memref_squeeze %scatter3A_439 : memref<1x128x128xf32, #tpu.memory_space<vmem>> -> memref<128x128xf32, #tpu.memory_space<vmem>>
        tpu.vector_store_idx %scatter3A_440[%broadcast_in_dim3A_355, %add3A_436], %add3A_433 : memref<128x128xf32, #tpu.memory_space<vmem>>[vector<16xi32>, vector<16xi32>], vector<16xf32>,
        %add3A_441 = arith.constant 16 : i32
        %add3A_442 = vector.broadcast %add3A_441 : i32 to vector<16xi32>
        %add3A_443 = arith.addi %iota3A, %add3A_442 : vector<16xi32>
        %gather3A_444 = arith.constant 0 : i32
        %gather3A_445 = arith.constant 0 : i32
        %gather3A_446 = tpu.memref_slice %arg17[%and3A_192, %gather3A_444, %gather3A_445] : memref<2x64x128xf32, #tpu.memory_space<vmem>> -> memref<1x64x128xf32, #tpu.memory_space<vmem>>
        %gather3A_447 = tpu.memref_squeeze %gather3A_446 : memref<1x64x128xf32, #tpu.memory_space<vmem>> -> memref<64x128xf32, #tpu.memory_space<vmem>>
        %gather3A_448 = tpu.vector_load_idx %gather3A_447[%add3A_443, %broadcast_in_dim3A_344] : memref<64x128xf32, #tpu.memory_space<vmem>>[vector<16xi32>, vector<16xi32>], vector<16xf32>,
        %scatter3A_449 = arith.constant 0 : i32
        %scatter3A_450 = arith.constant 0 : i32
        %scatter3A_451 = tpu.memref_slice %arg21[%and3A_352, %scatter3A_449, %scatter3A_450] : memref<2x128x128xf32, #tpu.memory_space<vmem>> -> memref<1x128x128xf32, #tpu.memory_space<vmem>>
        %scatter3A_452 = tpu.memref_squeeze %scatter3A_451 : memref<1x128x128xf32, #tpu.memory_space<vmem>> -> memref<128x128xf32, #tpu.memory_space<vmem>>
        tpu.vector_store_idx %scatter3A_452[%broadcast_in_dim3A_355, %add3A_443], %gather3A_448 : memref<128x128xf32, #tpu.memory_space<vmem>>[vector<16xi32>, vector<16xi32>], vector<16xf32>,
        %add3A_453 = arith.constant 32 : i32
        %add3A_454 = vector.broadcast %add3A_453 : i32 to vector<16xi32>
        %add3A_455 = arith.addi %add3A_443, %add3A_454 : vector<16xi32>
        %gather3A_456 = arith.constant 0 : i32
        %gather3A_457 = arith.constant 0 : i32
        %gather3A_458 = tpu.memref_slice %arg17[%and3A_192, %gather3A_456, %gather3A_457] : memref<2x64x128xf32, #tpu.memory_space<vmem>> -> memref<1x64x128xf32, #tpu.memory_space<vmem>>
        %gather3A_459 = tpu.memref_squeeze %gather3A_458 : memref<1x64x128xf32, #tpu.memory_space<vmem>> -> memref<64x128xf32, #tpu.memory_space<vmem>>
        %gather3A_460 = tpu.vector_load_idx %gather3A_459[%add3A_455, %broadcast_in_dim3A_344] : memref<64x128xf32, #tpu.memory_space<vmem>>[vector<16xi32>, vector<16xi32>], vector<16xf32>,
        %gather3A_461 = arith.constant 0 : i32
        %gather3A_462 = arith.constant 0 : i32
        %gather3A_463 = tpu.memref_slice %arg18[%and3A_192, %gather3A_461, %gather3A_462] : memref<2x32x128xf32, #tpu.memory_space<vmem>> -> memref<1x32x128xf32, #tpu.memory_space<vmem>>
        %gather3A_464 = tpu.memref_squeeze %gather3A_463 : memref<1x32x128xf32, #tpu.memory_space<vmem>> -> memref<32x128xf32, #tpu.memory_space<vmem>>
        %gather3A_465 = tpu.vector_load_idx %gather3A_464[%add3A_443, %broadcast_in_dim3A_344] : memref<32x128xf32, #tpu.memory_space<vmem>>[vector<16xi32>, vector<16xi32>], vector<16xf32>,
        %gather3A_466 = arith.constant 0 : i32
        %gather3A_467 = arith.constant 0 : i32
        %gather3A_468 = tpu.memref_slice %arg19[%and3A_192, %gather3A_466, %gather3A_467] : memref<2x32x128xf32, #tpu.memory_space<vmem>> -> memref<1x32x128xf32, #tpu.memory_space<vmem>>
        %gather3A_469 = tpu.memref_squeeze %gather3A_468 : memref<1x32x128xf32, #tpu.memory_space<vmem>> -> memref<32x128xf32, #tpu.memory_space<vmem>>
        %gather3A_470 = tpu.vector_load_idx %gather3A_469[%add3A_443, %broadcast_in_dim3A_344] : memref<32x128xf32, #tpu.memory_space<vmem>>[vector<16xi32>, vector<16xi32>], vector<16xf32>,
        %gather3A_471 = arith.constant 0 : i32
        %gather3A_472 = arith.constant 0 : i32
        %gather3A_473 = tpu.memref_slice %arg20[%and3A_192, %gather3A_471, %gather3A_472] : memref<2x32x128xf32, #tpu.memory_space<vmem>> -> memref<1x32x128xf32, #tpu.memory_space<vmem>>
        %gather3A_474 = tpu.memref_squeeze %gather3A_473 : memref<1x32x128xf32, #tpu.memory_space<vmem>> -> memref<32x128xf32, #tpu.memory_space<vmem>>
        %gather3A_475 = tpu.vector_load_idx %gather3A_474[%add3A_443, %broadcast_in_dim3A_344] : memref<32x128xf32, #tpu.memory_space<vmem>>[vector<16xi32>, vector<16xi32>], vector<16xf32>,
        %mul3A_476 = arith.mulf %gather3A_470, %broadcast_in_dim3A_349 : vector<16xf32>
        %add3A_477 = arith.addf %mul3A_476, %gather3A_475 : vector<16xf32>
        %mul3A_478 = arith.constant 0.159154937 : f32
        %mul3A_479 = vector.broadcast %mul3A_478 : f32 to vector<16xf32>
        %mul3A_480 = arith.mulf %add3A_477, %mul3A_479 : vector<16xf32>
        %ge3A_481 = arith.constant 0.000000e+00 : f32
        %ge3A_482 = vector.broadcast %ge3A_481 : f32 to vector<16xf32>
        %ge3A_483 = arith.cmpf oge, %mul3A_480, %ge3A_482 : vector<16xf32>
        %jit3A_484 = arith.constant 5.000000e-01 : f32
        %jit3A_485 = arith.constant -5.000000e-01 : f32
        %broadcast_in_dim3A_486 = vector.broadcast %jit3A_484 : f32 to vector<16xf32>
        %broadcast_in_dim3A_487 = vector.broadcast %jit3A_485 : f32 to vector<16xf32>
        %select_n3A_488 = arith.select %ge3A_483, %broadcast_in_dim3A_486, %broadcast_in_dim3A_487 : vector<16xi1>, vector<16xf32>
        %add3A_489 = arith.addf %mul3A_480, %select_n3A_488 : vector<16xf32>
        %convert_element_type3A_490 = arith.fptosi %add3A_489 : vector<16xf32> to vector<16xi32>
        %convert_element_type3A_491 = arith.sitofp %convert_element_type3A_490 : vector<16xi32> to vector<16xf32>
        %sub3A_492 = arith.subf %mul3A_480, %convert_element_type3A_491 : vector<16xf32>
        %mul3A_493 = arith.mulf %sub3A_492, %sub3A_492 : vector<16xf32>
        %mul3A_494 = arith.constant 3.19969988 : f32
        %mul3A_495 = vector.broadcast %mul3A_494 : f32 to vector<16xf32>
        %mul3A_496 = arith.mulf %mul3A_495, %mul3A_493 : vector<16xf32>
        %add3A_497 = arith.constant -14.8686161 : f32
        %add3A_498 = vector.broadcast %add3A_497 : f32 to vector<16xf32>
        %add3A_499 = arith.addf %mul3A_496, %add3A_498 : vector<16xf32>
        %mul3A_500 = arith.mulf %add3A_499, %mul3A_493 : vector<16xf32>
        %add3A_501 = arith.constant 42.0161667 : f32
        %add3A_502 = vector.broadcast %add3A_501 : f32 to vector<16xf32>
        %add3A_503 = arith.addf %mul3A_500, %add3A_502 : vector<16xf32>
        %mul3A_504 = arith.mulf %add3A_503, %mul3A_493 : vector<16xf32>
        %add3A_505 = arith.constant -76.7015533 : f32
        %add3A_506 = vector.broadcast %add3A_505 : f32 to vector<16xf32>
        %add3A_507 = arith.addf %mul3A_504, %add3A_506 : vector<16xf32>
        %mul3A_508 = arith.mulf %add3A_507, %mul3A_493 : vector<16xf32>
        %add3A_509 = arith.constant 81.6050262 : f32
        %add3A_510 = vector.broadcast %add3A_509 : f32 to vector<16xf32>
        %add3A_511 = arith.addf %mul3A_508, %add3A_510 : vector<16xf32>
        %mul3A_512 = arith.mulf %add3A_511, %mul3A_493 : vector<16xf32>
        %add3A_513 = arith.constant -41.3416977 : f32
        %add3A_514 = vector.broadcast %add3A_513 : f32 to vector<16xf32>
        %add3A_515 = arith.addf %mul3A_512, %add3A_514 : vector<16xf32>
        %mul3A_516 = arith.mulf %add3A_515, %mul3A_493 : vector<16xf32>
        %add3A_517 = arith.constant 6.28318548 : f32
        %add3A_518 = vector.broadcast %add3A_517 : f32 to vector<16xf32>
        %add3A_519 = arith.addf %mul3A_516, %add3A_518 : vector<16xf32>
        %mul3A_520 = arith.mulf %sub3A_492, %add3A_519 : vector<16xf32>
        %mul3A_521 = arith.mulf %gather3A_465, %mul3A_520 : vector<16xf32>
        %add3A_522 = arith.addf %gather3A_460, %mul3A_521 : vector<16xf32>
        %add3A_523 = arith.constant 32 : i32
        %add3A_524 = vector.broadcast %add3A_523 : i32 to vector<16xi32>
        %add3A_525 = arith.addi %add3A_443, %add3A_524 : vector<16xi32>
        %scatter3A_526 = arith.constant 0 : i32
        %scatter3A_527 = arith.constant 0 : i32
        %scatter3A_528 = tpu.memref_slice %arg21[%and3A_352, %scatter3A_526, %scatter3A_527] : memref<2x128x128xf32, #tpu.memory_space<vmem>> -> memref<1x128x128xf32, #tpu.memory_space<vmem>>
        %scatter3A_529 = tpu.memref_squeeze %scatter3A_528 : memref<1x128x128xf32, #tpu.memory_space<vmem>> -> memref<128x128xf32, #tpu.memory_space<vmem>>
        tpu.vector_store_idx %scatter3A_529[%broadcast_in_dim3A_355, %add3A_525], %add3A_522 : memref<128x128xf32, #tpu.memory_space<vmem>>[vector<16xi32>, vector<16xi32>], vector<16xf32>,
        %broadcast_in_dim3A_530 = vector.broadcast %and3A_352 : i32 to vector<16xi32>
        %and3A_531 = arith.constant 127 : i32
        %and3A_532 = arith.andi %while3A_328, %and3A_531 : i32
        %broadcast_in_dim3A_533 = vector.broadcast %and3A_532 : i32 to vector<16xi32>
        %broadcast_in_dim3A_534 = vector.broadcast %squeeze3A_337 : i32 to vector<16xi32>
        tpu.vector_store_idx %arg22[%broadcast_in_dim3A_530, %broadcast_in_dim3A_533], %broadcast_in_dim3A_534 masked %eq3A_7 : memref<2x128xi32, #tpu.memory_space<vmem>>[vector<16xi32>, vector<16xi32>], vector<16xi32>, vector<16xi1>
        %add3A_535 = arith.constant 1 : i32
        %add3A_536 = arith.addi %while3A_328, %add3A_535 : i32
        %and3A_537 = arith.constant 127 : i32
        %and3A_538 = arith.andi %add3A_536, %and3A_537 : i32
        %eq3A_539 = arith.constant 0 : i32
        %eq3A_540 = arith.cmpi eq, %and3A_538, %eq3A_539 : i32
        %convert_element_type3A_541 = arith.extui %eq3A_540 : i1 to i32
        %cond3A_542 = arith.constant 0 : i32
        %cond3A_543 = arith.cmpi ne, %convert_element_type3A_541, %cond3A_542 : i32
        scf.if %cond3A_543 {
          %dma_start3A_544 = arith.constant 0 : i32
          %dma_start3A_545 = arith.constant 0 : i32
          %dma_start3A_546 = tpu.memref_slice %arg21[%and3A_352, %dma_start3A_544, %dma_start3A_545] : memref<2x128x128xf32, #tpu.memory_space<vmem>> -> memref<1x128x128xf32, #tpu.memory_space<vmem>>
          %dma_start3A_547 = tpu.memref_squeeze %dma_start3A_546 : memref<1x128x128xf32, #tpu.memory_space<vmem>> -> memref<128x128xf32, #tpu.memory_space<vmem>>
          %dma_start3A_548 = arith.constant 0 : i32
          %dma_start3A_549 = tpu.memref_slice %arg22[%and3A_352, %dma_start3A_548] : memref<2x128xi32, #tpu.memory_space<vmem>> -> memref<1x128xi32, #tpu.memory_space<vmem>>
          %dma_start3A_550 = tpu.memref_squeeze %dma_start3A_549 : memref<1x128xi32, #tpu.memory_space<vmem>> -> memref<128xi32, #tpu.memory_space<vmem>>
          %dma_start3A_551 = arith.constant 0 : i32
          %dma_start3A_552 = arith.constant 0 : i32
          %dma_start3A_553 = tpu.memref_slice %arg8[%dma_start3A_551, %dma_start3A_552] : memref<16384x128xf32, #tpu.memory_space<hbm>> -> memref<16384x128xf32, #tpu.memory_space<hbm>>
          %dma_start3A_554 = arith.constant -1 : i32
          tpu.enqueue_indirect_dma source(%dma_start3A_547 : memref<128x128xf32, #tpu.memory_space<vmem>>) target(%dma_start3A_553 : memref<16384x128xf32, #tpu.memory_space<hbm>>) offsets(%dma_start3A_550 : memref<128xi32, #tpu.memory_space<vmem>>) offset_filter(%dma_start3A_554) semaphore(%arg27 : memref<!tpu.dma_semaphore, #tpu.memory_space<semaphore_mem>>)
          %dma_wait3A_555 = arith.constant 0 : i32
          %dma_wait3A_556 = arith.constant 0 : i32
          %dma_wait3A_557 = tpu.memref_slice %arg21[%and3A_352, %dma_wait3A_555, %dma_wait3A_556] : memref<2x128x128xf32, #tpu.memory_space<vmem>> -> memref<1x128x128xf32, #tpu.memory_space<vmem>>
          %dma_wait3A_558 = tpu.memref_squeeze %dma_wait3A_557 : memref<1x128x128xf32, #tpu.memory_space<vmem>> -> memref<128x128xf32, #tpu.memory_space<vmem>>
          %dma_wait3A_559 = arith.constant 0 : i32
          %dma_wait3A_560 = tpu.memref_slice %arg22[%and3A_352, %dma_wait3A_559] : memref<2x128xi32, #tpu.memory_space<vmem>> -> memref<1x128xi32, #tpu.memory_space<vmem>>
          %dma_wait3A_561 = tpu.memref_squeeze %dma_wait3A_560 : memref<1x128xi32, #tpu.memory_space<vmem>> -> memref<128xi32, #tpu.memory_space<vmem>>
          %dma_wait3A_562 = arith.constant 0 : i32
          %dma_wait3A_563 = arith.constant 0 : i32
          %dma_wait3A_564 = tpu.memref_slice %arg8[%dma_wait3A_562, %dma_wait3A_563] : memref<16384x128xf32, #tpu.memory_space<hbm>> -> memref<16384x128xf32, #tpu.memory_space<hbm>>
          tpu.wait_indirect_dma semaphore(%arg27 : memref<!tpu.dma_semaphore, #tpu.memory_space<semaphore_mem>>) src(%dma_wait3A_558 : memref<128x128xf32, #tpu.memory_space<vmem>>) dst(%dma_wait3A_564 : memref<16384x128xf32, #tpu.memory_space<hbm>>)
          %broadcast_in_dim3A_565 = arith.constant -1 : i32
          %broadcast_in_dim3A_566 = vector.broadcast %broadcast_in_dim3A_565 : i32 to vector<16xi32>
          %swap3A_567 = arith.index_cast %and3A_352 : i32 to index
          %swap3A_568 = arith.constant 0 : index
          %swap3A_569 = tpu.vector_load %arg22[%swap3A_567, %swap3A_568] {strides = array<i32>} : memref<2x128xi32, #tpu.memory_space<vmem>>, vector<16xi32>,
          tpu.vector_store %arg22[%swap3A_567, %swap3A_568], %broadcast_in_dim3A_566 {strides = array<i32>} : memref<2x128xi32, #tpu.memory_space<vmem>>, vector<16xi32>,
          %broadcast_in_dim3A_570 = arith.constant -1 : i32
          %broadcast_in_dim3A_571 = vector.broadcast %broadcast_in_dim3A_570 : i32 to vector<16xi32>
          %swap3A_572 = arith.index_cast %and3A_352 : i32 to index
          %swap3A_573 = arith.constant 16 : index
          %swap3A_574 = tpu.vector_load %arg22[%swap3A_572, %swap3A_573] {strides = array<i32>} : memref<2x128xi32, #tpu.memory_space<vmem>>, vector<16xi32>,
          tpu.vector_store %arg22[%swap3A_572, %swap3A_573], %broadcast_in_dim3A_571 {strides = array<i32>} : memref<2x128xi32, #tpu.memory_space<vmem>>, vector<16xi32>,
          %broadcast_in_dim3A_575 = arith.constant -1 : i32
          %broadcast_in_dim3A_576 = vector.broadcast %broadcast_in_dim3A_575 : i32 to vector<16xi32>
          %swap3A_577 = arith.index_cast %and3A_352 : i32 to index
          %swap3A_578 = arith.constant 32 : index
          %swap3A_579 = tpu.vector_load %arg22[%swap3A_577, %swap3A_578] {strides = array<i32>} : memref<2x128xi32, #tpu.memory_space<vmem>>, vector<16xi32>,
          tpu.vector_store %arg22[%swap3A_577, %swap3A_578], %broadcast_in_dim3A_576 {strides = array<i32>} : memref<2x128xi32, #tpu.memory_space<vmem>>, vector<16xi32>,
          %broadcast_in_dim3A_580 = arith.constant -1 : i32
          %broadcast_in_dim3A_581 = vector.broadcast %broadcast_in_dim3A_580 : i32 to vector<16xi32>
          %swap3A_582 = arith.index_cast %and3A_352 : i32 to index
          %swap3A_583 = arith.constant 48 : index
          %swap3A_584 = tpu.vector_load %arg22[%swap3A_582, %swap3A_583] {strides = array<i32>} : memref<2x128xi32, #tpu.memory_space<vmem>>, vector<16xi32>,
          tpu.vector_store %arg22[%swap3A_582, %swap3A_583], %broadcast_in_dim3A_581 {strides = array<i32>} : memref<2x128xi32, #tpu.memory_space<vmem>>, vector<16xi32>,
          %broadcast_in_dim3A_585 = arith.constant -1 : i32
          %broadcast_in_dim3A_586 = vector.broadcast %broadcast_in_dim3A_585 : i32 to vector<16xi32>
          %swap3A_587 = arith.index_cast %and3A_352 : i32 to index
          %swap3A_588 = arith.constant 64 : index
          %swap3A_589 = tpu.vector_load %arg22[%swap3A_587, %swap3A_588] {strides = array<i32>} : memref<2x128xi32, #tpu.memory_space<vmem>>, vector<16xi32>,
          tpu.vector_store %arg22[%swap3A_587, %swap3A_588], %broadcast_in_dim3A_586 {strides = array<i32>} : memref<2x128xi32, #tpu.memory_space<vmem>>, vector<16xi32>,
          %broadcast_in_dim3A_590 = arith.constant -1 : i32
          %broadcast_in_dim3A_591 = vector.broadcast %broadcast_in_dim3A_590 : i32 to vector<16xi32>
          %swap3A_592 = arith.index_cast %and3A_352 : i32 to index
          %swap3A_593 = arith.constant 80 : index
          %swap3A_594 = tpu.vector_load %arg22[%swap3A_592, %swap3A_593] {strides = array<i32>} : memref<2x128xi32, #tpu.memory_space<vmem>>, vector<16xi32>,
          tpu.vector_store %arg22[%swap3A_592, %swap3A_593], %broadcast_in_dim3A_591 {strides = array<i32>} : memref<2x128xi32, #tpu.memory_space<vmem>>, vector<16xi32>,
          %broadcast_in_dim3A_595 = arith.constant -1 : i32
          %broadcast_in_dim3A_596 = vector.broadcast %broadcast_in_dim3A_595 : i32 to vector<16xi32>
          %swap3A_597 = arith.index_cast %and3A_352 : i32 to index
          %swap3A_598 = arith.constant 96 : index
          %swap3A_599 = tpu.vector_load %arg22[%swap3A_597, %swap3A_598] {strides = array<i32>} : memref<2x128xi32, #tpu.memory_space<vmem>>, vector<16xi32>,
          tpu.vector_store %arg22[%swap3A_597, %swap3A_598], %broadcast_in_dim3A_596 {strides = array<i32>} : memref<2x128xi32, #tpu.memory_space<vmem>>, vector<16xi32>,
          %broadcast_in_dim3A_600 = arith.constant -1 : i32
          %broadcast_in_dim3A_601 = vector.broadcast %broadcast_in_dim3A_600 : i32 to vector<16xi32>
          %swap3A_602 = arith.index_cast %and3A_352 : i32 to index
          %swap3A_603 = arith.constant 112 : index
          %swap3A_604 = tpu.vector_load %arg22[%swap3A_602, %swap3A_603] {strides = array<i32>} : memref<2x128xi32, #tpu.memory_space<vmem>>, vector<16xi32>,
          tpu.vector_store %arg22[%swap3A_602, %swap3A_603], %broadcast_in_dim3A_601 {strides = array<i32>} : memref<2x128xi32, #tpu.memory_space<vmem>>, vector<16xi32>,
        } else {
        }
        scf.yield %add3A_536 : i32
      }
      scf.yield %while3A_326 : i32
    }
    %gt3A_178 = arith.constant 0 : i32
    %gt3A_179 = arith.cmpi sgt, %while3A_163, %gt3A_178 : i32
    %convert_element_type3A_180 = arith.extui %gt3A_179 : i1 to i32
    %cond3A_181 = arith.constant 0 : i32
    %cond3A_182 = arith.cmpi ne, %convert_element_type3A_180, %cond3A_181 : i32
    scf.if %cond3A_182 {
      %and3A_188 = arith.constant 1 : i32
      %and3A_189 = arith.andi %while3A_163, %and3A_188 : i32
      %dma_wait3A_190 = arith.constant 0 : i32
      %dma_wait3A_191 = arith.constant 0 : i32
      %dma_wait3A_192 = tpu.memref_slice %arg17[%and3A_189, %dma_wait3A_190, %dma_wait3A_191] : memref<2x64x128xf32, #tpu.memory_space<vmem>> -> memref<1x64x128xf32, #tpu.memory_space<vmem>>
      %dma_wait3A_193 = tpu.memref_squeeze %dma_wait3A_192 : memref<1x64x128xf32, #tpu.memory_space<vmem>> -> memref<64x128xf32, #tpu.memory_space<vmem>>
      %dma_wait3A_194 = arith.constant 0 : i32
      %dma_wait3A_195 = arith.constant 0 : i32
      %dma_wait3A_196 = tpu.memref_slice %arg4[%dma_wait3A_194, %dma_wait3A_195] : memref<64x1000000xf32, #tpu.memory_space<hbm>> -> memref<64x128xf32, #tpu.memory_space<hbm>>
      %dma_wait3A_197 = arith.constant 0 : i32
      %dma_wait3A_198 = arith.constant 0 : i32
      %dma_wait3A_199 = tpu.memref_slice %arg17[%and3A_189, %dma_wait3A_197, %dma_wait3A_198] : memref<2x64x128xf32, #tpu.memory_space<vmem>> -> memref<1x64x128xf32, #tpu.memory_space<vmem>>
      %dma_wait3A_200 = tpu.memref_squeeze %dma_wait3A_199 : memref<1x64x128xf32, #tpu.memory_space<vmem>> -> memref<64x128xf32, #tpu.memory_space<vmem>>
      %dma_wait3A_201 = arith.constant 0 : i32
      %dma_wait3A_202 = arith.constant 0 : i32
      %dma_wait3A_203 = tpu.memref_slice %arg4[%dma_wait3A_201, %dma_wait3A_202] : memref<64x1000000xf32, #tpu.memory_space<hbm>> -> memref<64x128xf32, #tpu.memory_space<hbm>>
      tpu.wait_dma2 semaphore(%arg23 : memref<!tpu.dma_semaphore, #tpu.memory_space<semaphore_mem>>) src(%dma_wait3A_203 : memref<64x128xf32, #tpu.memory_space<hbm>>) dst(%dma_wait3A_200 : memref<64x128xf32, #tpu.memory_space<vmem>>)
      %dma_wait3A_204 = arith.constant 0 : i32
      %dma_wait3A_205 = arith.constant 0 : i32
      %dma_wait3A_206 = tpu.memref_slice %arg18[%and3A_189, %dma_wait3A_204, %dma_wait3A_205] : memref<2x32x128xf32, #tpu.memory_space<vmem>> -> memref<1x32x128xf32, #tpu.memory_space<vmem>>
      %dma_wait3A_207 = tpu.memref_squeeze %dma_wait3A_206 : memref<1x32x128xf32, #tpu.memory_space<vmem>> -> memref<32x128xf32, #tpu.memory_space<vmem>>
      %dma_wait3A_208 = arith.constant 0 : i32
      %dma_wait3A_209 = arith.constant 0 : i32
      %dma_wait3A_210 = tpu.memref_slice %arg5[%dma_wait3A_208, %dma_wait3A_209] : memref<32x1000000xf32, #tpu.memory_space<hbm>> -> memref<32x128xf32, #tpu.memory_space<hbm>>
      %dma_wait3A_211 = arith.constant 0 : i32
      %dma_wait3A_212 = arith.constant 0 : i32
      %dma_wait3A_213 = tpu.memref_slice %arg18[%and3A_189, %dma_wait3A_211, %dma_wait3A_212] : memref<2x32x128xf32, #tpu.memory_space<vmem>> -> memref<1x32x128xf32, #tpu.memory_space<vmem>>
      %dma_wait3A_214 = tpu.memref_squeeze %dma_wait3A_213 : memref<1x32x128xf32, #tpu.memory_space<vmem>> -> memref<32x128xf32, #tpu.memory_space<vmem>>
      %dma_wait3A_215 = arith.constant 0 : i32
      %dma_wait3A_216 = arith.constant 0 : i32
      %dma_wait3A_217 = tpu.memref_slice %arg5[%dma_wait3A_215, %dma_wait3A_216] : memref<32x1000000xf32, #tpu.memory_space<hbm>> -> memref<32x128xf32, #tpu.memory_space<hbm>>
      tpu.wait_dma2 semaphore(%arg24 : memref<!tpu.dma_semaphore, #tpu.memory_space<semaphore_mem>>) src(%dma_wait3A_217 : memref<32x128xf32, #tpu.memory_space<hbm>>) dst(%dma_wait3A_214 : memref<32x128xf32, #tpu.memory_space<vmem>>)
      %dma_wait3A_218 = arith.constant 0 : i32
      %dma_wait3A_219 = arith.constant 0 : i32
      %dma_wait3A_220 = tpu.memref_slice %arg19[%and3A_189, %dma_wait3A_218, %dma_wait3A_219] : memref<2x32x128xf32, #tpu.memory_space<vmem>> -> memref<1x32x128xf32, #tpu.memory_space<vmem>>
      %dma_wait3A_221 = tpu.memref_squeeze %dma_wait3A_220 : memref<1x32x128xf32, #tpu.memory_space<vmem>> -> memref<32x128xf32, #tpu.memory_space<vmem>>
      %dma_wait3A_222 = arith.constant 0 : i32
      %dma_wait3A_223 = arith.constant 0 : i32
      %dma_wait3A_224 = tpu.memref_slice %arg6[%dma_wait3A_222, %dma_wait3A_223] : memref<32x1000000xf32, #tpu.memory_space<hbm>> -> memref<32x128xf32, #tpu.memory_space<hbm>>
      %dma_wait3A_225 = arith.constant 0 : i32
      %dma_wait3A_226 = arith.constant 0 : i32
      %dma_wait3A_227 = tpu.memref_slice %arg19[%and3A_189, %dma_wait3A_225, %dma_wait3A_226] : memref<2x32x128xf32, #tpu.memory_space<vmem>> -> memref<1x32x128xf32, #tpu.memory_space<vmem>>
      %dma_wait3A_228 = tpu.memref_squeeze %dma_wait3A_227 : memref<1x32x128xf32, #tpu.memory_space<vmem>> -> memref<32x128xf32, #tpu.memory_space<vmem>>
      %dma_wait3A_229 = arith.constant 0 : i32
      %dma_wait3A_230 = arith.constant 0 : i32
      %dma_wait3A_231 = tpu.memref_slice %arg6[%dma_wait3A_229, %dma_wait3A_230] : memref<32x1000000xf32, #tpu.memory_space<hbm>> -> memref<32x128xf32, #tpu.memory_space<hbm>>
      tpu.wait_dma2 semaphore(%arg25 : memref<!tpu.dma_semaphore, #tpu.memory_space<semaphore_mem>>) src(%dma_wait3A_231 : memref<32x128xf32, #tpu.memory_space<hbm>>) dst(%dma_wait3A_228 : memref<32x128xf32, #tpu.memory_space<vmem>>)
      %dma_wait3A_232 = arith.constant 0 : i32
      %dma_wait3A_233 = arith.constant 0 : i32
      %dma_wait3A_234 = tpu.memref_slice %arg20[%and3A_189, %dma_wait3A_232, %dma_wait3A_233] : memref<2x32x128xf32, #tpu.memory_space<vmem>> -> memref<1x32x128xf32, #tpu.memory_space<vmem>>
      %dma_wait3A_235 = tpu.memref_squeeze %dma_wait3A_234 : memref<1x32x128xf32, #tpu.memory_space<vmem>> -> memref<32x128xf32, #tpu.memory_space<vmem>>
      %dma_wait3A_236 = arith.constant 0 : i32
      %dma_wait3A_237 = arith.constant 0 : i32
      %dma_wait3A_238 = tpu.memref_slice %arg7[%dma_wait3A_236, %dma_wait3A_237] : memref<32x1000000xf32, #tpu.memory_space<hbm>> -> memref<32x128xf32, #tpu.memory_space<hbm>>
      %dma_wait3A_239 = arith.constant 0 : i32
      %dma_wait3A_240 = arith.constant 0 : i32
      %dma_wait3A_241 = tpu.memref_slice %arg20[%and3A_189, %dma_wait3A_239, %dma_wait3A_240] : memref<2x32x128xf32, #tpu.memory_space<vmem>> -> memref<1x32x128xf32, #tpu.memory_space<vmem>>
      %dma_wait3A_242 = tpu.memref_squeeze %dma_wait3A_241 : memref<1x32x128xf32, #tpu.memory_space<vmem>> -> memref<32x128xf32, #tpu.memory_space<vmem>>
      %dma_wait3A_243 = arith.constant 0 : i32
      %dma_wait3A_244 = arith.constant 0 : i32
      %dma_wait3A_245 = tpu.memref_slice %arg7[%dma_wait3A_243, %dma_wait3A_244] : memref<32x1000000xf32, #tpu.memory_space<hbm>> -> memref<32x128xf32, #tpu.memory_space<hbm>>
      tpu.wait_dma2 semaphore(%arg26 : memref<!tpu.dma_semaphore, #tpu.memory_space<semaphore_mem>>) src(%dma_wait3A_245 : memref<32x128xf32, #tpu.memory_space<hbm>>) dst(%dma_wait3A_242 : memref<32x128xf32, #tpu.memory_space<vmem>>)
    } else {
    }
    %and3A = arith.constant 127 : i32
    %and3A_183 = arith.andi %while3A_177, %and3A : i32
    %ne3A = arith.constant 0 : i32
    %ne3A_184 = arith.cmpi ne, %and3A_183, %ne3A : i32
    %convert_element_type3A_185 = arith.extui %ne3A_184 : i1 to i32
    %cond3A_186 = arith.constant 0 : i32
    %cond3A_187 = arith.cmpi ne, %convert_element_type3A_185, %cond3A_186 : i32
    scf.if %cond3A_187 {
      %shift_right_logical3A = arith.constant 7 : i32
      %shift_right_logical3A_188 = arith.shrui %while3A_177, %shift_right_logical3A : i32
      %and3A_189 = arith.constant 1 : i32
      %and3A_190 = arith.andi %shift_right_logical3A_188, %and3A_189 : i32
      %dma_start3A_191 = arith.constant 0 : i32
      %dma_start3A_192 = arith.constant 0 : i32
      %dma_start3A_193 = tpu.memref_slice %arg21[%and3A_190, %dma_start3A_191, %dma_start3A_192] : memref<2x128x128xf32, #tpu.memory_space<vmem>> -> memref<1x128x128xf32, #tpu.memory_space<vmem>>
      %dma_start3A_194 = tpu.memref_squeeze %dma_start3A_193 : memref<1x128x128xf32, #tpu.memory_space<vmem>> -> memref<128x128xf32, #tpu.memory_space<vmem>>
      %dma_start3A_195 = arith.constant 0 : i32
      %dma_start3A_196 = tpu.memref_slice %arg22[%and3A_190, %dma_start3A_195] : memref<2x128xi32, #tpu.memory_space<vmem>> -> memref<1x128xi32, #tpu.memory_space<vmem>>
      %dma_start3A_197 = tpu.memref_squeeze %dma_start3A_196 : memref<1x128xi32, #tpu.memory_space<vmem>> -> memref<128xi32, #tpu.memory_space<vmem>>
      %dma_start3A_198 = arith.constant 0 : i32
      %dma_start3A_199 = arith.constant 0 : i32
      %dma_start3A_200 = tpu.memref_slice %arg8[%dma_start3A_198, %dma_start3A_199] : memref<16384x128xf32, #tpu.memory_space<hbm>> -> memref<16384x128xf32, #tpu.memory_space<hbm>>
      %dma_start3A_201 = arith.constant -1 : i32
      tpu.enqueue_indirect_dma source(%dma_start3A_194 : memref<128x128xf32, #tpu.memory_space<vmem>>) target(%dma_start3A_200 : memref<16384x128xf32, #tpu.memory_space<hbm>>) offsets(%dma_start3A_197 : memref<128xi32, #tpu.memory_space<vmem>>) offset_filter(%dma_start3A_201) semaphore(%arg27 : memref<!tpu.dma_semaphore, #tpu.memory_space<semaphore_mem>>)
      %dma_wait3A_202 = arith.constant 0 : i32
      %dma_wait3A_203 = arith.constant 0 : i32
      %dma_wait3A_204 = tpu.memref_slice %arg21[%and3A_190, %dma_wait3A_202, %dma_wait3A_203] : memref<2x128x128xf32, #tpu.memory_space<vmem>> -> memref<1x128x128xf32, #tpu.memory_space<vmem>>
      %dma_wait3A_205 = tpu.memref_squeeze %dma_wait3A_204 : memref<1x128x128xf32, #tpu.memory_space<vmem>> -> memref<128x128xf32, #tpu.memory_space<vmem>>
      %dma_wait3A_206 = arith.constant 0 : i32
      %dma_wait3A_207 = tpu.memref_slice %arg22[%and3A_190, %dma_wait3A_206] : memref<2x128xi32, #tpu.memory_space<vmem>> -> memref<1x128xi32, #tpu.memory_space<vmem>>
      %dma_wait3A_208 = tpu.memref_squeeze %dma_wait3A_207 : memref<1x128xi32, #tpu.memory_space<vmem>> -> memref<128xi32, #tpu.memory_space<vmem>>
      %dma_wait3A_209 = arith.constant 0 : i32
      %dma_wait3A_210 = arith.constant 0 : i32
      %dma_wait3A_211 = tpu.memref_slice %arg8[%dma_wait3A_209, %dma_wait3A_210] : memref<16384x128xf32, #tpu.memory_space<hbm>> -> memref<16384x128xf32, #tpu.memory_space<hbm>>
      tpu.wait_indirect_dma semaphore(%arg27 : memref<!tpu.dma_semaphore, #tpu.memory_space<semaphore_mem>>) src(%dma_wait3A_205 : memref<128x128xf32, #tpu.memory_space<vmem>>) dst(%dma_wait3A_211 : memref<16384x128xf32, #tpu.memory_space<hbm>>)
      %broadcast_in_dim3A_212 = arith.constant -1 : i32
      %broadcast_in_dim3A_213 = vector.broadcast %broadcast_in_dim3A_212 : i32 to vector<16xi32>
      %swap3A_214 = arith.index_cast %and3A_190 : i32 to index
      %swap3A_215 = arith.constant 0 : index
      %swap3A_216 = tpu.vector_load %arg22[%swap3A_214, %swap3A_215] {strides = array<i32>} : memref<2x128xi32, #tpu.memory_space<vmem>>, vector<16xi32>,
      tpu.vector_store %arg22[%swap3A_214, %swap3A_215], %broadcast_in_dim3A_213 {strides = array<i32>} : memref<2x128xi32, #tpu.memory_space<vmem>>, vector<16xi32>,
      %broadcast_in_dim3A_217 = arith.constant -1 : i32
      %broadcast_in_dim3A_218 = vector.broadcast %broadcast_in_dim3A_217 : i32 to vector<16xi32>
      %swap3A_219 = arith.index_cast %and3A_190 : i32 to index
      %swap3A_220 = arith.constant 16 : index
      %swap3A_221 = tpu.vector_load %arg22[%swap3A_219, %swap3A_220] {strides = array<i32>} : memref<2x128xi32, #tpu.memory_space<vmem>>, vector<16xi32>,
      tpu.vector_store %arg22[%swap3A_219, %swap3A_220], %broadcast_in_dim3A_218 {strides = array<i32>} : memref<2x128xi32, #tpu.memory_space<vmem>>, vector<16xi32>,
      %broadcast_in_dim3A_222 = arith.constant -1 : i32
      %broadcast_in_dim3A_223 = vector.broadcast %broadcast_in_dim3A_222 : i32 to vector<16xi32>
      %swap3A_224 = arith.index_cast %and3A_190 : i32 to index
      %swap3A_225 = arith.constant 32 : index
      %swap3A_226 = tpu.vector_load %arg22[%swap3A_224, %swap3A_225] {strides = array<i32>} : memref<2x128xi32, #tpu.memory_space<vmem>>, vector<16xi32>,
      tpu.vector_store %arg22[%swap3A_224, %swap3A_225], %broadcast_in_dim3A_223 {strides = array<i32>} : memref<2x128xi32, #tpu.memory_space<vmem>>, vector<16xi32>,
      %broadcast_in_dim3A_227 = arith.constant -1 : i32
      %broadcast_in_dim3A_228 = vector.broadcast %broadcast_in_dim3A_227 : i32 to vector<16xi32>
      %swap3A_229 = arith.index_cast %and3A_190 : i32 to index
      %swap3A_230 = arith.constant 48 : index
      %swap3A_231 = tpu.vector_load %arg22[%swap3A_229, %swap3A_230] {strides = array<i32>} : memref<2x128xi32, #tpu.memory_space<vmem>>, vector<16xi32>,
      tpu.vector_store %arg22[%swap3A_229, %swap3A_230], %broadcast_in_dim3A_228 {strides = array<i32>} : memref<2x128xi32, #tpu.memory_space<vmem>>, vector<16xi32>,
      %broadcast_in_dim3A_232 = arith.constant -1 : i32
      %broadcast_in_dim3A_233 = vector.broadcast %broadcast_in_dim3A_232 : i32 to vector<16xi32>
      %swap3A_234 = arith.index_cast %and3A_190 : i32 to index
      %swap3A_235 = arith.constant 64 : index
      %swap3A_236 = tpu.vector_load %arg22[%swap3A_234, %swap3A_235] {strides = array<i32>} : memref<2x128xi32, #tpu.memory_space<vmem>>, vector<16xi32>,
      tpu.vector_store %arg22[%swap3A_234, %swap3A_235], %broadcast_in_dim3A_233 {strides = array<i32>} : memref<2x128xi32, #tpu.memory_space<vmem>>, vector<16xi32>,
      %broadcast_in_dim3A_237 = arith.constant -1 : i32
      %broadcast_in_dim3A_238 = vector.broadcast %broadcast_in_dim3A_237 : i32 to vector<16xi32>
      %swap3A_239 = arith.index_cast %and3A_190 : i32 to index
      %swap3A_240 = arith.constant 80 : index
      %swap3A_241 = tpu.vector_load %arg22[%swap3A_239, %swap3A_240] {strides = array<i32>} : memref<2x128xi32, #tpu.memory_space<vmem>>, vector<16xi32>,
      tpu.vector_store %arg22[%swap3A_239, %swap3A_240], %broadcast_in_dim3A_238 {strides = array<i32>} : memref<2x128xi32, #tpu.memory_space<vmem>>, vector<16xi32>,
      %broadcast_in_dim3A_242 = arith.constant -1 : i32
      %broadcast_in_dim3A_243 = vector.broadcast %broadcast_in_dim3A_242 : i32 to vector<16xi32>
      %swap3A_244 = arith.index_cast %and3A_190 : i32 to index
      %swap3A_245 = arith.constant 96 : index
      %swap3A_246 = tpu.vector_load %arg22[%swap3A_244, %swap3A_245] {strides = array<i32>} : memref<2x128xi32, #tpu.memory_space<vmem>>, vector<16xi32>,
      tpu.vector_store %arg22[%swap3A_244, %swap3A_245], %broadcast_in_dim3A_243 {strides = array<i32>} : memref<2x128xi32, #tpu.memory_space<vmem>>, vector<16xi32>,
      %broadcast_in_dim3A_247 = arith.constant -1 : i32
      %broadcast_in_dim3A_248 = vector.broadcast %broadcast_in_dim3A_247 : i32 to vector<16xi32>
      %swap3A_249 = arith.index_cast %and3A_190 : i32 to index
      %swap3A_250 = arith.constant 112 : index
      %swap3A_251 = tpu.vector_load %arg22[%swap3A_249, %swap3A_250] {strides = array<i32>} : memref<2x128xi32, #tpu.memory_space<vmem>>, vector<16xi32>,
      tpu.vector_store %arg22[%swap3A_249, %swap3A_250], %broadcast_in_dim3A_248 {strides = array<i32>} : memref<2x128xi32, #tpu.memory_space<vmem>>, vector<16xi32>,
    } else {
    }
    return
  }
}

</mosaic_0001>

<sc_bundles>
// kernel: kernel.3.cloned.1.call-start
scs
__scs_entry_jumppad:
0x0: {  	(pc) =	sbr.rel $0x88, $3  }
0x1: {  	(tag) =	ssettag $0x0;
	lr =	simm.s32 $0x1  }
0x2: {  	[smem:$0x3F9B] =	sst lr;
	_ =	strace $0xD0000000  }
0x3: {  	_ = 	snop  }
0x4: {  	_ = 	snop  }
0x5: {  	_ = 	snop  }
0x6: {  	_ = 	snop  }
0x7: {  	_ = 	snop  }
__scs_overlays_trampoline_lowered:
0x8: {  	[smem:$0x3FAA] =	sst s0  }
0x9: {  	[smem:$0x3FAB] =	sst s1  }
0xa: {  	[smem:$0x3FAC] =	sst s2  }
0xb: {  	[smem:$0x3FAD] =	sst s3  }
0xc: {  	[smem:$0x3FAE] =	sst s4  }
0xd: {  	[smem:$0x3FAF] =	sst s5  }
0xe: {  	[smem:$0x3FB0] =	sst s6  }
0xf: {  	[smem:$0x3FB1] =	sst s7  }
0x10: {  	[smem:$0x3FB2] =	sst s8  }
0x11: {  	[smem:$0x3FB3] =	sst s9;
	s0 =	simm.s32 @!p0 $0x0  }
0x12: {  	s1 =	sld [smem:$0x3F99];
	s0 =	simm.s32 @p0 $0x1  }
0x13: {  	[smem:$0x3FB4] =	sst s0;
	s0 =	simm.s32 @!p1 $0x0  }
0x14: {  	s2 =	sld [smem:$0x3F98];
	s0 =	simm.s32 @p1 $0x1  }
0x15: {  	[smem:$0x3FB5] =	sst s0;
	s0 =	simm.s32 @!p2 $0x0  }
0x16: {  	s3 =	sld [smem:$0x3FDB];
	s0 =	simm.s32 @p2 $0x1  }
0x17: {  	s4 =	simm.s32 $0x1BF5;
	[smem:$0x3FB7] =	sst s0  }
0x18: {  	s0 =	sld [smem:$0x3F9A];
	_ =	swait.ge [sflag:s4], $0x0  }
0x19: {  	s7 =	sld [smem:$0x3F9B]  }
0x1a: {  	s8 =	sadd.s32 $0xFFFFE003, lr  }
0x1b: {  	s9 =	sadd.s32 $0xFFFFFEF7, lr;
	s5 =	simm.s32 $0xFFFFFFFF;
	p2 =	slt.u32 s8, $0xFFFFF086  }
0x1c: {  	p1 =	slt.u32 s9, $0xF7A;
	s5 =	simm.s32 @!p2 $0x0  }
0x1d: {  	s5 =	simm.s32 @p1 $0x1;
	p0 =	seq.s32 s7, s2  }
0x1e: {  	s7 =	smul.u32 @!p0 $0xF7A, s2;
	p2 =	seq.s32 @!p0 s5, $0x0  }
0x1f: {  	s9 =	smul.u32 $0xF7A, s1;
	s8 =	simm.s32 @!p0 $0x1BF5;
	p2 =	por !p2, p0  }
0x20: {  	[sflag:s8] =	ssyncset.s32 @!p0 $0xFFFFF086;
	s6 =	sadd.s32 @!p0 s3, s7;
	s7 =	simm.s32 @!p0 $0x108  }
0x21: {  	s3 =	sadd.s32 s3, s9;
	s6 =	sadd.s32 @!p0 $0x88, s6;
	s7 =	simm.s32 @p2 $0x1082  }
0x22: {  	[simem:s7], [sflag:s8] =	dma.local @!p0 [hbm:s6], $0xF7A  }
0x23: {  	s9 =	sor.u32 $0xD0000000, s2;
	s6 =	simm.s32 $0x108;
	_ =	swait.ge @!p0 [sflag:s8], $0x0  }
0x24: {  	s3 =	sadd.s32 $0x88, s3;
	s6 =	simm.s32 @!p1 $0x1082;
	[sflag:s4] =	ssyncset.s32 $0xFFFFF086  }
0x25: {  	[simem:s6], [sflag:s4] =	dma.local [hbm:s3], $0xF7A  }
0x26: {  	[smem:$0x3F9B] =	sst s1;
	(tag) =	ssettag s2;
	_ =	strace s9  }
0x27: {  	s1 =	sld [smem:$0x3FAB]  }
0x28: {  	s2 =	sld [smem:$0x3FAC]  }
0x29: {  	s4 =	sld [smem:$0x3FAE]  }
0x2a: {  	p0 =	seq.s32 s5, $0x0;
	s5 =	sld [smem:$0x3FAF]  }
0x2b: {  	s6 =	sld [smem:$0x3FB0]  }
0x2c: {  	s7 =	sld [smem:$0x3FB1]  }
0x2d: {  	s3 =	simm.s32 $0x108;
	s8 =	sld [smem:$0x3FB2]  }
0x2e: {  	s3 =	simm.s32 @!p0 $0x1082;
	s9 =	sld [smem:$0x3FB3]  }
0x2f: {  	lr =	sadd.s32 s0, s3;
	s0 =	sld [smem:$0x3FAA]  }
0x30: {  	s3 =	sld [smem:$0x3FAD]  }
0x31: {  	[smem:$0x3FB6] =	sst s10  }
0x32: {  	s10 =	sld [smem:$0x3FB4];
	_ =	sdelay $0x3  }
0x33: {  	p0 =	seq.s32 s10, $0x1;
	s10 =	sld [smem:$0x3FB6];
	_ =	sdelay $0x3  }
0x34: {  	[smem:$0x3FB6] =	sst s10  }
0x35: {  	s10 =	sld [smem:$0x3FB5];
	_ =	sdelay $0x3  }
0x36: {  	p1 =	seq.s32 s10, $0x1;
	s10 =	sld [smem:$0x3FB6];
	_ =	sdelay $0x3  }
0x37: {  	[smem:$0x3FB6] =	sst s10  }
0x38: {  	s10 =	sld [smem:$0x3FB7]  }
0x39: {  	_ = 	snop;
	(pc) =	sbr.ind lr, $3  }
0x3a: {  	_ = 	snop  }
0x3b: {  	_ = 	snop  }
0x3c: {  	p2 =	seq.s32 s10, $0x1;
	s10 =	sld [smem:$0x3FB6]  }
0x3d: {  	_ =	shalt  }
0x3e: {  	_ =	shalt  }
0x3f: {  	_ =	shalt  }
0x40: {  	_ =	shalt  }
0x41: {  	_ =	shalt  }
0x42: {  	_ =	shalt  }
0x43: {  	_ =	shalt  }
0x44: {  	_ =	shalt  }
0x45: {  	_ =	shalt  }
0x46: {  	_ =	shalt  }
0x47: {  	_ =	shalt  }
0x48: {  	_ =	shalt  }
0x49: {  	_ =	shalt  }
0x4a: {  	_ =	shalt  }
0x4b: {  	_ =	shalt  }
0x4c: {  	_ =	shalt  }
0x4d: {  	_ =	shalt  }
0x4e: {  	_ =	shalt  }
0x4f: {  	_ =	shalt  }
0x50: {  	_ =	shalt  }
0x51: {  	_ =	shalt  }
0x52: {  	_ =	shalt  }
0x53: {  	_ =	shalt  }
0x54: {  	_ =	shalt  }
0x55: {  	_ =	shalt  }
0x56: {  	_ =	shalt  }
0x57: {  	_ =	shalt  }
0x58: {  	_ =	shalt  }
0x59: {  	_ =	shalt  }
0x5a: {  	_ =	shalt  }
0x5b: {  	_ =	shalt  }
0x5c: {  	_ =	shalt  }
0x5d: {  	_ =	shalt  }
0x5e: {  	_ =	shalt  }
0x5f: {  	_ =	shalt  }
0x60: {  	_ =	shalt  }
0x61: {  	_ =	shalt  }
0x62: {  	_ =	shalt  }
0x63: {  	_ =	shalt  }
0x64: {  	_ =	shalt  }
0x65: {  	_ =	shalt  }
0x66: {  	_ =	shalt  }
0x67: {  	_ =	shalt  }
0x68: {  	_ =	shalt  }
0x69: {  	_ =	shalt  }
0x6a: {  	_ =	shalt  }
0x6b: {  	_ =	shalt  }
0x6c: {  	_ =	shalt  }
0x6d: {  	_ =	shalt  }
0x6e: {  	_ =	shalt  }
0x6f: {  	_ =	shalt  }
0x70: {  	_ =	shalt  }
0x71: {  	_ =	shalt  }
0x72: {  	_ =	shalt  }
0x73: {  	_ =	shalt  }
0x74: {  	_ =	shalt  }
0x75: {  	_ =	shalt  }
0x76: {  	_ =	shalt  }
0x77: {  	_ =	shalt  }
0x78: {  	_ =	shalt  }
0x79: {  	_ =	shalt  }
0x7a: {  	_ =	shalt  }
0x7b: {  	_ =	shalt  }
0x7c: {  	_ =	shalt  }
0x7d: {  	_ =	shalt  }
0x7e: {  	_ =	shalt  }
0x7f: {  	_ =	shalt  }
0x80: {  	_ =	shalt  }
0x81: {  	_ =	shalt  }
0x82: {  	_ =	shalt  }
0x83: {  	_ =	shalt  }
0x84: {  	_ =	shalt  }
0x85: {  	_ =	shalt  }
0x86: {  	_ =	shalt  }
0x87: {  	_ =	shalt  }
.Lfunc_end0:
.L_simem_size_0:
called_computation_lowered:
.L_overlay_start_0:
0x88: {  	s2 =	sld [smem:$0x3FD9]  }
0x89: {  	s3 =	sld [smem:$0x3FFE];
	_ =	sdelay $0x1  }
0x8a: {  	s1 =	srdreg.scid  }
0x8b: {  	s0 =	sand.u32 $0x1, s1  }
0x8c: {  	s17 =	sshll.u32 s0, $0xA;
	s2 =	sadd.s32 s3, s2  }
0x8d: {  	s2 =	sadd.s32 s2, s17  }
0x8e: {  	[smem:$0x3FC2] =	sst s2  }
0x8f: {  	_ = 	snop  }
0x90: {  	s2 =	sld [smem:$0x3FC9]  }
0x91: {  	s18 =	sld [smem:$0x3FC8]  }
0x92: {  	s4 =	sld [smem:$0x3FC7]  }
0x93: {  	s5 =	sld [smem:$0x3FC6]  }
0x94: {  	s6 =	sld [smem:$0x3FC5]  }
0x95: {  	s7 =	sld [smem:$0x3FC4];
	(tm) =	ssettm $0x1  }
0x96: {  	s8 =	sld [smem:$0x3FFB];
	_ =	sdelay $0x3  }
0x97: {  	_ =	strace s8  }
0x98: {  	s8 =	sld [smem:$0x3FFC];
	_ =	sdelay $0x3  }
0x99: {  	_ =	strace s8  }
0x9a: {  	s8 =	sld [smem:$0x3FFD];
	_ =	sdelay $0x3  }
0x9b: {  	_ =	strace s8  }
0x9c: {  	_ =	strace $0x8FFFFFFF  }
0x9d: {  	s19 =	sld [smem:$0x3FDB];
	_ =	sdelay $0x1  }
0x9e: {  	s9 =	simm.s32 $_scs_section_size  }
0x9f: {  	s10 =	simm.s32 $_size__tile_overlayer_lowered;
	s11 =	simm.s32 $_tile_overlayer_lowered  }
0xa0: {  	s22 =	simm.s32 $0x1BFF;
	s21 =	sshll.u32 s11, $0x1;
	s8 =	sadd.s32 s9, s19  }
0xa1: {  	s12 =	simm.s32 $0x0;
	s20 =	sshll.u32 s10, $0x1;
	s10 =	sadd.s32 s21, s8  }
0xa2: {  	[timem:s12], [sflag:s22] =	dma.local [hbm:s10], s20  }
0xa3: {  	_ =	swait.ge [sflag:s22], s20  }
0xa4: {  	s9 =	ssub.s32 $0x0, s20;
	[sflag:s22] =	ssyncset.done $0x0  }
0xa5: {  	[sflag:s22] =	ssyncadd.s32 s9;
	_ =	sdelay $0x1  }
0xa6: {  	s23 =	simm.s32 $0x1B8B  }
0xa7: {  	_ =	swait.ge [sflag:s23], $0x1  }
0xa8: {  	[sflag:s23] =	ssyncset.done $0x0  }
0xa9: {  	s25 =	simm.s32 $0x1B8E;
	s24 =	sld [smem:$0x3FFE];
	[sflag:s23] =	ssyncadd.s32 $0xFFFFFFFF  }
0xaa: {  	s26 =	simm.s32 $execute0_lowered;
	[smem:$0x3FD2] =	sst s25  }
0xab: {  	s10 =	sshll.u32 s26, $0x1;
	_ =	strace $0x80000046;
	[dreg:$0x1] =	wrdreg $0xFFFFFFFF  }
0xac: {  	s28 =	simm.s32 $_size_execute0_lowered;
	s8 =	sadd.s32 s8, s10;
	[dreg:$0x0] =	wrdreg $0x0  }
0xad: {  	s10 =	sshll.u32 s28, $0x1;
	[dreg:$0x2] =	wrdreg s8  }
0xae: {  	[dreg:$0x3] =	wrdreg s10  }
0xaf: {  	[dreg:$0x4] =	wrdreg $0xC0  }
0xb0: {  	_ =	task [dreg:s12], $0x5FFFF  }
0xb1: {  	[dreg:$0x1] =	wrdreg $0xFFFFFFFF  }
0xb2: {  	[dreg:$0x0] =	wrdreg $0x60  }
0xb3: {  	[dreg:$0x2] =	wrdreg s2  }
0xb4: {  	[dreg:$0x3] =	wrdreg s18  }
0xb5: {  	[dreg:$0x4] =	wrdreg s4  }
0xb6: {  	[dreg:$0x5] =	wrdreg s5  }
0xb7: {  	[dreg:$0x6] =	wrdreg s6  }
0xb8: {  	[dreg:$0x7] =	wrdreg s7  }
0xb9: {  	[dreg:$0x8] =	wrdreg s24  }
0xba: {  	[dreg:$0x9] =	wrdreg $0x9  }
0xbb: {  	_ =	task.clear_ibuf [dreg:s12], $0xAFFFF;
	_ =	strace $0x90000046  }
0xbc: {  	s29 =	simm.s32 $0x9;
	_ =	strace $0x80000048  }
0xbd: {  	_ =	swait.ge [sflag:s29], $0x1  }
0xbe: {  	[sflag:s29] =	ssyncadd.s32 $0xFFFFFFFF  }
0xbf: {  	_ =	strace $0x90000048  }
0xc0: {  	_ =	sfence  }
0xc1: {  	s30 =	sld [smem:$0x0];
	_ =	sdelay $0x2  }
0xc2: {  	s31 =	sshll.u32 s1, $0xD;
	s1 =	sshrl.u32 s1, $0x2  }
0xc3: {  	s3 =	sand.u32 $0x4000, s31;
	s1 =	sadd.s32 s1, s30  }
0xc4: {  	s0 =	sor.u32 s3, s0;
	s1 =	sshll.u32 s1, $0x11  }
0xc5: {  	s0 =	sor.u32 s1, s0  }
0xc6: {  	s0 =	sadd.s32 $0x8F2B, s0  }
0xc7: {  	[sflag:s0] =	ssyncadd.remote.s32 $0x1  }
0xc8: {  	_ =	sfence.sel $0xFFFF  }
0xc9: {  	[dreg:$0x0] =	wrdreg $0xFFFFFFFF;
	(pc) =	sbr.abs _section_cstart, $3  }
0xca: {  	[dreg:$0x1] =	wrdreg $0xFFFFFFFF  }
0xcb: {  	_ =	task.clear_ibuf [dreg:s12], $0x2FFFF;
	_ =	strace $0x9FFFFFFF  }
0xcc: {  	(tm) =	ssettm $0x7FFFFFFF  }
0xcd: {  	_ =	shalt  }
tec
execute0_lowered:
.L_overlay_start_1:
0x0: {  	(tag) =	ssettag $0x1  }
0x1: {  	s0 =	rddreg [dreg:$0x0]  }
0x2: {  	s1 =	rddreg [dreg:$0x1]  }
0x3: {  	s2 =	srdreg.scid;
	s3 =	stileid.u32  }
0x4: {  	s4 =	rddreg [dreg:$0x6];
	s5 =	simm.s32 $0x0;
	s30 =	simm.s32 $0x400  }
0x5: {  	s29 =	simm.s32 $0x6;
	[smem:$0x7FF] =	sst s5;
	s13 =	sadd.s32 $0x10, s0  }
0x6: {  	s14 =	sadd.s32 $0x20, s0;
	_ =	strace $0x80000047;
	[dreg:$0x9] =	wrdreg s13  }
0x7: {  	s31 =	simm.s32 $0xA580;
	s15 =	sadd.s32 $0x30, s0;
	[dreg:$0xa] =	wrdreg s14  }
0x8: {  	s6 =	simm.s32 $0x2980;
	s16 =	sadd.s32 $0x40, s0;
	[dreg:$0xb] =	wrdreg s15  }
0x9: {  	s28 =	simm.s32 $0x7A1400;
	s17 =	sadd.s32 $0x50, s0;
	[dreg:$0xc] =	wrdreg s16  }
0xa: {  	s2 =	sand.u32 $0x1, s2;
	s18 =	sadd.s32 $0x60, s0;
	[dreg:$0xd] =	wrdreg s17  }
0xb: {  	s3 =	sshll.u32 s3, $0x1;
	s19 =	sadd.s32 $0x70, s0;
	[dreg:$0xe] =	wrdreg s18  }
0xc: {  	s10 =	sadd.s32 $0x400, s4;
	s20 =	sadd.s32 $0x10, s1;
	[dreg:$0xf] =	wrdreg s19  }
0xd: {  	s21 =	sadd.s32 $0x20, s1;
	s22 =	sadd.s32 $0x30, s1;
	[dreg:$0x10] =	wrdreg s20  }
0xe: {  	s23 =	sadd.s32 $0x40, s1;
	s24 =	sadd.s32 $0x50, s1;
	[dreg:$0x11] =	wrdreg s21  }
0xf: {  	s25 =	sadd.s32 $0x60, s1;
	s26 =	sadd.s32 $0x70, s1;
	[dreg:$0x12] =	wrdreg s22  }
0x10: {  	s4 =	simm.s32 $0x0;
	s3 =	sor.u32 s2, s3;
	[dreg:$0x13] =	wrdreg s23  }
0x11: {  	s2 =	ssub.s32 $0x2, s2;
	[dreg:$0x14] =	wrdreg s24;
	s9 =	smul.u32 $0xF5, s3  }
.Ltmp0:
0x12: {  	v0 =	vlaneseq.u32;
	v4 =	vimm.s32 $0xFFFFFFFF;
	v5 =	vimm.s32 $0x0;
	[dreg:$0x15] =	wrdreg s25;
	s8 =	sshrl.u32 s2, $0x1;
	(pc) =	sbr.rel .LBB2_1-.Ltmp0, $4  }
0x13: {  	vm0 =	vmmov $0x1;
	vm1 =	vmxor vm1, vm1;
	v2 =	vmul.u32 $0x80, v0;
	[dreg:$0x16] =	wrdreg s26;
	s26 =	simm.s32 $0x1;
	s2 =	ssub.s32 s2, s8  }
0x14: {  	v7 =	vimm.f32 $-5.000000000e-01;
	v8 =	vor.u32 $0x20, v0;
	v10 =	vor.u32 $0x10, v0;
	s13 =	simm.s32 $0x4;
	s11 =	smin.u32 s9, $0x1D90;
	s2 =	smax.u32 s2, $0x1  }
0x15: {  	v12 =	vor.u32 $0x30, v0;
	s14 =	simm.s32 $0x1C880;
	v6 =	vor.u32 $0x1000, v2;
	v9 =	vor.u32 $0x800, v2;
	s12 =	sadd.s32 $0xF5, s11;
	[dreg:$0x8] =	wrdreg s2  }
0x16: {  	v11 =	vor.u32 $0x1800, v2;
	v3 =	vmov s9;
	s2 =	simm.s32 $0x0;
	s11 =	simm.s32 $0x2;
	v1 =	vmov s12;
	s12 =	simm.s32 $0x3  }
.LBB2_21:
0x17: {  	_ =	swait.ge [sflag:s26], $0x2000  }
0x18: {  	[sflag:s26] =	ssyncset.done $0x0  }
0x19: {  	[sflag:s26] =	ssyncadd.s32 $0xFFFFE000  }
0x1a: {  	_ =	swait.ge [sflag:s11], $0x1000  }
0x1b: {  	[sflag:s11] =	ssyncset.done $0x0  }
0x1c: {  	[sflag:s11] =	ssyncadd.s32 $0xFFFFF000  }
0x1d: {  	s2 =	sand.u32 $0x7F, s17;
	_ =	swait.ge [sflag:s12], $0x1000  }
0x1e: {  	p0 =	seq.s32 s2, $0x0;
	[sflag:s12] =	ssyncset.done $0x0  }
0x1f: {  	s2 =	sshrl.u32 @!p0 s17, $0x7;
	[sflag:s12] =	ssyncadd.s32 $0xFFFFF000  }
0x20: {  	s2 =	sand.u32 @!p0 $0x1, s2;
	_ =	swait.ge [sflag:s13], $0x1000  }
0x21: {  	s5 =	simm.s32 @!p0 $0x80;
	s3 =	sshll.u32 @!p0 s2, $0xE;
	[sflag:s13] =	ssyncset.done $0x0  }
0x22: {  	s2 =	sshll.u32 @!p0 s2, $0x7;
	[sflag:s13] =	ssyncadd.s32 $0xFFFFF000;
	(ifvalue) =	ssetifvalue @!p0 $0xFFFFFFFF  }
0x23: {  	s3 =	sadd.s32 @!p0 $0x14880, s3;
	s4 =	sadd.s32 @!p0 $0x1C880, s2;
	(ifvalue) =	ssetifvalue @!p0 $0xFFFFFFFF  }
0x24: {  	[hbm4b:s10+s5] =	stream.indirect.scatter @!p0 [tilespmem:s3], [sflag:$0x5], $0x80, s4, s5, $0x40b8;
	[tilespmem:$0x1C980] =	vst v63  }
0x25: {  	s3 =	simm.s32 @!p0 $0x5  }
0x26: {  	_ =	swait.ge @!p0 [sflag:s3], $0x4000  }
0x27: {  	[sflag:s3] =	ssyncset.done @!p0 $0x0  }
0x28: {  	v13 =	vimm.s32 @!p0 $0xFFFFFFFF;
	[sflag:s3] =	ssyncadd.s32 @!p0 $0xFFFFC000  }
0x29: {  	[tilespmem:s2+$0x1C880] =	vst @!p0 v13  }
0x2a: {  	[tilespmem:s2+$0x1C890] =	vst @!p0 v13  }
0x2b: {  	[tilespmem:s2+$0x1C8A0] =	vst @!p0 v13  }
0x2c: {  	[tilespmem:s2+$0x1C8B0] =	vst @!p0 v13  }
0x2d: {  	[tilespmem:s2+$0x1C8C0] =	vst @!p0 v13  }
0x2e: {  	[tilespmem:s2+$0x1C8D0] =	vst @!p0 v13  }
0x2f: {  	[tilespmem:s2+$0x1C8E0] =	vst @!p0 v13  }
0x30: {  	s4 =	rddreg [dreg:$0x17];
	[tilespmem:s2+$0x1C8F0] =	vst @!p0 v13;
	s2 =	simm.s32 $0x0  }
.LBB2_22:
0x31: {  	s4 =	sadd.s32 $0x1, s4;
	s3 =	rddreg [dreg:$0x8]  }
0x32: {  	p0 =	sne.s32 s4, s3  }
.Ltmp1:
0x33: {  	_ = 	snop;
	(pc) =	sbr.rel @!p0 .LBB2_23-.Ltmp1, $1  }
0x34: {  	_ =	sdelay $0x3  }
.LBB2_1:
0x35: {  	[tilespmem:s2], [sflag:$0x6] =	stream.linear.gather [hbm4b:s0+s2], $0x80, $0x38;
	[tilespmem:$0x1C980] =	vst v63  }
0x36: {  	s3 =	rddreg [dreg:$0x9];
	s8 =	simm.s32 $0x100  }
0x37: {  	[tilespmem:s8], [sflag:$0x6] =	stream.linear.gather [hbm4b:s3+s2], $0x80, $0x38;
	[tilespmem:$0x1C980] =	vst v63  }
0x38: {  	s15 =	rddreg [dreg:$0xa];
	s16 =	simm.s32 $0x200  }
0x39: {  	[tilespmem:s16], [sflag:$0x6] =	stream.linear.gather [hbm4b:s15+s2], $0x80, $0x38;
	[tilespmem:$0x1C980] =	vst v63  }
0x3a: {  	s17 =	rddreg [dreg:$0xb];
	s18 =	simm.s32 $0x300  }
0x3b: {  	[tilespmem:s18], [sflag:$0x6] =	stream.linear.gather [hbm4b:s17+s2], $0x80, $0x38;
	[tilespmem:$0x1C980] =	vst v63  }
0x3c: {  	s19 =	rddreg [dreg:$0xc]  }
0x3d: {  	[tilespmem:s30], [sflag:$0x6] =	stream.linear.gather [hbm4b:s19+s2], $0x80, $0x38;
	[tilespmem:$0x1C980] =	vst v63  }
0x3e: {  	s20 =	rddreg [dreg:$0xd];
	s21 =	simm.s32 $0x500  }
0x3f: {  	[tilespmem:s21], [sflag:$0x6] =	stream.linear.gather [hbm4b:s20+s2], $0x80, $0x38;
	[tilespmem:$0x1C980] =	vst v63  }
0x40: {  	s22 =	rddreg [dreg:$0xe];
	s23 =	simm.s32 $0x600  }
0x41: {  	[tilespmem:s23], [sflag:$0x6] =	stream.linear.gather [hbm4b:s22+s2], $0x80, $0x38;
	[tilespmem:$0x1C980] =	vst v63  }
0x42: {  	s24 =	rddreg [dreg:$0xf];
	s25 =	simm.s32 $0x700  }
0x43: {  	[tilespmem:s25], [sflag:$0x6] =	stream.linear.gather [hbm4b:s24+s2], $0x80, $0x38;
	[tilespmem:$0x1C980] =	vst v63  }
0x44: {  	[dreg:$0x17] =	wrdreg s4;
	s4 =	simm.s32 $0x800  }
0x45: {  	[tilespmem:s4], [sflag:$0x6] =	stream.linear.gather [hbm4b:s1+s2], $0x80, $0x38;
	[tilespmem:$0x1C980] =	vst v63  }
0x46: {  	s5 =	rddreg [dreg:$0x10];
	s7 =	simm.s32 $0x900  }
0x47: {  	[tilespmem:s7], [sflag:$0x6] =	stream.linear.gather [hbm4b:s5+s2], $0x80, $0x38;
	[tilespmem:$0x1C980] =	vst v63  }
0x48: {  	s8 =	rddreg [dreg:$0x11];
	s15 =	simm.s32 $0xA00  }
0x49: {  	[tilespmem:s15], [sflag:$0x6] =	stream.linear.gather [hbm4b:s8+s2], $0x80, $0x38;
	[tilespmem:$0x1C980] =	vst v63  }
0x4a: {  	s16 =	rddreg [dreg:$0x12];
	s17 =	simm.s32 $0xB00  }
0x4b: {  	[tilespmem:s17], [sflag:$0x6] =	stream.linear.gather [hbm4b:s16+s2], $0x80, $0x38;
	[tilespmem:$0x1C980] =	vst v63  }
0x4c: {  	s18 =	rddreg [dreg:$0x13];
	s19 =	simm.s32 $0xC00  }
0x4d: {  	[tilespmem:s19], [sflag:$0x6] =	stream.linear.gather [hbm4b:s18+s2], $0x80, $0x38;
	[tilespmem:$0x1C980] =	vst v63  }
0x4e: {  	s20 =	rddreg [dreg:$0x14];
	s21 =	simm.s32 $0xD00  }
0x4f: {  	[tilespmem:s21], [sflag:$0x6] =	stream.linear.gather [hbm4b:s20+s2], $0x80, $0x38;
	[tilespmem:$0x1C980] =	vst v63  }
0x50: {  	s22 =	rddreg [dreg:$0x15];
	s23 =	simm.s32 $0xE00  }
0x51: {  	[tilespmem:s23], [sflag:$0x6] =	stream.linear.gather [hbm4b:s22+s2], $0x80, $0x38;
	[tilespmem:$0x1C980] =	vst v63  }
0x52: {  	s24 =	rddreg [dreg:$0x16];
	s25 =	simm.s32 $0xF00  }
0x53: {  	[tilespmem:s25], [sflag:$0x6] =	stream.linear.gather [hbm4b:s24+s2], $0x80, $0x38;
	[tilespmem:$0x1C980] =	vst v63  }
0x54: {  	[tilespmem:$0x1C880] =	vst v4  }
0x55: {  	[tilespmem:$0x1C890] =	vst v4  }
0x56: {  	[tilespmem:$0x1C8A0] =	vst v4  }
0x57: {  	[tilespmem:$0x1C8B0] =	vst v4  }
0x58: {  	[tilespmem:$0x1C8C0] =	vst v4  }
0x59: {  	[tilespmem:$0x1C8D0] =	vst v4  }
0x5a: {  	[tilespmem:$0x1C8E0] =	vst v4  }
0x5b: {  	[tilespmem:$0x1C8F0] =	vst v4  }
0x5c: {  	[tilespmem:$0x1C900] =	vst v4  }
0x5d: {  	[tilespmem:$0x1C910] =	vst v4  }
0x5e: {  	[tilespmem:$0x1C920] =	vst v4  }
0x5f: {  	[tilespmem:$0x1C930] =	vst v4  }
0x60: {  	[tilespmem:$0x1C940] =	vst v4  }
0x61: {  	[tilespmem:$0x1C950] =	vst v4  }
0x62: {  	[tilespmem:$0x1C960] =	vst v4  }
0x63: {  	[tilespmem:$0x1C970] =	vst v4  }
0x64: {  	[tilespmem:$0xA580] =	vst v5  }
0x65: {  	[tilespmem:$0xA590] =	vst v5  }
0x66: {  	[tilespmem:$0xA5A0] =	vst v5  }
0x67: {  	[tilespmem:$0xA5B0] =	vst v5  }
0x68: {  	[tilespmem:$0xA5C0] =	vst v5  }
0x69: {  	[tilespmem:$0xA5D0] =	vst v5  }
0x6a: {  	[tilespmem:$0xA5E0] =	vst v5  }
0x6b: {  	[tilespmem:$0xA5F0] =	vst v5  }
0x6c: {  	[tilespmem:$0xA600] =	vst v5  }
0x6d: {  	[tilespmem:$0xA610] =	vst v5  }
0x6e: {  	[tilespmem:$0xA620] =	vst v5  }
0x6f: {  	[tilespmem:$0xA630] =	vst v5  }
0x70: {  	[tilespmem:$0xA640] =	vst v5  }
0x71: {  	[tilespmem:$0xA650] =	vst v5  }
0x72: {  	[tilespmem:$0xA660] =	vst v5  }
0x73: {  	s3 =	simm.s32 $0x0;
	s4 =	simm.s32 $0x0;
	s5 =	simm.s32 $0x0;
	[tilespmem:$0xA670] =	vst v5  }
.LBB2_3:
0x74: {  	_ =	swait.ge [sflag:s29], $0x400  }
0x75: {  	s7 =	smov.u32 s4;
	[sflag:s29] =	ssyncset.done $0x0  }
0x76: {  	s4 =	sadd.s32 $0x1, s4;
	s17 =	simm.s32 $0x0;
	[sflag:s29] =	ssyncadd.s32 $0xFFFFFC00  }
0x77: {  	s7 =	sshll.u32 s7, $0x7;
	s8 =	smin.u32 s4, $0xF;
	_ =	swait.ge [sflag:s29], $0x400  }
0x78: {  	s7 =	sand.u32 $0x80, s7;
	s8 =	sshll.u32 s8, $0x7;
	[sflag:s29] =	ssyncset.done $0x0  }
0x79: {  	s15 =	sxor.u32 $0x80, s7;
	s16 =	sadd.s32 s0, s8;
	[sflag:s29] =	ssyncadd.s32 $0xFFFFFC00  }
0x7a: {  	[tilespmem:s15], [sflag:$0x6] =	stream.linear.gather [hbm4b:s16+s17], $0x80, $0x38;
	[tilespmem:$0x1C980] =	vst v63  }
0x7b: {  	s18 =	sadd.s32 $0x10, s16;
	s19 =	sor.u32 $0x100, s15  }
0x7c: {  	[tilespmem:s19], [sflag:$0x6] =	stream.linear.gather [hbm4b:s18+s17], $0x80, $0x38;
	[tilespmem:$0x1C980] =	vst v63  }
0x7d: {  	s20 =	sadd.s32 $0x20, s16;
	s21 =	sor.u32 $0x200, s15  }
0x7e: {  	[tilespmem:s21], [sflag:$0x6] =	stream.linear.gather [hbm4b:s20+s17], $0x80, $0x38;
	[tilespmem:$0x1C980] =	vst v63  }
0x7f: {  	s22 =	sadd.s32 $0x30, s16;
	s23 =	sor.u32 $0x300, s15  }
0x80: {  	[tilespmem:s23], [sflag:$0x6] =	stream.linear.gather [hbm4b:s22+s17], $0x80, $0x38;
	[tilespmem:$0x1C980] =	vst v63  }
0x81: {  	s24 =	sadd.s32 $0x40, s16;
	s25 =	sor.u32 $0x400, s15  }
0x82: {  	[tilespmem:s25], [sflag:$0x6] =	stream.linear.gather [hbm4b:s24+s17], $0x80, $0x38;
	[tilespmem:$0x1C980] =	vst v63  }
0x83: {  	s20 =	sadd.s32 $0x50, s16;
	s21 =	sor.u32 $0x500, s15  }
0x84: {  	[tilespmem:s21], [sflag:$0x6] =	stream.linear.gather [hbm4b:s20+s17], $0x80, $0x38;
	[tilespmem:$0x1C980] =	vst v63  }
0x85: {  	s22 =	sadd.s32 $0x60, s16;
	s23 =	sor.u32 $0x600, s15  }
0x86: {  	[tilespmem:s23], [sflag:$0x6] =	stream.linear.gather [hbm4b:s22+s17], $0x80, $0x38;
	[tilespmem:$0x1C980] =	vst v63  }
0x87: {  	s16 =	sadd.s32 $0x70, s16;
	s24 =	sor.u32 $0x700, s15  }
0x88: {  	[tilespmem:s24], [sflag:$0x6] =	stream.linear.gather [hbm4b:s16+s17], $0x80, $0x38;
	[tilespmem:$0x1C980] =	vst v63  }
0x89: {  	s8 =	sadd.s32 s1, s8;
	s25 =	sor.u32 $0x800, s15  }
0x8a: {  	[tilespmem:s25], [sflag:$0x6] =	stream.linear.gather [hbm4b:s8+s17], $0x80, $0x38;
	[tilespmem:$0x1C980] =	vst v63  }
0x8b: {  	s18 =	sadd.s32 $0x10, s8;
	s19 =	sor.u32 $0x900, s15  }
0x8c: {  	[tilespmem:s19], [sflag:$0x6] =	stream.linear.gather [hbm4b:s18+s17], $0x80, $0x38;
	[tilespmem:$0x1C980] =	vst v63  }
0x8d: {  	s20 =	sadd.s32 $0x20, s8;
	s21 =	sor.u32 $0xA00, s15  }
0x8e: {  	[tilespmem:s21], [sflag:$0x6] =	stream.linear.gather [hbm4b:s20+s17], $0x80, $0x38;
	[tilespmem:$0x1C980] =	vst v63  }
0x8f: {  	s22 =	sadd.s32 $0x30, s8;
	s23 =	sor.u32 $0xB00, s15  }
0x90: {  	[tilespmem:s23], [sflag:$0x6] =	stream.linear.gather [hbm4b:s22+s17], $0x80, $0x38;
	[tilespmem:$0x1C980] =	vst v63  }
0x91: {  	s24 =	sadd.s32 $0x40, s8;
	s25 =	sor.u32 $0xC00, s15  }
0x92: {  	[tilespmem:s25], [sflag:$0x6] =	stream.linear.gather [hbm4b:s24+s17], $0x80, $0x38;
	[tilespmem:$0x1C980] =	vst v63  }
0x93: {  	s19 =	sadd.s32 $0x50, s8;
	s20 =	sor.u32 $0xD00, s15  }
0x94: {  	[tilespmem:s20], [sflag:$0x6] =	stream.linear.gather [hbm4b:s19+s17], $0x80, $0x38;
	[tilespmem:$0x1C980] =	vst v63  }
0x95: {  	s21 =	sadd.s32 $0x60, s8;
	s8 =	sadd.s32 $0x70, s8;
	s22 =	sor.u32 $0xE00, s15  }
0x96: {  	[tilespmem:s22], [sflag:$0x6] =	stream.linear.gather [hbm4b:s21+s17], $0x80, $0x38;
	[tilespmem:$0x1C980] =	vst v63  }
0x97: {  	s15 =	sor.u32 $0xF00, s15;
	s23 =	sand.u32 $0x70, s17;
	s24 =	sand.u32 $0x700, s17  }
0x98: {  	[tilespmem:s15], [sflag:$0x6] =	stream.linear.gather [hbm4b:s8+s17], $0x80, $0x38;
	[tilespmem:$0x1C980] =	vst v63  }
0x99: {  	s8 =	sor.u32 s24, s23  }
0x9a: {  	s8 =	sor.u32 s7, s8  }
0x9b: {  	v13 =	vld [tilespmem:s8+$0x0];
	_ =	sdelay $0x4  }
0x9c: {  	v14 =	vshrl.u32 v13, $0x7  }
0x9d: {  	vm2 =	vge.u32 v14, v3;
	vm3 =	vlt.u32 v14, v1  }
0x9e: {  	vm2 =	vmand vm2, vm3  }
0x9f: {  	v14 =	vmpcnt.ones.xlane vm2;
	_ =	sdelay $0x1  }
0xa0: {  	[tilespmem:s5+$0x1000] =	vst.msk vm2, v13;
	(v2sf) =	vpush v14, $0x0  }
0xa1: {  	v13 =	vld [tilespmem:s8+$0x800];
	_ =	sdelay $0x3  }
0xa2: {  	s25 =	sadd.s32 $0x0, s3;
	s15 =	simm.s32 $0x20;
	s8 =	simm.s32 $0x10  }
0xa3: {  	s16 =	simm.s32 $0x20;
	s18 =	sand.u32 $0x700, s15;
	s17 =	sand.u32 $0x70, s8;
	[tilespmem:s5+$0x1880] =	vst.msk vm2, v13;
	v13 =	vor.u32 s25, v0  }
.LBB2_4:
0xa4: {  	p0 =	seq.s32 s16, $0x3F0;
	s17 =	sor.u32 s18, s17;
	[tilespmem:s5+$0x2100] =	vst.msk vm2, v13  }
0xa5: {  	s17 =	sor.u32 s7, s17  }
0xa6: {  	v13 =	vld [tilespmem:s17+$0x0];
	_ =	sdelay $0x4  }
0xa7: {  	v14 =	vshrl.u32 v13, $0x7  }
0xa8: {  	vm2 =	vge.u32 v14, v3;
	vm3 =	vlt.u32 v14, v1;
	s18 =	spop (v2sf)  }
0xa9: {  	vm2 =	vmand vm2, vm3;
	s5 =	sadd.s32 s5, s18  }
0xaa: {  	v14 =	vmpcnt.ones.xlane vm2;
	p1 =	slt.s32 s5, $0x800  }
0xab: {  	s5 =	simm.s32 @!p1 $0x800  }
0xac: {  	[tilespmem:s5+$0x1000] =	vst.msk vm2, v13;
	(v2sf) =	vpush v14, $0x0  }
0xad: {  	v13 =	vld [tilespmem:s17+$0x800]  }
.Ltmp2:
0xae: {  	(pc) =	sbr.rel @!p0 .LBB2_4-.Ltmp2, $3  }
0xaf: {  	_ =	sdelay $0x1  }
0xb0: {  	s19 =	sadd.s32 s8, s3;
	s15 =	sadd.s32 $0x20, s15;
	s8 =	smov.u32 s16  }
0xb1: {  	s16 =	sadd.s32 $0x10, s16;
	s18 =	sand.u32 $0x700, s15;
	s17 =	sand.u32 $0x70, s8;
	[tilespmem:s5+$0x1880] =	vst.msk vm2, v13;
	v13 =	vor.u32 s19, v0  }
0xb2: {  	s15 =	sor.u32 s18, s17  }
0xb3: {  	[tilespmem:s5+$0x2100] =	vst.msk vm2, v13;
	s7 =	sor.u32 s7, s15  }
0xb4: {  	v13 =	vld [tilespmem:s7+$0x0];
	_ =	sdelay $0x4  }
0xb5: {  	v14 =	vshrl.u32 v13, $0x7  }
0xb6: {  	vm2 =	vge.u32 v14, v3;
	vm3 =	vlt.u32 v14, v1  }
0xb7: {  	vm2 =	vmand vm2, vm3  }
0xb8: {  	v14 =	vmpcnt.ones.xlane vm2;
	_ =	sdelay $0x1  }
0xb9: {  	(v2sf) =	vpush v14, $0x0;
	_ =	sdelay $0x6  }
0xba: {  	s24 =	spop (v2sf)  }
0xbb: {  	s15 =	sadd.s32 s5, s24  }
0xbc: {  	p0 =	slt.s32 s15, $0x800  }
0xbd: {  	s15 =	simm.s32 @!p0 $0x800  }
0xbe: {  	[tilespmem:s15+$0x1000] =	vst.msk vm2, v13  }
0xbf: {  	v13 =	vld [tilespmem:s7+$0x800];
	_ =	sdelay $0x2  }
0xc0: {  	s25 =	spop (v2sf)  }
0xc1: {  	s8 =	sadd.s32 s8, s3;
	s7 =	sadd.s32 s15, s25  }
0xc2: {  	[tilespmem:s15+$0x1880] =	vst.msk vm2, v13;
	v13 =	vor.u32 s8, v0;
	p0 =	slt.s32 s7, $0x800;
	s5 =	smov.u32 s7  }
0xc3: {  	[tilespmem:s15+$0x2100] =	vst.msk vm2, v13;
	s5 =	simm.s32 @!p0 $0x800  }
0xc4: {  	p1 =	seq.s32 s4, $0x10  }
.Ltmp3:
0xc5: {  	_ = 	snop;
	(pc) =	sbr.rel @!p1 .LBB2_3-.Ltmp3, $2  }
0xc6: {  	_ =	sdelay $0x2  }
0xc7: {  	s3 =	sadd.s32 $0x400, s3  }
0xc8: {  	_ =	swait.ge [sflag:s29], $0x400;
	p1 =	slt.s32 s7, $0x1  }
.Ltmp4:
0xc9: {  	[sflag:s29] =	ssyncset.done $0x0;
	(pc) =	sbr.rel @p1 .LBB2_22-.Ltmp4, $4  }
0xca: {  	[sflag:s29] =	ssyncadd.s32 $0xFFFFFC00  }
0xcb: {  	_ =	swait.ge [sflag:s29], $0x400  }
0xcc: {  	[sflag:s29] =	ssyncset.done $0x0  }
0xcd: {  	s15 =	simm.s32 $0xA700;
	s4 =	rddreg [dreg:$0x17];
	[sflag:s29] =	ssyncadd.s32 $0xFFFFFC00  }
0xce: {  	s7 =	simm.s32 @!p0 $0x800  }
0xcf: {  	s16 =	simm.s32 $0x0;
	s3 =	simm.s32 $0x1000;
	s4 =	simm.s32 $0x0  }
.LBB2_8:
0xd0: {  	v13 =	vld [tilespmem:s3+$0x0];
	_ =	sdelay $0x4  }
0xd1: {  	(v2sf) =	vpush v13, $0x0;
	_ =	sdelay $0xe  }
0xd2: {  	s5 =	spop (v2sf)  }
0xd3: {  	s5 =	sshrl.u32 s5, $0x7  }
0xd4: {  	s5 =	ssub.s32 s5, s9  }
0xd5: {  	v13 =	vmov s5;
	_ =	sdelay $0x4  }
0xd6: {  	v14 =	vld.idx.msk [tilespmem:v13+s31+$0x0], $0xffff;
	_ =	sdelay $0x4  }
0xd7: {  	(v2sf) =	vpush v14, $0x0;
	_ =	sdelay $0xe  }
0xd8: {  	s25 =	spop (v2sf)  }
0xd9: {  	p0 =	slt.s32 s25, $0x3F;
	s8 =	smov.u32 s25  }
0xda: {  	s8 =	simm.s32 @!p0 $0x3F  }
0xdb: {  	v14 =	vmov s8  }
0xdc: {  	v16 =	vshll.u32 v13, $0x7;
	v15 =	vand.u32 $0xFFFFFF80, v14  }
0xdd: {  	v14 =	vand.u32 $0x7F, v14;
	v15 =	vadd.s32 v15, v16  }
0xde: {  	v14 =	vor.u32 v14, v15;
	_ =	sdelay $0x2  }
0xdf: {  	vm2 =	vmmov vm1;
	p0 =	seq.s32 s25, $0x0  }
0xe0: {  	v63 =	vmov s4;
	s5 =	sadd.s32 $0x1, s25;
	vm2 =	vmneg @p0 vm2  }
0xe1: {  	s4 =	sadd.s32 $0x1, s4;
	vm2 =	vmand vm2, vm0;
	[tilespmem:v14+s6+$0x0] =	vst.idx.msk $0x1, v63;
	v14 =	vmov s5;
	s5 =	simm.s32 $0x1  }
0xe2: {  	v15 =	vmov s16;
	s5 =	simm.s32 @!p0 $0x0;
	p0 =	sne.s32 s7, s4  }
.Ltmp5:
0xe3: {  	_ = 	snop;
	(pc) =	sbr.rel @p0 .LBB2_8-.Ltmp5, $3  }
0xe4: {  	_ =	sdelay $0x1  }
0xe5: {  	[tilespmem:v13+s31+$0x0] =	vst.idx.msk $0x1, v14  }
0xe6: {  	s3 =	sadd.s32 $0x1, s3;
	[tilespmem:v15+s15+$0x0] =	vst.idx.msk vm2, v13;
	s16 =	sadd.s32 s5, s16  }
0xe7: {  	p0 =	slt.s32 s16, $0x1  }
.Ltmp6:
0xe8: {  	_ = 	snop;
	(pc) =	sbr.rel @p0 .LBB2_22-.Ltmp6, $2  }
0xe9: {  	_ =	sdelay $0x2  }
0xea: {  	s4 =	rddreg [dreg:$0x17]  }
0xeb: {  	v13 =	vld [tilespmem:$0xA700];
	_ =	sdelay $0x4  }
0xec: {  	(v2sf) =	vpush v13, $0x0;
	_ =	sdelay $0xe  }
0xed: {  	s3 =	spop (v2sf)  }
0xee: {  	s3 =	sadd.s32 s9, s3  }
0xef: {  	s3 =	sshll.u32 s3, $0x7  }
0xf0: {  	s2 =	rddreg [dreg:$0x2];
	s3 =	sand.u32 $0x1FFFFF80, s3  }
0xf1: {  	s17 =	simm.s32 $0xA880;
	s18 =	rddreg [dreg:$0x3];
	s4 =	sadd.s32 s2, s3  }
0xf2: {  	[tilespmem:s17], [sflag:$0x1] =	stream.strided.gather [hbm4b:s4+s30], $0x2000, s28, s30, $0x38;
	[tilespmem:$0x1C980] =	vst v63  }
0xf3: {  	s20 =	simm.s32 $0xE880;
	s21 =	rddreg [dreg:$0x4];
	s19 =	sadd.s32 s18, s3  }
0xf4: {  	[tilespmem:s20], [sflag:$0x2] =	stream.strided.gather [hbm4b:s19+s30], $0x1000, s28, s30, $0x38;
	[tilespmem:$0x1C980] =	vst v63  }
.Ltmp7:
0xf5: {  	s23 =	simm.s32 $0x10880;
	s24 =	rddreg [dreg:$0x5];
	(pc) =	sbr.rel .LBB2_13-.Ltmp7, $4  }
0xf6: {  	s25 =	simm.s32 $0x12880;
	s22 =	sadd.s32 s21, s3;
	s3 =	sadd.s32 s24, s3  }
0xf7: {  	[tilespmem:s23], [sflag:$0x3] =	stream.strided.gather [hbm4b:s22+s30], $0x1000, s28, s30, $0x38;
	[tilespmem:$0x1C980] =	vst v63  }
0xf8: {  	s18 =	sadd.s32 $0xFFFFFFFF, s16;
	s17 =	simm.s32 $0x0;
	s19 =	simm.s32 $0x0  }
0xf9: {  	[tilespmem:s25], [sflag:$0x4] =	stream.strided.gather [hbm4b:s3+s30], $0x1000, s28, s30, $0x38;
	[tilespmem:$0x1C980] =	vst v63  }
.LBB2_12:
0xfa: {  	p0 =	seq.s32 s19, s16  }
.Ltmp8:
0xfb: {  	_ = 	snop;
	(pc) =	sbr.rel @p0 .LBB2_21-.Ltmp8, $1  }
0xfc: {  	_ =	sdelay $0x3  }
.LBB2_13:
0xfd: {  	v13 =	vld.msk [tilespmem:s19+$0xA700 ss:$0x0], $0xffff;
	_ =	swait.ge [sflag:s26], $0x2000  }
0xfe: {  	[sflag:s26] =	ssyncset.done $0x0  }
0xff: {  	[sflag:s26] =	ssyncadd.s32 $0xFFFFE000  }
0x100: {  	_ =	swait.ge [sflag:s11], $0x1000  }
0x101: {  	[sflag:s11] =	ssyncset.done $0x0  }
0x102: {  	[sflag:s11] =	ssyncadd.s32 $0xFFFFF000  }
0x103: {  	_ =	swait.ge [sflag:s12], $0x1000  }
0x104: {  	[sflag:s12] =	ssyncset.done $0x0  }
0x105: {  	[sflag:s12] =	ssyncadd.s32 $0xFFFFF000  }
0x106: {  	s3 =	sand.u32 $0x1, s19;
	s19 =	sadd.s32 $0x1, s19;
	_ =	swait.ge [sflag:s13], $0x1000  }
0x107: {  	s4 =	smov.u32 s18;
	p0 =	slt.s32 s19, s18;
	[sflag:s13] =	ssyncset.done $0x0  }
0x108: {  	s4 =	smov.u32 @p0 s19;
	[sflag:s13] =	ssyncadd.s32 $0xFFFFF000  }
0x109: {  	v14 =	vld [tilespmem:s4+$0xA700];
	_ =	sdelay $0x4  }
0x10a: {  	(v2sf) =	vpush v14, $0x0;
	_ =	sdelay $0xe  }
0x10b: {  	s8 =	spop (v2sf)  }
0x10c: {  	s5 =	sxor.u32 $0x1, s3;
	s4 =	sadd.s32 s9, s8  }
0x10d: {  	s7 =	sshll.u32 s5, $0xD;
	s4 =	sshll.u32 s4, $0x7  }
0x10e: {  	s5 =	sshll.u32 s5, $0xC;
	s2 =	rddreg [dreg:$0x2];
	s4 =	sand.u32 $0x1FFFFF80, s4  }
0x10f: {  	s7 =	sadd.s32 $0xA880, s7;
	s20 =	rddreg [dreg:$0x3];
	s8 =	sadd.s32 s2, s4  }
0x110: {  	[tilespmem:s7], [sflag:$0x1] =	stream.strided.gather [hbm4b:s8+s30], $0x2000, s28, s30, $0x38;
	[tilespmem:$0x1C980] =	vst v63  }
0x111: {  	s15 =	sor.u32 $0xE880, s5;
	s23 =	rddreg [dreg:$0x4];
	s21 =	sadd.s32 s20, s4  }
0x112: {  	[tilespmem:s15], [sflag:$0x2] =	stream.strided.gather [hbm4b:s21+s30], $0x1000, s28, s30, $0x38;
	[tilespmem:$0x1C980] =	vst v63  }
0x113: {  	s22 =	sor.u32 $0x10880, s5;
	s25 =	rddreg [dreg:$0x5];
	s24 =	sadd.s32 s23, s4  }
0x114: {  	[tilespmem:s22], [sflag:$0x3] =	stream.strided.gather [hbm4b:s24+s30], $0x1000, s28, s30, $0x38;
	[tilespmem:$0x1C980] =	vst v63  }
0x115: {  	s5 =	sor.u32 $0x12880, s5;
	s4 =	sadd.s32 s25, s4  }
0x116: {  	[tilespmem:s5], [sflag:$0x4] =	stream.strided.gather [hbm4b:s4+s30], $0x1000, s28, s30, $0x38;
	[tilespmem:$0x1C980] =	vst v63  }
0x117: {  	v14 =	vld.idx.msk [tilespmem:v13+s31+$0x0], $0xffff;
	_ =	sdelay $0x4  }
0x118: {  	(v2sf) =	vpush v14, $0x0;
	_ =	sdelay $0xe  }
0x119: {  	s25 =	spop (v2sf)  }
0x11a: {  	p0 =	slt.s32 s25, $0x1  }
.Ltmp9:
0x11b: {  	_ = 	snop;
	(pc) =	sbr.rel @p0 .LBB2_12-.Ltmp9, $1  }
0x11c: {  	_ =	sdelay $0x3  }
0x11d: {  	p0 =	slt.s32 s25, $0x40  }
0x11e: {  	s25 =	simm.s32 @!p0 $0x40  }
0x11f: {  	p1 =	seq.s32 s25, $0x1  }
.Ltmp10:
0x120: {  	_ = 	snop;
	(pc) =	sbr.rel @p1 .LBB2_15-.Ltmp10, $4  }
0x121: {  	_ = 	snop  }
0x122: {  	s4 =	sshll.u32 s3, $0xD;
	s24 =	sshll.u32 s3, $0xC;
	s8 =	simm.s32 $0x0  }
0x123: {  	s3 =	simm.s32 $0x1;
	s20 =	sadd.s32 $0xA880, s4;
	s21 =	sor.u32 $0xE880, s24  }
0x124: {  	v13 =	vshll.u32 v13, $0x7;
	s22 =	sor.u32 $0x10880, s24;
	s23 =	sor.u32 $0x12880, s24;
	p0 =	por $0x0, $0x0  }
0x125: {  	v14 =	vmov s8  }
0x126: {  	v15 =	vand.u32 $0x7FFFFF80, v14  }
0x127: {  	v14 =	vand.u32 $0x7F, v14;
	v15 =	vadd.s32 v13, v15  }
0x128: {  	v14 =	vor.u32 v14, v15;
	_ =	sdelay $0x4  }
0x129: {  	v14 =	vld.idx.msk [tilespmem:v14+s6+$0x0], $0xffff;
	_ =	sdelay $0x4  }
0x12a: {  	(v2sf) =	vpush v14, $0x0;
	_ =	sdelay $0xe  }
0x12b: {  	s24 =	spop (v2sf)  }
0x12c: {  	v14 =	vld [tilespmem:s24+$0x1000];
	_ =	sdelay $0x4  }
0x12d: {  	(v2sf) =	vpush v14, $0x0;
	_ =	sdelay $0xe  }
0x12e: {  	s4 =	spop (v2sf)  }
0x12f: {  	s7 =	sadd.s32 $0x0, s17;
	s15 =	sand.u32 $0x7F, s4  }
0x130: {  	s8 =	sand.u32 $0x7F, s7;
	v15 =	vor.u32 s15, v2  }
0x131: {  	v14 =	vmov s8  }
0x132: {  	v14 =	vshll.u32 v14, $0x7  }
0x133: {  	v16 =	vbroadcast v14, $0x0;
	_ =	sdelay $0x1  }
0x134: {  	v17 =	vor.u32 v0, v16;
	v18 =	vld.idx.msk [tilespmem:v15+s20+$0x0], $0xffff;
	_ =	sdelay $0x1  }
0x135: {  	s5 =	sshrl.u32 s7, $0x7  }
0x136: {  	s4 =	sand.u32 $0x1, s5  }
0x137: {  	v19 =	vld.msk [tilespmem:s24+$0x1880 ss:$0x0], $0xffff;
	s5 =	sshll.u32 s4, $0xE  }
0x138: {  	v14 =	vld.msk [tilespmem:s24+$0x2100 ss:$0x0], $0xffff;
	[tilespmem:v17+s5+$0x14880] =	vst.idx.msk $0xffff, v18  }
0x139: {  	v17 =	vld.idx.msk [tilespmem:v15+s22+$0x0], $0xffff;
	_ =	sdelay $0x1  }
0x13a: {  	v18 =	vld.idx.msk [tilespmem:v15+s23+$0x0], $0xffff;
	_ =	sdelay $0x2  }
0x13b: {  	v17 =	vmul.f32 v17, v19;
	_ =	sdelay $0x1  }
0x13c: {  	v17 =	vadd.f32 v18, v17;
	_ =	sdelay $0x1  }
0x13d: {  	v17 =	vmul.f32 $1.591549370e-01, v17;
	_ =	sdelay $0x1  }
0x13e: {  	vm2 =	vge.f32 v17, $0.0e+00  }
0x13f: {  	v18 =	vsel vm2, $0x3F000000, v7  }
0x140: {  	v18 =	vadd.f32 v18, v17;
	_ =	sdelay $0x1  }
0x141: {  	v18 =	vtrunc.f32 v18  }
0x142: {  	v18 =	vcvt.f32.s32 v18;
	_ =	sdelay $0x1  }
0x143: {  	v18 =	vcvt.s32.f32 v18;
	_ =	sdelay $0x1  }
0x144: {  	v17 =	vsub.f32 v17, v18;
	_ =	sdelay $0x1  }
0x145: {  	v18 =	vmul.f32 v17, v17;
	_ =	sdelay $0x1  }
0x146: {  	v20 =	vmul.f32 $3.199699880e+00, v18;
	_ =	sdelay $0x1  }
0x147: {  	v20 =	vadd.f32 $-1.486861610e+01, v20;
	_ =	sdelay $0x1  }
0x148: {  	v20 =	vmul.f32 v20, v18;
	_ =	sdelay $0x1  }
0x149: {  	v20 =	vadd.f32 $4.201616670e+01, v20;
	_ =	sdelay $0x1  }
0x14a: {  	v20 =	vmul.f32 v20, v18;
	_ =	sdelay $0x1  }
0x14b: {  	v20 =	vadd.f32 $-7.670155330e+01, v20;
	_ =	sdelay $0x1  }
0x14c: {  	v20 =	vmul.f32 v20, v18;
	_ =	sdelay $0x1  }
0x14d: {  	v20 =	vadd.f32 $8.160502620e+01, v20;
	_ =	sdelay $0x1  }
0x14e: {  	v20 =	vmul.f32 v20, v18;
	_ =	sdelay $0x1  }
0x14f: {  	v21 =	vor.u32 s15, v6;
	v20 =	vadd.f32 $-4.134169770e+01, v20;
	_ =	sdelay $0x1  }
0x150: {  	v18 =	vmul.f32 v20, v18  }
0x151: {  	v15 =	vld.idx.msk [tilespmem:v15+s21+$0x0], $0xffff  }
0x152: {  	v18 =	vadd.f32 $6.283185480e+00, v18  }
0x153: {  	v20 =	vld.idx.msk [tilespmem:v21+s20+$0x0], $0xffff  }
0x154: {  	v17 =	vmul.f32 v18, v17  }
0x155: {  	v18 =	vor.u32 v8, v16  }
0x156: {  	v15 =	vmul.f32 v17, v15;
	v17 =	vor.u32 s15, v9;
	_ =	sdelay $0x1  }
0x157: {  	v15 =	vadd.f32 v15, v20;
	_ =	sdelay $0x1  }
0x158: {  	[tilespmem:v18+s5+$0x14880] =	vst.idx.msk $0xffff, v15  }
0x159: {  	v15 =	vor.u32 v10, v16;
	v18 =	vld.idx.msk [tilespmem:v17+s20+$0x0], $0xffff;
	_ =	sdelay $0x4  }
0x15a: {  	[tilespmem:v15+s5+$0x14880] =	vst.idx.msk $0xffff, v18  }
0x15b: {  	v15 =	vld.idx.msk [tilespmem:v17+s22+$0x0], $0xffff;
	_ =	sdelay $0x1  }
0x15c: {  	v18 =	vld.idx.msk [tilespmem:v17+s23+$0x0], $0xffff;
	_ =	sdelay $0x2  }
0x15d: {  	v15 =	vmul.f32 v15, v19;
	_ =	sdelay $0x1  }
0x15e: {  	v15 =	vadd.f32 v18, v15;
	_ =	sdelay $0x1  }
0x15f: {  	v15 =	vmul.f32 $1.591549370e-01, v15;
	_ =	sdelay $0x1  }
0x160: {  	vm2 =	vge.f32 v15, $0.0e+00  }
0x161: {  	v18 =	vsel vm2, $0x3F000000, v7  }
0x162: {  	v18 =	vadd.f32 v18, v15;
	_ =	sdelay $0x1  }
0x163: {  	v18 =	vtrunc.f32 v18  }
0x164: {  	v18 =	vcvt.f32.s32 v18;
	_ =	sdelay $0x1  }
0x165: {  	v18 =	vcvt.s32.f32 v18;
	_ =	sdelay $0x1  }
0x166: {  	v15 =	vsub.f32 v15, v18;
	_ =	sdelay $0x1  }
0x167: {  	v18 =	vmul.f32 v15, v15;
	_ =	sdelay $0x1  }
0x168: {  	v19 =	vmul.f32 $3.199699880e+00, v18;
	_ =	sdelay $0x1  }
0x169: {  	v19 =	vadd.f32 $-1.486861610e+01, v19;
	_ =	sdelay $0x1  }
0x16a: {  	v19 =	vmul.f32 v19, v18;
	_ =	sdelay $0x1  }
0x16b: {  	v19 =	vadd.f32 $4.201616670e+01, v19;
	_ =	sdelay $0x1  }
0x16c: {  	v19 =	vmul.f32 v19, v18;
	_ =	sdelay $0x1  }
0x16d: {  	v19 =	vadd.f32 $-7.670155330e+01, v19;
	_ =	sdelay $0x1  }
0x16e: {  	v19 =	vmul.f32 v19, v18;
	_ =	sdelay $0x1  }
0x16f: {  	v19 =	vadd.f32 $8.160502620e+01, v19;
	_ =	sdelay $0x1  }
0x170: {  	v19 =	vmul.f32 v19, v18;
	_ =	sdelay $0x1  }
0x171: {  	v19 =	vadd.f32 $-4.134169770e+01, v19;
	_ =	sdelay $0x1  }
0x172: {  	v18 =	vmul.f32 v19, v18;
	v19 =	vor.u32 s15, v11;
	_ =	sdelay $0x2  }
0x173: {  	p1 =	seq.s32 s25, $0x2;
	v20 =	vld.idx.msk [tilespmem:v17+s21+$0x0], $0xffff;
	v17 =	vadd.f32 $6.283185480e+00, v18  }
.Ltmp11:
0x174: {  	_ = 	snop;
	(pc) =	sbr.rel @p1 .LBB2_17-.Ltmp11, $4  }
0x175: {  	v18 =	vmul.f32 v17, v15;
	v17 =	vld.idx.msk [tilespmem:v19+s20+$0x0], $0xffff  }
0x176: {  	s2 =	sshll.u32 s4, $0x7  }
0x177: {  	p0 =	por $0x1, $0x1;
	s7 =	sadd.s32 $0x1, s7;
	s8 =	sor.u32 s8, s2;
	v15 =	vor.u32 v12, v16  }
0x178: {  	s7 =	sand.u32 $0x7F, s7;
	s24 =	simm.s32 $0x2;
	s15 =	sadd.s32 $0x14880, s5;
	v16 =	vmov s8;
	v18 =	vmul.f32 v18, v20  }
.LBB2_18:
0x179: {  	_ = 	snop  }
0x17a: {  	v19 =	vmov s3;
	s8 =	smov.u32 s24;
	s24 =	sadd.s32 $0x1, s24;
	v17 =	vadd.f32 v18, v17  }
0x17b: {  	p1 =	seq.s32 s25, s24;
	v18 =	vand.u32 $0x7FFFFF80, v19  }
0x17c: {  	v19 =	vand.u32 $0x7F, v19;
	v18 =	vadd.s32 v13, v18;
	[tilespmem:v15+s5+$0x14880] =	vst.idx.msk $0xffff, v17  }
0x17d: {  	p2 =	sne.s32 s7, $0x0;
	v15 =	vor.u32 v19, v18;
	[tilespmem:v16+s14+$0x0] =	vst.idx.msk $0x1, v14  }
0x17e: {  	s4 =	sshll.u32 @!p2 s4, $0x7;
	s5 =	simm.s32 @!p2 $0x5;
	(ifvalue) =	ssetifvalue @!p2 $0xFFFFFFFF  }
0x17f: {  	s2 =	simm.s32 @!p2 $0x80;
	s7 =	sadd.s32 @!p2 $0x1C880, s4;
	(ifvalue) =	ssetifvalue @!p2 $0xFFFFFFFF  }
0x180: {  	[hbm4b:s10+s2] =	stream.indirect.scatter @!p2 [tilespmem:s15], [sflag:$0x5], $0x80, s7, s2, $0x40b8;
	[tilespmem:$0x1C980] =	vst v63  }
0x181: {  	_ =	swait.ge @!p2 [sflag:s5], $0x4000  }
0x182: {  	[sflag:s5] =	ssyncset.done @!p2 $0x0  }
0x183: {  	v14 =	vimm.s32 @!p2 $0xFFFFFFFF;
	[sflag:s5] =	ssyncadd.s32 @!p2 $0xFFFFC000  }
0x184: {  	[tilespmem:s4+$0x1C880] =	vst @!p2 v14  }
0x185: {  	[tilespmem:s4+$0x1C8F0] =	vst @!p2 v14  }
0x186: {  	[tilespmem:s4+$0x1C8E0] =	vst @!p2 v14  }
0x187: {  	[tilespmem:s4+$0x1C8D0] =	vst @!p2 v14  }
0x188: {  	[tilespmem:s4+$0x1C8C0] =	vst @!p2 v14  }
0x189: {  	[tilespmem:s4+$0x1C8B0] =	vst @!p2 v14  }
0x18a: {  	[tilespmem:s4+$0x1C8A0] =	vst @!p2 v14  }
0x18b: {  	[tilespmem:s4+$0x1C890] =	vst @!p2 v14  }
0x18c: {  	v14 =	vld.idx.msk [tilespmem:v15+s6+$0x0], $0xffff;
	_ =	sdelay $0x5  }
0x18d: {  	(v2sf) =	vpush v14, $0x0;
	_ =	sdelay $0xe  }
0x18e: {  	s2 =	spop (v2sf)  }
0x18f: {  	v14 =	vld [tilespmem:s2+$0x1000];
	_ =	sdelay $0x4  }
0x190: {  	(v2sf) =	vpush v14, $0x0;
	_ =	sdelay $0x6  }
0x191: {  	s5 =	sadd.s32 s3, s17;
	s3 =	smov.u32 s8  }
0x192: {  	s8 =	sand.u32 $0x7F, s5;
	s4 =	sshrl.u32 s5, $0x7  }
0x193: {  	s5 =	sadd.s32 $0x1, s5;
	s4 =	sand.u32 $0x1, s4;
	v14 =	vmov s8  }
0x194: {  	s7 =	sand.u32 $0x7F, s5;
	s15 =	sshll.u32 s4, $0x7;
	v14 =	vshll.u32 v14, $0x7  }
0x195: {  	s15 =	sor.u32 s8, s15;
	v15 =	vbroadcast v14, $0x0;
	_ =	sdelay $0x1  }
0x196: {  	v16 =	vor.u32 v0, v15;
	_ =	sdelay $0x1  }
0x197: {  	s5 =	spop (v2sf)  }
0x198: {  	s8 =	sand.u32 $0x7F, s5;
	v14 =	vld.msk [tilespmem:s2+$0x2100 ss:$0x0], $0xffff  }
0x199: {  	s5 =	sshll.u32 s4, $0xE;
	v17 =	vor.u32 s8, v2;
	_ =	sdelay $0x4  }
0x19a: {  	v18 =	vld.idx.msk [tilespmem:v17+s20+$0x0], $0xffff;
	_ =	sdelay $0x4  }
0x19b: {  	v19 =	vld.msk [tilespmem:s2+$0x1880 ss:$0x0], $0xffff  }
0x19c: {  	[tilespmem:v16+s5+$0x14880] =	vst.idx.msk $0xffff, v18  }
0x19d: {  	v16 =	vld.idx.msk [tilespmem:v17+s22+$0x0], $0xffff;
	_ =	sdelay $0x1  }
0x19e: {  	v18 =	vld.idx.msk [tilespmem:v17+s23+$0x0], $0xffff;
	_ =	sdelay $0x3  }
0x19f: {  	v16 =	vmul.f32 v16, v19;
	_ =	sdelay $0x1  }
0x1a0: {  	v16 =	vadd.f32 v18, v16;
	_ =	sdelay $0x1  }
0x1a1: {  	v16 =	vmul.f32 $1.591549370e-01, v16;
	_ =	sdelay $0x1  }
0x1a2: {  	vm2 =	vge.f32 v16, $0.0e+00  }
0x1a3: {  	v18 =	vsel vm2, $0x3F000000, v7  }
0x1a4: {  	v18 =	vadd.f32 v18, v16;
	_ =	sdelay $0x1  }
0x1a5: {  	v18 =	vtrunc.f32 v18  }
0x1a6: {  	v18 =	vcvt.f32.s32 v18;
	_ =	sdelay $0x1  }
0x1a7: {  	v18 =	vcvt.s32.f32 v18;
	_ =	sdelay $0x1  }
0x1a8: {  	v16 =	vsub.f32 v16, v18;
	_ =	sdelay $0x1  }
0x1a9: {  	v18 =	vmul.f32 v16, v16;
	_ =	sdelay $0x1  }
0x1aa: {  	v20 =	vmul.f32 $3.199699880e+00, v18;
	_ =	sdelay $0x1  }
0x1ab: {  	v20 =	vadd.f32 $-1.486861610e+01, v20;
	_ =	sdelay $0x1  }
0x1ac: {  	v20 =	vmul.f32 v20, v18;
	_ =	sdelay $0x1  }
0x1ad: {  	v20 =	vadd.f32 $4.201616670e+01, v20;
	_ =	sdelay $0x1  }
0x1ae: {  	v20 =	vmul.f32 v20, v18;
	_ =	sdelay $0x1  }
0x1af: {  	v20 =	vadd.f32 $-7.670155330e+01, v20;
	_ =	sdelay $0x1  }
0x1b0: {  	v20 =	vmul.f32 v20, v18;
	_ =	sdelay $0x1  }
0x1b1: {  	v20 =	vadd.f32 $8.160502620e+01, v20  }
0x1b2: {  	v21 =	vor.u32 v8, v15  }
0x1b3: {  	v20 =	vmul.f32 v20, v18  }
0x1b4: {  	v22 =	vor.u32 s8, v6  }
0x1b5: {  	v20 =	vadd.f32 $-4.134169770e+01, v20;
	_ =	sdelay $0x1  }
0x1b6: {  	v18 =	vmul.f32 v20, v18;
	v17 =	vld.idx.msk [tilespmem:v17+s21+$0x0], $0xffff;
	_ =	sdelay $0x1  }
0x1b7: {  	v18 =	vadd.f32 $6.283185480e+00, v18;
	v20 =	vld.idx.msk [tilespmem:v22+s20+$0x0], $0xffff;
	v22 =	vor.u32 v10, v15;
	_ =	sdelay $0x1  }
0x1b8: {  	v16 =	vmul.f32 v18, v16;
	_ =	sdelay $0x1  }
0x1b9: {  	v16 =	vmul.f32 v16, v17;
	v17 =	vor.u32 s8, v9;
	_ =	sdelay $0x1  }
0x1ba: {  	v16 =	vadd.f32 v16, v20;
	_ =	sdelay $0x1  }
0x1bb: {  	[tilespmem:v21+s5+$0x14880] =	vst.idx.msk $0xffff, v16  }
0x1bc: {  	v16 =	vld.idx.msk [tilespmem:v17+s20+$0x0], $0xffff;
	_ =	sdelay $0x5  }
0x1bd: {  	[tilespmem:v22+s5+$0x14880] =	vst.idx.msk $0xffff, v16  }
0x1be: {  	v16 =	vld.idx.msk [tilespmem:v17+s22+$0x0], $0xffff;
	_ =	sdelay $0x1  }
0x1bf: {  	v18 =	vld.idx.msk [tilespmem:v17+s23+$0x0], $0xffff;
	_ =	sdelay $0x3  }
0x1c0: {  	v16 =	vmul.f32 v16, v19;
	_ =	sdelay $0x1  }
0x1c1: {  	v16 =	vadd.f32 v18, v16;
	_ =	sdelay $0x1  }
0x1c2: {  	v16 =	vmul.f32 $1.591549370e-01, v16;
	_ =	sdelay $0x1  }
0x1c3: {  	vm2 =	vge.f32 v16, $0.0e+00  }
0x1c4: {  	v18 =	vsel vm2, $0x3F000000, v7  }
0x1c5: {  	v18 =	vadd.f32 v18, v16;
	_ =	sdelay $0x1  }
0x1c6: {  	v18 =	vtrunc.f32 v18  }
0x1c7: {  	v18 =	vcvt.f32.s32 v18;
	_ =	sdelay $0x1  }
0x1c8: {  	v18 =	vcvt.s32.f32 v18;
	_ =	sdelay $0x1  }
0x1c9: {  	v18 =	vsub.f32 v16, v18;
	_ =	sdelay $0x1  }
0x1ca: {  	v19 =	vmul.f32 v18, v18;
	_ =	sdelay $0x1  }
0x1cb: {  	v16 =	vmul.f32 $3.199699880e+00, v19;
	_ =	sdelay $0x1  }
0x1cc: {  	v16 =	vadd.f32 $-1.486861610e+01, v16;
	_ =	sdelay $0x1  }
0x1cd: {  	v16 =	vmul.f32 v16, v19;
	_ =	sdelay $0x1  }
0x1ce: {  	v16 =	vadd.f32 $4.201616670e+01, v16;
	_ =	sdelay $0x1  }
0x1cf: {  	v16 =	vmul.f32 v16, v19;
	_ =	sdelay $0x1  }
0x1d0: {  	v16 =	vadd.f32 $-7.670155330e+01, v16;
	_ =	sdelay $0x1  }
0x1d1: {  	v16 =	vmul.f32 v16, v19;
	_ =	sdelay $0x1  }
0x1d2: {  	v16 =	vadd.f32 $8.160502620e+01, v16  }
0x1d3: {  	v15 =	vor.u32 v12, v15  }
0x1d4: {  	v20 =	vmul.f32 v16, v19;
	v16 =	vmov s15  }
0x1d5: {  	v21 =	vor.u32 s8, v11  }
0x1d6: {  	v20 =	vadd.f32 $-4.134169770e+01, v20;
	_ =	sdelay $0x1  }
0x1d7: {  	v19 =	vmul.f32 v20, v19;
	v22 =	vld.idx.msk [tilespmem:v17+s21+$0x0], $0xffff;
	_ =	sdelay $0x1  }
.Ltmp12:
0x1d8: {  	v19 =	vadd.f32 $6.283185480e+00, v19;
	v17 =	vld.idx.msk [tilespmem:v21+s20+$0x0], $0xffff;
	(pc) =	sbr.rel @!p1 .LBB2_18-.Ltmp12, $3  }
0x1d9: {  	s15 =	sadd.s32 $0x14880, s5  }
0x1da: {  	v18 =	vmul.f32 v19, v18;
	_ =	sdelay $0x1  }
0x1db: {  	v18 =	vmul.f32 v18, v22  }
0x1dc: {  	s8 =	smov.u32 s3  }
.LBB2_20:
0x1dd: {  	_ =	sdelay $0x1  }
0x1de: {  	v17 =	vadd.f32 @p0 v18, v17;
	_ =	sdelay $0x1  }
0x1df: {  	p1 =	sne.s32 @p0 s7, $0x0;
	[tilespmem:v15+s5+$0x14880] =	vst.idx.msk @p0 $0xffff, v17  }
0x1e0: {  	[tilespmem:v16+s14+$0x0] =	vst.idx.msk @p0 $0x1, v14;
	p0 =	por p1, !p0  }
0x1e1: {  	s2 =	sshll.u32 @!p0 s4, $0x7;
	(ifvalue) =	ssetifvalue @!p0 $0xFFFFFFFF;
	s3 =	simm.s32 @!p0 $0x5  }
0x1e2: {  	s5 =	simm.s32 @!p0 $0x80;
	s4 =	sadd.s32 @!p0 $0x1C880, s2;
	(ifvalue) =	ssetifvalue @!p0 $0xFFFFFFFF  }
0x1e3: {  	[hbm4b:s10+s5] =	stream.indirect.scatter @!p0 [tilespmem:s15], [sflag:$0x5], $0x80, s4, s5, $0x40b8;
	[tilespmem:$0x1C980] =	vst v63  }
0x1e4: {  	_ =	swait.ge @!p0 [sflag:s3], $0x4000  }
0x1e5: {  	[sflag:s3] =	ssyncset.done @!p0 $0x0  }
0x1e6: {  	v14 =	vimm.s32 @!p0 $0xFFFFFFFF;
	[sflag:s3] =	ssyncadd.s32 @!p0 $0xFFFFC000  }
0x1e7: {  	v15 =	vmov s8;
	[tilespmem:s2+$0x1C880] =	vst @!p0 v14  }
0x1e8: {  	v52 =	vand.u32 $0x7FFFFF80, v15;
	[tilespmem:s2+$0x1C8F0] =	vst @!p0 v14  }
0x1e9: {  	v15 =	vand.u32 $0x7F, v15;
	v13 =	vadd.s32 v13, v52;
	[tilespmem:s2+$0x1C8E0] =	vst @!p0 v14  }
0x1ea: {  	v13 =	vor.u32 v15, v13;
	[tilespmem:s2+$0x1C8D0] =	vst @!p0 v14  }
0x1eb: {  	[tilespmem:s2+$0x1C8C0] =	vst @!p0 v14  }
0x1ec: {  	[tilespmem:s2+$0x1C8B0] =	vst @!p0 v14  }
0x1ed: {  	[tilespmem:s2+$0x1C8A0] =	vst @!p0 v14  }
0x1ee: {  	[tilespmem:s2+$0x1C890] =	vst @!p0 v14  }
0x1ef: {  	v13 =	vld.idx.msk [tilespmem:v13+s6+$0x0], $0xffff;
	_ =	sdelay $0x4  }
0x1f0: {  	(v2sf) =	vpush v13, $0x0;
	_ =	sdelay $0xe  }
0x1f1: {  	s2 =	spop (v2sf)  }
0x1f2: {  	v13 =	vld [tilespmem:s2+$0x1000];
	_ =	sdelay $0x4  }
0x1f3: {  	(v2sf) =	vpush v13, $0x0;
	_ =	sdelay $0xe  }
0x1f4: {  	s25 =	spop (v2sf)  }
0x1f5: {  	s3 =	sadd.s32 s8, s17;
	s5 =	sand.u32 $0x7F, s25  }
0x1f6: {  	s25 =	sand.u32 $0x7F, s3;
	v13 =	vor.u32 s5, v2  }
0x1f7: {  	v14 =	vmov s25  }
0x1f8: {  	v14 =	vshll.u32 v14, $0x7  }
0x1f9: {  	v14 =	vbroadcast v14, $0x0;
	_ =	sdelay $0x1  }
0x1fa: {  	v15 =	vor.u32 v0, v14;
	v53 =	vld.idx.msk [tilespmem:v13+s20+$0x0], $0xffff;
	_ =	sdelay $0x1  }
0x1fb: {  	s7 =	sshrl.u32 s3, $0x7  }
0x1fc: {  	s4 =	sand.u32 $0x1, s7  }
0x1fd: {  	s15 =	sshll.u32 s4, $0xE;
	v54 =	vld.msk [tilespmem:s2+$0x2100 ss:$0x0], $0xffff  }
0x1fe: {  	v55 =	vld.msk [tilespmem:s2+$0x1880 ss:$0x0], $0xffff;
	[tilespmem:v15+s15+$0x14880] =	vst.idx.msk $0xffff, v53  }
0x1ff: {  	v15 =	vld.idx.msk [tilespmem:v13+s22+$0x0], $0xffff;
	_ =	sdelay $0x1  }
0x200: {  	v16 =	vld.idx.msk [tilespmem:v13+s23+$0x0], $0xffff;
	_ =	sdelay $0x2  }
0x201: {  	v15 =	vmul.f32 v15, v55;
	_ =	sdelay $0x1  }
0x202: {  	v15 =	vadd.f32 v16, v15;
	_ =	sdelay $0x1  }
0x203: {  	v15 =	vmul.f32 $1.591549370e-01, v15;
	_ =	sdelay $0x1  }
0x204: {  	vm2 =	vge.f32 v15, $0.0e+00  }
0x205: {  	v56 =	vsel vm2, $0x3F000000, v7  }
0x206: {  	v16 =	vadd.f32 v56, v15;
	_ =	sdelay $0x1  }
0x207: {  	v16 =	vtrunc.f32 v16  }
0x208: {  	v16 =	vcvt.f32.s32 v16;
	_ =	sdelay $0x1  }
0x209: {  	v16 =	vcvt.s32.f32 v16;
	_ =	sdelay $0x1  }
0x20a: {  	v15 =	vsub.f32 v15, v16;
	_ =	sdelay $0x1  }
0x20b: {  	v16 =	vmul.f32 v15, v15;
	_ =	sdelay $0x1  }
0x20c: {  	v19 =	vmul.f32 $3.199699880e+00, v16;
	_ =	sdelay $0x1  }
0x20d: {  	v19 =	vadd.f32 $-1.486861610e+01, v19;
	_ =	sdelay $0x1  }
0x20e: {  	v19 =	vmul.f32 v19, v16;
	_ =	sdelay $0x1  }
0x20f: {  	v19 =	vadd.f32 $4.201616670e+01, v19;
	_ =	sdelay $0x1  }
0x210: {  	v19 =	vmul.f32 v19, v16;
	_ =	sdelay $0x1  }
0x211: {  	v19 =	vadd.f32 $-7.670155330e+01, v19;
	_ =	sdelay $0x1  }
0x212: {  	v19 =	vmul.f32 v19, v16;
	_ =	sdelay $0x1  }
0x213: {  	v19 =	vadd.f32 $8.160502620e+01, v19;
	_ =	sdelay $0x1  }
0x214: {  	v19 =	vmul.f32 v19, v16;
	_ =	sdelay $0x1  }
0x215: {  	v20 =	vor.u32 s5, v6;
	v19 =	vadd.f32 $-4.134169770e+01, v19;
	_ =	sdelay $0x1  }
0x216: {  	v16 =	vmul.f32 v19, v16  }
0x217: {  	v13 =	vld.idx.msk [tilespmem:v13+s21+$0x0], $0xffff  }
0x218: {  	v16 =	vadd.f32 $6.283185480e+00, v16  }
0x219: {  	v57 =	vld.idx.msk [tilespmem:v20+s20+$0x0], $0xffff  }
0x21a: {  	v15 =	vmul.f32 v16, v15  }
0x21b: {  	v58 =	vor.u32 v8, v14  }
0x21c: {  	v13 =	vmul.f32 v15, v13;
	v15 =	vor.u32 s5, v9;
	_ =	sdelay $0x1  }
0x21d: {  	v13 =	vadd.f32 v13, v57;
	_ =	sdelay $0x1  }
0x21e: {  	[tilespmem:v58+s15+$0x14880] =	vst.idx.msk $0xffff, v13  }
0x21f: {  	v13 =	vor.u32 v10, v14;
	v16 =	vld.idx.msk [tilespmem:v15+s20+$0x0], $0xffff;
	_ =	sdelay $0x4  }
0x220: {  	[tilespmem:v13+s15+$0x14880] =	vst.idx.msk $0xffff, v16  }
0x221: {  	v13 =	vld.idx.msk [tilespmem:v15+s22+$0x0], $0xffff;
	_ =	sdelay $0x1  }
0x222: {  	v16 =	vld.idx.msk [tilespmem:v15+s23+$0x0], $0xffff;
	_ =	sdelay $0x2  }
0x223: {  	v13 =	vmul.f32 v13, v55;
	_ =	sdelay $0x1  }
0x224: {  	v13 =	vadd.f32 v16, v13;
	_ =	sdelay $0x1  }
0x225: {  	v13 =	vmul.f32 $1.591549370e-01, v13;
	_ =	sdelay $0x1  }
0x226: {  	vm2 =	vge.f32 v13, $0.0e+00  }
0x227: {  	v59 =	vsel vm2, $0x3F000000, v7  }
0x228: {  	v16 =	vadd.f32 v59, v13;
	_ =	sdelay $0x1  }
0x229: {  	v16 =	vtrunc.f32 v16  }
0x22a: {  	v16 =	vcvt.f32.s32 v16;
	_ =	sdelay $0x1  }
0x22b: {  	v16 =	vcvt.s32.f32 v16;
	_ =	sdelay $0x1  }
0x22c: {  	v13 =	vsub.f32 v13, v16;
	_ =	sdelay $0x1  }
0x22d: {  	v16 =	vmul.f32 v13, v13;
	_ =	sdelay $0x1  }
0x22e: {  	v60 =	vmul.f32 $3.199699880e+00, v16;
	_ =	sdelay $0x1  }
0x22f: {  	v18 =	vadd.f32 $-1.486861610e+01, v60;
	_ =	sdelay $0x1  }
0x230: {  	v18 =	vmul.f32 v18, v16;
	_ =	sdelay $0x1  }
0x231: {  	v18 =	vadd.f32 $4.201616670e+01, v18;
	_ =	sdelay $0x1  }
0x232: {  	v18 =	vmul.f32 v18, v16;
	_ =	sdelay $0x1  }
0x233: {  	v18 =	vadd.f32 $-7.670155330e+01, v18;
	_ =	sdelay $0x1  }
0x234: {  	v18 =	vmul.f32 v18, v16;
	_ =	sdelay $0x1  }
0x235: {  	v18 =	vadd.f32 $8.160502620e+01, v18;
	_ =	sdelay $0x1  }
0x236: {  	v18 =	vmul.f32 v18, v16;
	_ =	sdelay $0x1  }
0x237: {  	v61 =	vor.u32 s5, v11;
	v18 =	vadd.f32 $-4.134169770e+01, v18;
	_ =	sdelay $0x1  }
0x238: {  	v16 =	vmul.f32 v18, v16  }
0x239: {  	v15 =	vld.idx.msk [tilespmem:v15+s21+$0x0], $0xffff  }
0x23a: {  	v16 =	vadd.f32 $6.283185480e+00, v16  }
0x23b: {  	v62 =	vld.idx.msk [tilespmem:v61+s20+$0x0], $0xffff  }
0x23c: {  	s23 =	sshll.u32 s4, $0x7;
	v13 =	vmul.f32 v16, v13  }
0x23d: {  	v14 =	vor.u32 v12, v14;
	s2 =	sor.u32 s25, s23  }
0x23e: {  	v63 =	vmov s2;
	v13 =	vmul.f32 v13, v15;
	_ =	sdelay $0x1  }
0x23f: {  	s25 =	sadd.s32 $0x1, s3;
	v13 =	vadd.f32 v13, v62  }
0x240: {  	s2 =	sand.u32 $0x7F, s25  }
0x241: {  	s3 =	sadd.s32 $0x14880, s15;
	p0 =	sne.s32 s2, $0x0;
	[tilespmem:v14+s15+$0x14880] =	vst.idx.msk $0xffff, v13  }
0x242: {  	s2 =	sshll.u32 @!p0 s4, $0x7;
	s4 =	simm.s32 @!p0 $0x5;
	[tilespmem:v63+s14+$0x0] =	vst.idx.msk $0x1, v54;
	(ifvalue) =	ssetifvalue @!p0 $0xFFFFFFFF  }
0x243: {  	s7 =	simm.s32 @!p0 $0x80;
	s5 =	sadd.s32 @!p0 $0x1C880, s2;
	(ifvalue) =	ssetifvalue @!p0 $0xFFFFFFFF  }
0x244: {  	[hbm4b:s10+s7] =	stream.indirect.scatter @!p0 [tilespmem:s3], [sflag:$0x5], $0x80, s5, s7, $0x40b8;
	[tilespmem:$0x1C980] =	vst v63  }
0x245: {  	_ =	swait.ge @!p0 [sflag:s4], $0x4000  }
0x246: {  	[sflag:s4] =	ssyncset.done @!p0 $0x0  }
0x247: {  	v13 =	vimm.s32 @!p0 $0xFFFFFFFF;
	[sflag:s4] =	ssyncadd.s32 @!p0 $0xFFFFC000  }
0x248: {  	[tilespmem:s2+$0x1C880] =	vst @!p0 v13  }
0x249: {  	[tilespmem:s2+$0x1C8F0] =	vst @!p0 v13  }
0x24a: {  	[tilespmem:s2+$0x1C8E0] =	vst @!p0 v13  }
0x24b: {  	[tilespmem:s2+$0x1C8D0] =	vst @!p0 v13  }
0x24c: {  	[tilespmem:s2+$0x1C8C0] =	vst @!p0 v13  }
0x24d: {  	[tilespmem:s2+$0x1C8B0] =	vst @!p0 v13  }
0x24e: {  	[tilespmem:s2+$0x1C8A0] =	vst @!p0 v13  }
0x24f: {  	[tilespmem:s2+$0x1C890] =	vst @!p0 v13  }
.Ltmp13:
0x250: {  	(pc) =	sbr.rel .LBB2_12-.Ltmp13, $2  }
0x251: {  	_ =	sdelay $0x2  }
0x252: {  	s17 =	sadd.s32 s24, s17  }
.LBB2_15:
.Ltmp14:
0x253: {  	(pc) =	sbr.rel .LBB2_20-.Ltmp14, $2  }
0x254: {  	_ =	sdelay $0x2  }
0x255: {  	s24 =	simm.s32 $0x1  }
.LBB2_17:
.Ltmp15:
0x256: {  	(pc) =	sbr.rel .LBB2_20-.Ltmp15, $2  }
0x257: {  	_ =	sdelay $0x2  }
0x258: {  	s8 =	simm.s32 $0x1  }
.LBB2_23:
0x259: {  	_ =	sfence.sel $0x180000  }
0x25a: {  	[bflag:$0x0] =	sbarrier.arrive $0xFFFF  }
0x25b: {  	_ =	strace $0x90000047  }
0x25c: {  	s0 =	stileid.u32;
	[bflag:$0x2] =	sbarrier.arrive $0xFFFF  }
0x25d: {  	p0 =	sne.s32 s0, $0x0;
	s0 =	rddreg [dreg:$0x7]  }
0x25e: {  	s0 =	sadd.s32 @!p0 $0x100000, s0  }
0x25f: {  	[sflag:s0] =	ssyncadd.tile.s32 @!p0 $0x1;
	_ =	shalt  }
.Lfunc_end2:
_tile_overlayer_lowered:
.L_overlay_start_2:
0x260: {  	(tag) =	ssettag $0x2  }
0x261: {  	s0 =	rddreg [dreg:$0x0];
	s2 =	stileid.u32  }
0x262: {  	s1 =	rddreg [dreg:$0x1];
	p0 =	sne.s32 s2, $0x0  }
0x263: {  	s3 =	rddreg [dreg:$0x2];
	[bflag:$0x3] =	sbarrier.arrive $0xFFFF;
	s2 =	simm.s32 @!p0 $0x1C07  }
0x264: {  	[timem:s3], [sflag:s2] =	dma.local @!p0 [hbm:s0], s1  }
0x265: {  	s0 =	simm.s32 @!p0 $0x7  }
0x266: {  	_ =	swait.ge @!p0 [sflag:s0], s1  }
0x267: {  	s1 =	ssub.s32 @!p0 $0x0, s1;
	[sflag:s0] =	ssyncset.done @!p0 $0x0  }
0x268: {  	[sflag:s0] =	ssyncadd.s32 @!p0 s1  }
0x269: {  	[bflag:$0x3] =	sbarrier.arrive $0xFFFF  }
0x26a: {  	_ =	shalt  }

</sc_bundles>
